<compile_context>
chip_gen: v7x
topology: tpu7x:2x2x1
jax: 0.10.2.dev20260603
libtpu: 0.0.44.dev20260713+nightly
codegen_flags: <defaults>
</compile_context>

<pallas_src>
import functools
import jax
import jax.numpy as jnp
from jax import lax
from jax.experimental import pallas as pl
from jax.experimental.pallas import tpu as pltpu, tpu_sc as plsc

N = 10000
D = 256
DH = D // 2
E = 160000

NC = 2
NS = 16
HALF = N // NC
TPT = 320
ACC_ROWS = NS * TPT
DUMMY = HALF

BATCH = 128
E_PER_TILE = 10240
E_PAD = NS * E_PER_TILE
NB = E_PER_TILE // BATCH


def _sc_aggregate(r_lo, r_hi, src, dst, zeros):
    mesh = plsc.VectorSubcoreMesh(core_axis_name="c", subcore_axis_name="s")

    @functools.partial(
        pl.kernel,
        out_type=[jax.ShapeDtypeStruct((NC * ACC_ROWS, DH), jnp.float32)] * 2,
        mesh=mesh,
        scratch_types=[
            pltpu.VMEM((E_PER_TILE,), jnp.int32),
            pltpu.VMEM((E_PER_TILE,), jnp.int32),
            pltpu.VMEM((BATCH,), jnp.int32),
            pltpu.VMEM((BATCH, DH), jnp.float32),
            pltpu.VMEM_SHARED((ACC_ROWS, DH), jnp.float32),
            pltpu.SemaphoreType.DMA,
        ],
    )
    def k(rlo_hbm, rhi_hbm, src_hbm, dst_hbm, zeros_hbm, outlo_hbm, outhi_hbm,
          src_v, dst_v, idx_v, rows_v, acc, sem):
        c = lax.axis_index("c")
        s = lax.axis_index("s")
        lo = c * HALF

        base = s * E_PER_TILE
        pltpu.sync_copy(src_hbm.at[pl.ds(base, E_PER_TILE)], src_v)
        pltpu.sync_copy(dst_hbm.at[pl.ds(base, E_PER_TILE)], dst_v)

        for r_hbm, out_hbm in ((rlo_hbm, outlo_hbm), (rhi_hbm, outhi_hbm)):
            pltpu.sync_copy(zeros_hbm, acc.at[pl.ds(s * TPT, TPT)])
            plsc.subcore_barrier()

            def body(b, carry):
                eb = b * BATCH
                for g in range(BATCH // 16):
                    d = dst_v[pl.ds(eb + g * 16, 16)]
                    inr = (d >= lo) & (d < lo + HALF)
                    idx_v[pl.ds(g * 16, 16)] = jnp.where(inr, d - lo, DUMMY)
                pltpu.async_copy(r_hbm.at[src_v.at[pl.ds(eb, BATCH)]],
                                 rows_v, sem).wait()
                pltpu.sync_copy(rows_v, acc.at[idx_v], add=True)
                return carry

            lax.fori_loop(0, NB, body, None)
            plsc.subcore_barrier()

            pltpu.sync_copy(acc.at[pl.ds(s * TPT, TPT)],
                            out_hbm.at[pl.ds(c * ACC_ROWS + s * TPT, TPT)])
            plsc.subcore_barrier()

    return k(r_lo, r_hi, src, dst, zeros)


def _relu_body(x_ref, lo_ref, hi_ref):
    r = jnp.maximum(x_ref[...], 0.0)
    lo_ref[...] = r[:, :DH]
    hi_ref[...] = r[:, DH:]


def _relu_tc(x):
    blk = N // 10
    return pl.pallas_call(
        _relu_body,
        out_shape=[jax.ShapeDtypeStruct((N, DH), jnp.float32)] * 2,
        grid=(10,),
        in_specs=[pl.BlockSpec((blk, D), lambda i: (i, 0))],
        out_specs=[pl.BlockSpec((blk, DH), lambda i: (i, 0))] * 2,
    )(x)


def _mlp_tc(h, aggr, w1, b1, w2, b2, do_elu, want_relu):
    blk = N // 10
    n_out = 3 if want_relu else 1
    out_shape = [jax.ShapeDtypeStruct((N, D), jnp.float32)]
    out_specs = [pl.BlockSpec((blk, D), lambda i: (i, 0))]
    if want_relu:
        out_shape += [jax.ShapeDtypeStruct((N, DH), jnp.float32)] * 2
        out_specs += [pl.BlockSpec((blk, DH), lambda i: (i, 0))] * 2

    def body(h_ref, a_ref, w1_ref, b1_ref, w2_ref, b2_ref, o_ref, *r_refs):
        y = h_ref[...] + a_ref[...]
        t = jnp.dot(y, w1_ref[...], preferred_element_type=jnp.float32)
        t = jnp.maximum(t + b1_ref[...], 0.0)
        z = jnp.dot(t, w2_ref[...], preferred_element_type=jnp.float32)
        z = z + b2_ref[...]
        if do_elu:
            z = jnp.where(z > 0.0, z, jnp.exp(jnp.minimum(z, 0.0)) - 1.0)
        o_ref[...] = z
        if r_refs:
            r = jnp.maximum(z, 0.0)
            r_refs[0][...] = r[:, :DH]
            r_refs[1][...] = r[:, DH:]

    res = pl.pallas_call(
        body,
        out_shape=out_shape,
        grid=(10,),
        in_specs=[
            pl.BlockSpec((blk, D), lambda i: (i, 0)),
            pl.BlockSpec((blk, D), lambda i: (i, 0)),
            pl.BlockSpec((D, D), lambda i: (0, 0)),
            pl.BlockSpec((1, D), lambda i: (0, 0)),
            pl.BlockSpec((D, D), lambda i: (0, 0)),
            pl.BlockSpec((1, D), lambda i: (0, 0)),
        ],
        out_specs=out_specs,
    )(h, aggr, w1, b1.reshape(1, D), w2, b2.reshape(1, D))
    if want_relu:
        return res[0], res[1], res[2]
    return res[0], None, None


def _assemble_aggr(out_lo, out_hi):
    lo = jnp.concatenate([out_lo[0:HALF], out_lo[ACC_ROWS:ACC_ROWS + HALF]], 0)
    hi = jnp.concatenate([out_hi[0:HALF], out_hi[ACC_ROWS:ACC_ROWS + HALF]], 0)
    return jnp.concatenate([lo, hi], axis=1)


def kernel(x, edge_index, W11, b11, W12, b12, W21, b21, W22, b22, W31, b31,
           W32, b32):
    src = jnp.pad(edge_index[0], (0, E_PAD - E))
    dst = jnp.pad(edge_index[1], (0, E_PAD - E), constant_values=N)
    zeros = jnp.zeros((TPT, DH), jnp.float32)

    r_lo, r_hi = _relu_tc(x)
    aggr = _assemble_aggr(*_sc_aggregate(r_lo, r_hi, src, dst, zeros))
    h, r_lo, r_hi = _mlp_tc(x, aggr, W11, b11, W12, b12,
                            do_elu=True, want_relu=True)

    aggr = _assemble_aggr(*_sc_aggregate(r_lo, r_hi, src, dst, zeros))
    h, r_lo, r_hi = _mlp_tc(h, aggr, W21, b21, W22, b22,
                            do_elu=True, want_relu=True)

    aggr = _assemble_aggr(*_sc_aggregate(r_lo, r_hi, src, dst, zeros))
    h, _, _ = _mlp_tc(h, aggr, W31, b31, W32, b32,
                      do_elu=False, want_relu=False)
    return h

# --- scband reference (transcript-rebuilt; emitter-appended) ---
"""Pipeline reference for scband-gincn-63204738728374 (READ-ONLY COPY).

The authoritative reference and input builder live on the scoring server;
editing this copy changes nothing except your own understanding.
"""

import jax, jax.numpy as jnp
import numpy as np

N = 10000
E = 160000
D_IN = 256
D_HID = 256
D_OUT = 256


def _linear_params(key, d_in, d_out):
    k1, k2 = jax.random.split(key)
    bound = 1.0 / np.sqrt(d_in)
    W = jax.random.uniform(k1, (d_in, d_out), dtype=jnp.float32, minval=-bound, maxval=bound)
    b = jax.random.uniform(k2, (d_out,), dtype=jnp.float32, minval=-bound, maxval=bound)
    return W, b


def setup_inputs(seed: int = 0):
    key = jax.random.key(seed)
    ks = jax.random.split(key, 8)
    x = jax.random.normal(ks[0], (N, D_IN), dtype=jnp.float32)
    edge_index = jax.random.randint(ks[1], (2, E), 0, N, dtype=jnp.int32)
    W11, b11 = _linear_params(ks[2], D_IN, D_HID)
    W12, b12 = _linear_params(ks[3], D_HID, D_HID)
    W21, b21 = _linear_params(ks[4], D_HID, D_HID)
    W22, b22 = _linear_params(ks[5], D_HID, D_HID)
    W31, b31 = _linear_params(ks[6], D_HID, D_OUT)
    W32, b32 = _linear_params(ks[7], D_OUT, D_OUT)
    return {"x": x, "edge_index": edge_index,
            "W11": W11, "b11": b11, "W12": W12, "b12": b12,
            "W21": W21, "b21": b21, "W22": W22, "b22": b22,
            "W31": W31, "b31": b31, "W32": W32, "b32": b32}


def _gine_conv(x, edge_index, W1, b1, W2, b2):
    # GINEConv with eps=0 and edge_attr absent (treated as zero):
    # aggr = sum_{j in N(i)} relu(x_j); out = MLP((1+eps)*x_i + aggr)
    src = edge_index[0]
    dst = edge_index[1]
    msg = jax.nn.relu(jnp.take(x, src, axis=0))
    aggr = jax.ops.segment_sum(msg, dst, num_segments=x.shape[0])
    h = x + aggr
    h = h @ W1 + b1
    h = jax.nn.relu(h)
    h = h @ W2 + b2
    return h


def reference(x, edge_index, W11, b11, W12, b12, W21, b21, W22, b22, W31, b31, W32, b32):
    h = _gine_conv(x, edge_index, W11, b11, W12, b12)
    h = jax.nn.elu(h)
    # dropout p=0.0 -> identity
    h = _gine_conv(h, edge_index, W21, b21, W22, b22)
    h = jax.nn.elu(h)
    h = _gine_conv(h, edge_index, W31, b31, W32, b32)
    return h

if __name__ == "__main__":
    import jax
    _d = setup_inputs()
    print(jax.jit(kernel)(*tuple(_d.values())))

</pallas_src>

<mosaic_0001>
#map = affine_map<(d0, d1) -> (0, 0)>
#map1 = affine_map<(d0, d1) -> (0)>
module attributes {stable_mosaic.version = 14 : i64} {
  func.func @k(%arg0: i32, %arg1: i32, %arg2: memref<10000x128xf32, #tpu.memory_space<hbm>>, %arg3: memref<10000x128xf32, #tpu.memory_space<hbm>>, %arg4: memref<163840xi32, #tpu.memory_space<hbm>>, %arg5: memref<163840xi32, #tpu.memory_space<hbm>>, %arg6: memref<320x128xf32, #tpu.memory_space<hbm>>, %arg7: memref<10240x128xf32, #tpu.memory_space<hbm>>, %arg8: memref<10240x128xf32, #tpu.memory_space<hbm>>, %arg9: memref<10240xi32, #tpu.memory_space<vmem>>, %arg10: memref<10240xi32, #tpu.memory_space<vmem>>, %arg11: memref<128xi32, #tpu.memory_space<vmem>>, %arg12: memref<128x128xf32, #tpu.memory_space<vmem>>, %arg13: memref<5120x128xf32, #tpu.memory_space<vmem_shared>>, %arg14: memref<!tpu.dma_semaphore, #tpu.memory_space<semaphore_mem>>) attributes {dimension_semantics = [#tpu.dimension_semantics<core_parallel>, #tpu.dimension_semantics<subcore_parallel>], iteration_bounds = array<i64: 2, 16>, scalar_prefetch = 0 : i64, scratch_operands = 6 : i64, tpu.core_type = #tpu.core_type<sc_vector_subcore>, window_params = [{transform_indices = #map}, {transform_indices = #map}, {transform_indices = #map1}, {transform_indices = #map1}, {transform_indices = #map}, {transform_indices = #map}, {transform_indices = #map}]} {
    %mul3A = arith.constant 5000 : i32
    %mul3A_0 = arith.muli %arg0, %mul3A : i32
    %mul3A_1 = arith.constant 10240 : i32
    %mul3A_2 = arith.muli %arg1, %mul3A_1 : i32
    "tpu.region"() ({
      %run_scoped3A = tpu.sem_alloc : memref<!tpu.dma_semaphore, #tpu.memory_space<semaphore_mem>>
      %dma_start3A = tpu.memref_slice %arg4[%mul3A_2] : memref<163840xi32, #tpu.memory_space<hbm>> -> memref<10240xi32, #tpu.memory_space<hbm>>
      %dma_start3A_34 = tpu.memref_slice %arg4[%mul3A_2] : memref<163840xi32, #tpu.memory_space<hbm>> -> memref<10240xi32, #tpu.memory_space<hbm>>
      tpu.enqueue_dma source(%dma_start3A_34 : memref<10240xi32, #tpu.memory_space<hbm>>) target(%arg9 : memref<10240xi32, #tpu.memory_space<vmem>>) target_semaphore(%run_scoped3A : memref<!tpu.dma_semaphore, #tpu.memory_space<semaphore_mem>>)
      %dma_wait3A = tpu.memref_slice %arg4[%mul3A_2] : memref<163840xi32, #tpu.memory_space<hbm>> -> memref<10240xi32, #tpu.memory_space<hbm>>
      %dma_wait3A_35 = tpu.memref_slice %arg4[%mul3A_2] : memref<163840xi32, #tpu.memory_space<hbm>> -> memref<10240xi32, #tpu.memory_space<hbm>>
      tpu.wait_dma2 semaphore(%run_scoped3A : memref<!tpu.dma_semaphore, #tpu.memory_space<semaphore_mem>>) src(%dma_wait3A_35 : memref<10240xi32, #tpu.memory_space<hbm>>) dst(%arg9 : memref<10240xi32, #tpu.memory_space<vmem>>)
      tpu.yield
    }) : () -> ()
    "tpu.region"() ({
      %run_scoped3A = tpu.sem_alloc : memref<!tpu.dma_semaphore, #tpu.memory_space<semaphore_mem>>
      %dma_start3A = tpu.memref_slice %arg5[%mul3A_2] : memref<163840xi32, #tpu.memory_space<hbm>> -> memref<10240xi32, #tpu.memory_space<hbm>>
      %dma_start3A_34 = tpu.memref_slice %arg5[%mul3A_2] : memref<163840xi32, #tpu.memory_space<hbm>> -> memref<10240xi32, #tpu.memory_space<hbm>>
      tpu.enqueue_dma source(%dma_start3A_34 : memref<10240xi32, #tpu.memory_space<hbm>>) target(%arg10 : memref<10240xi32, #tpu.memory_space<vmem>>) target_semaphore(%run_scoped3A : memref<!tpu.dma_semaphore, #tpu.memory_space<semaphore_mem>>)
      %dma_wait3A = tpu.memref_slice %arg5[%mul3A_2] : memref<163840xi32, #tpu.memory_space<hbm>> -> memref<10240xi32, #tpu.memory_space<hbm>>
      %dma_wait3A_35 = tpu.memref_slice %arg5[%mul3A_2] : memref<163840xi32, #tpu.memory_space<hbm>> -> memref<10240xi32, #tpu.memory_space<hbm>>
      tpu.wait_dma2 semaphore(%run_scoped3A : memref<!tpu.dma_semaphore, #tpu.memory_space<semaphore_mem>>) src(%dma_wait3A_35 : memref<10240xi32, #tpu.memory_space<hbm>>) dst(%arg10 : memref<10240xi32, #tpu.memory_space<vmem>>)
      tpu.yield
    }) : () -> ()
    %mul3A_3 = arith.constant 320 : i32
    %mul3A_4 = arith.muli %arg1, %mul3A_3 : i32
    "tpu.region"() ({
      %run_scoped3A = tpu.sem_alloc : memref<!tpu.dma_semaphore, #tpu.memory_space<semaphore_mem>>
      %dma_start3A = arith.constant 0 : i32
      %dma_start3A_34 = tpu.memref_slice %arg13[%mul3A_4, %dma_start3A] : memref<5120x128xf32, #tpu.memory_space<vmem_shared>> -> memref<320x128xf32, #tpu.memory_space<vmem_shared>>
      tpu.enqueue_dma source(%arg6 : memref<320x128xf32, #tpu.memory_space<hbm>>) target(%dma_start3A_34 : memref<320x128xf32, #tpu.memory_space<vmem_shared>>) target_semaphore(%run_scoped3A : memref<!tpu.dma_semaphore, #tpu.memory_space<semaphore_mem>>)
      %dma_wait3A = arith.constant 0 : i32
      %dma_wait3A_35 = tpu.memref_slice %arg13[%mul3A_4, %dma_wait3A] : memref<5120x128xf32, #tpu.memory_space<vmem_shared>> -> memref<320x128xf32, #tpu.memory_space<vmem_shared>>
      tpu.wait_dma2 semaphore(%run_scoped3A : memref<!tpu.dma_semaphore, #tpu.memory_space<semaphore_mem>>) src(%arg6 : memref<320x128xf32, #tpu.memory_space<hbm>>) dst(%dma_wait3A_35 : memref<320x128xf32, #tpu.memory_space<vmem_shared>>)
      tpu.yield
    }) : () -> ()
    %barrier3A = arith.constant 0 : index
    tpu.barrier barrier_id(%barrier3A)
    %scan3A = arith.constant 0 : i32
    %scan3A_5 = arith.constant 80 : i32
    %scan3A_6 = arith.addi %scan3A, %scan3A_5 : i32
    %scan3A_7 = arith.constant 1 : i32
    scf.for %scan3A_34 = %scan3A to %scan3A_6 step %scan3A_7  : i32 {
      %mul3A_35 = arith.constant 128 : i32
      %mul3A_36 = arith.muli %scan3A_34, %mul3A_35 : i32
      %add3A_37 = arith.constant 0 : i32
      %add3A_38 = arith.addi %mul3A_36, %add3A_37 : i32
      %get3A = arith.index_cast %add3A_38 : i32 to index
      %get3A_39 = tpu.vector_load %arg10[%get3A] {strides = array<i32>} : memref<10240xi32, #tpu.memory_space<vmem>>, vector<16xi32>,
      %get3A_40 = vector.shape_cast %get3A_39 : vector<16xi32> to vector<16xi32>
      %ge3A = vector.broadcast %mul3A_0 : i32 to vector<16xi32>
      %ge3A_41 = arith.cmpi sge, %get3A_40, %ge3A : vector<16xi32>
      %add3A_42 = arith.constant 5000 : i32
      %add3A_43 = arith.addi %mul3A_0, %add3A_42 : i32
      %lt3A = vector.broadcast %add3A_43 : i32 to vector<16xi32>
      %lt3A_44 = arith.cmpi slt, %get3A_40, %lt3A : vector<16xi32>
      %and3A = arith.andi %ge3A_41, %lt3A_44 : vector<16xi1>
      %sub3A = vector.broadcast %mul3A_0 : i32 to vector<16xi32>
      %sub3A_45 = arith.subi %get3A_40, %sub3A : vector<16xi32>
      %jit3A = arith.constant 5000 : i32
      %broadcast_in_dim3A = vector.broadcast %jit3A : i32 to vector<16xi32>
      %select_n3A = arith.select %and3A, %sub3A_45, %broadcast_in_dim3A : vector<16xi1>, vector<16xi32>
      %swap3A = arith.constant 0 : index
      %swap3A_46 = tpu.vector_load %arg11[%swap3A] {strides = array<i32>} : memref<128xi32, #tpu.memory_space<vmem>>, vector<16xi32>,
      %swap3A_47 = vector.shape_cast %swap3A_46 : vector<16xi32> to vector<16xi32>
      %swap3A_48 = vector.shape_cast %select_n3A : vector<16xi32> to vector<16xi32>
      tpu.vector_store %arg11[%swap3A], %swap3A_48 {strides = array<i32>} : memref<128xi32, #tpu.memory_space<vmem>>, vector<16xi32>,
      %add3A_49 = arith.constant 16 : i32
      %add3A_50 = arith.addi %mul3A_36, %add3A_49 : i32
      %get3A_51 = arith.index_cast %add3A_50 : i32 to index
      %get3A_52 = tpu.vector_load %arg10[%get3A_51] {strides = array<i32>} : memref<10240xi32, #tpu.memory_space<vmem>>, vector<16xi32>,
      %get3A_53 = vector.shape_cast %get3A_52 : vector<16xi32> to vector<16xi32>
      %ge3A_54 = vector.broadcast %mul3A_0 : i32 to vector<16xi32>
      %ge3A_55 = arith.cmpi sge, %get3A_53, %ge3A_54 : vector<16xi32>
      %add3A_56 = arith.constant 5000 : i32
      %add3A_57 = arith.addi %mul3A_0, %add3A_56 : i32
      %lt3A_58 = vector.broadcast %add3A_57 : i32 to vector<16xi32>
      %lt3A_59 = arith.cmpi slt, %get3A_53, %lt3A_58 : vector<16xi32>
      %and3A_60 = arith.andi %ge3A_55, %lt3A_59 : vector<16xi1>
      %sub3A_61 = vector.broadcast %mul3A_0 : i32 to vector<16xi32>
      %sub3A_62 = arith.subi %get3A_53, %sub3A_61 : vector<16xi32>
      %jit3A_63 = arith.constant 5000 : i32
      %broadcast_in_dim3A_64 = vector.broadcast %jit3A_63 : i32 to vector<16xi32>
      %select_n3A_65 = arith.select %and3A_60, %sub3A_62, %broadcast_in_dim3A_64 : vector<16xi1>, vector<16xi32>
      %swap3A_66 = arith.constant 16 : index
      %swap3A_67 = tpu.vector_load %arg11[%swap3A_66] {strides = array<i32>} : memref<128xi32, #tpu.memory_space<vmem>>, vector<16xi32>,
      %swap3A_68 = vector.shape_cast %swap3A_67 : vector<16xi32> to vector<16xi32>
      %swap3A_69 = vector.shape_cast %select_n3A_65 : vector<16xi32> to vector<16xi32>
      tpu.vector_store %arg11[%swap3A_66], %swap3A_69 {strides = array<i32>} : memref<128xi32, #tpu.memory_space<vmem>>, vector<16xi32>,
      %add3A_70 = arith.constant 32 : i32
      %add3A_71 = arith.addi %mul3A_36, %add3A_70 : i32
      %get3A_72 = arith.index_cast %add3A_71 : i32 to index
      %get3A_73 = tpu.vector_load %arg10[%get3A_72] {strides = array<i32>} : memref<10240xi32, #tpu.memory_space<vmem>>, vector<16xi32>,
      %get3A_74 = vector.shape_cast %get3A_73 : vector<16xi32> to vector<16xi32>
      %ge3A_75 = vector.broadcast %mul3A_0 : i32 to vector<16xi32>
      %ge3A_76 = arith.cmpi sge, %get3A_74, %ge3A_75 : vector<16xi32>
      %add3A_77 = arith.constant 5000 : i32
      %add3A_78 = arith.addi %mul3A_0, %add3A_77 : i32
      %lt3A_79 = vector.broadcast %add3A_78 : i32 to vector<16xi32>
      %lt3A_80 = arith.cmpi slt, %get3A_74, %lt3A_79 : vector<16xi32>
      %and3A_81 = arith.andi %ge3A_76, %lt3A_80 : vector<16xi1>
      %sub3A_82 = vector.broadcast %mul3A_0 : i32 to vector<16xi32>
      %sub3A_83 = arith.subi %get3A_74, %sub3A_82 : vector<16xi32>
      %jit3A_84 = arith.constant 5000 : i32
      %broadcast_in_dim3A_85 = vector.broadcast %jit3A_84 : i32 to vector<16xi32>
      %select_n3A_86 = arith.select %and3A_81, %sub3A_83, %broadcast_in_dim3A_85 : vector<16xi1>, vector<16xi32>
      %swap3A_87 = arith.constant 32 : index
      %swap3A_88 = tpu.vector_load %arg11[%swap3A_87] {strides = array<i32>} : memref<128xi32, #tpu.memory_space<vmem>>, vector<16xi32>,
      %swap3A_89 = vector.shape_cast %swap3A_88 : vector<16xi32> to vector<16xi32>
      %swap3A_90 = vector.shape_cast %select_n3A_86 : vector<16xi32> to vector<16xi32>
      tpu.vector_store %arg11[%swap3A_87], %swap3A_90 {strides = array<i32>} : memref<128xi32, #tpu.memory_space<vmem>>, vector<16xi32>,
      %add3A_91 = arith.constant 48 : i32
      %add3A_92 = arith.addi %mul3A_36, %add3A_91 : i32
      %get3A_93 = arith.index_cast %add3A_92 : i32 to index
      %get3A_94 = tpu.vector_load %arg10[%get3A_93] {strides = array<i32>} : memref<10240xi32, #tpu.memory_space<vmem>>, vector<16xi32>,
      %get3A_95 = vector.shape_cast %get3A_94 : vector<16xi32> to vector<16xi32>
      %ge3A_96 = vector.broadcast %mul3A_0 : i32 to vector<16xi32>
      %ge3A_97 = arith.cmpi sge, %get3A_95, %ge3A_96 : vector<16xi32>
      %add3A_98 = arith.constant 5000 : i32
      %add3A_99 = arith.addi %mul3A_0, %add3A_98 : i32
      %lt3A_100 = vector.broadcast %add3A_99 : i32 to vector<16xi32>
      %lt3A_101 = arith.cmpi slt, %get3A_95, %lt3A_100 : vector<16xi32>
      %and3A_102 = arith.andi %ge3A_97, %lt3A_101 : vector<16xi1>
      %sub3A_103 = vector.broadcast %mul3A_0 : i32 to vector<16xi32>
      %sub3A_104 = arith.subi %get3A_95, %sub3A_103 : vector<16xi32>
      %jit3A_105 = arith.constant 5000 : i32
      %broadcast_in_dim3A_106 = vector.broadcast %jit3A_105 : i32 to vector<16xi32>
      %select_n3A_107 = arith.select %and3A_102, %sub3A_104, %broadcast_in_dim3A_106 : vector<16xi1>, vector<16xi32>
      %swap3A_108 = arith.constant 48 : index
      %swap3A_109 = tpu.vector_load %arg11[%swap3A_108] {strides = array<i32>} : memref<128xi32, #tpu.memory_space<vmem>>, vector<16xi32>,
      %swap3A_110 = vector.shape_cast %swap3A_109 : vector<16xi32> to vector<16xi32>
      %swap3A_111 = vector.shape_cast %select_n3A_107 : vector<16xi32> to vector<16xi32>
      tpu.vector_store %arg11[%swap3A_108], %swap3A_111 {strides = array<i32>} : memref<128xi32, #tpu.memory_space<vmem>>, vector<16xi32>,
      %add3A_112 = arith.constant 64 : i32
      %add3A_113 = arith.addi %mul3A_36, %add3A_112 : i32
      %get3A_114 = arith.index_cast %add3A_113 : i32 to index
      %get3A_115 = tpu.vector_load %arg10[%get3A_114] {strides = array<i32>} : memref<10240xi32, #tpu.memory_space<vmem>>, vector<16xi32>,
      %get3A_116 = vector.shape_cast %get3A_115 : vector<16xi32> to vector<16xi32>
      %ge3A_117 = vector.broadcast %mul3A_0 : i32 to vector<16xi32>
      %ge3A_118 = arith.cmpi sge, %get3A_116, %ge3A_117 : vector<16xi32>
      %add3A_119 = arith.constant 5000 : i32
      %add3A_120 = arith.addi %mul3A_0, %add3A_119 : i32
      %lt3A_121 = vector.broadcast %add3A_120 : i32 to vector<16xi32>
      %lt3A_122 = arith.cmpi slt, %get3A_116, %lt3A_121 : vector<16xi32>
      %and3A_123 = arith.andi %ge3A_118, %lt3A_122 : vector<16xi1>
      %sub3A_124 = vector.broadcast %mul3A_0 : i32 to vector<16xi32>
      %sub3A_125 = arith.subi %get3A_116, %sub3A_124 : vector<16xi32>
      %jit3A_126 = arith.constant 5000 : i32
      %broadcast_in_dim3A_127 = vector.broadcast %jit3A_126 : i32 to vector<16xi32>
      %select_n3A_128 = arith.select %and3A_123, %sub3A_125, %broadcast_in_dim3A_127 : vector<16xi1>, vector<16xi32>
      %swap3A_129 = arith.constant 64 : index
      %swap3A_130 = tpu.vector_load %arg11[%swap3A_129] {strides = array<i32>} : memref<128xi32, #tpu.memory_space<vmem>>, vector<16xi32>,
      %swap3A_131 = vector.shape_cast %swap3A_130 : vector<16xi32> to vector<16xi32>
      %swap3A_132 = vector.shape_cast %select_n3A_128 : vector<16xi32> to vector<16xi32>
      tpu.vector_store %arg11[%swap3A_129], %swap3A_132 {strides = array<i32>} : memref<128xi32, #tpu.memory_space<vmem>>, vector<16xi32>,
      %add3A_133 = arith.constant 80 : i32
      %add3A_134 = arith.addi %mul3A_36, %add3A_133 : i32
      %get3A_135 = arith.index_cast %add3A_134 : i32 to index
      %get3A_136 = tpu.vector_load %arg10[%get3A_135] {strides = array<i32>} : memref<10240xi32, #tpu.memory_space<vmem>>, vector<16xi32>,
      %get3A_137 = vector.shape_cast %get3A_136 : vector<16xi32> to vector<16xi32>
      %ge3A_138 = vector.broadcast %mul3A_0 : i32 to vector<16xi32>
      %ge3A_139 = arith.cmpi sge, %get3A_137, %ge3A_138 : vector<16xi32>
      %add3A_140 = arith.constant 5000 : i32
      %add3A_141 = arith.addi %mul3A_0, %add3A_140 : i32
      %lt3A_142 = vector.broadcast %add3A_141 : i32 to vector<16xi32>
      %lt3A_143 = arith.cmpi slt, %get3A_137, %lt3A_142 : vector<16xi32>
      %and3A_144 = arith.andi %ge3A_139, %lt3A_143 : vector<16xi1>
      %sub3A_145 = vector.broadcast %mul3A_0 : i32 to vector<16xi32>
      %sub3A_146 = arith.subi %get3A_137, %sub3A_145 : vector<16xi32>
      %jit3A_147 = arith.constant 5000 : i32
      %broadcast_in_dim3A_148 = vector.broadcast %jit3A_147 : i32 to vector<16xi32>
      %select_n3A_149 = arith.select %and3A_144, %sub3A_146, %broadcast_in_dim3A_148 : vector<16xi1>, vector<16xi32>
      %swap3A_150 = arith.constant 80 : index
      %swap3A_151 = tpu.vector_load %arg11[%swap3A_150] {strides = array<i32>} : memref<128xi32, #tpu.memory_space<vmem>>, vector<16xi32>,
      %swap3A_152 = vector.shape_cast %swap3A_151 : vector<16xi32> to vector<16xi32>
      %swap3A_153 = vector.shape_cast %select_n3A_149 : vector<16xi32> to vector<16xi32>
      tpu.vector_store %arg11[%swap3A_150], %swap3A_153 {strides = array<i32>} : memref<128xi32, #tpu.memory_space<vmem>>, vector<16xi32>,
      %add3A_154 = arith.constant 96 : i32
      %add3A_155 = arith.addi %mul3A_36, %add3A_154 : i32
      %get3A_156 = arith.index_cast %add3A_155 : i32 to index
      %get3A_157 = tpu.vector_load %arg10[%get3A_156] {strides = array<i32>} : memref<10240xi32, #tpu.memory_space<vmem>>, vector<16xi32>,
      %get3A_158 = vector.shape_cast %get3A_157 : vector<16xi32> to vector<16xi32>
      %ge3A_159 = vector.broadcast %mul3A_0 : i32 to vector<16xi32>
      %ge3A_160 = arith.cmpi sge, %get3A_158, %ge3A_159 : vector<16xi32>
      %add3A_161 = arith.constant 5000 : i32
      %add3A_162 = arith.addi %mul3A_0, %add3A_161 : i32
      %lt3A_163 = vector.broadcast %add3A_162 : i32 to vector<16xi32>
      %lt3A_164 = arith.cmpi slt, %get3A_158, %lt3A_163 : vector<16xi32>
      %and3A_165 = arith.andi %ge3A_160, %lt3A_164 : vector<16xi1>
      %sub3A_166 = vector.broadcast %mul3A_0 : i32 to vector<16xi32>
      %sub3A_167 = arith.subi %get3A_158, %sub3A_166 : vector<16xi32>
      %jit3A_168 = arith.constant 5000 : i32
      %broadcast_in_dim3A_169 = vector.broadcast %jit3A_168 : i32 to vector<16xi32>
      %select_n3A_170 = arith.select %and3A_165, %sub3A_167, %broadcast_in_dim3A_169 : vector<16xi1>, vector<16xi32>
      %swap3A_171 = arith.constant 96 : index
      %swap3A_172 = tpu.vector_load %arg11[%swap3A_171] {strides = array<i32>} : memref<128xi32, #tpu.memory_space<vmem>>, vector<16xi32>,
      %swap3A_173 = vector.shape_cast %swap3A_172 : vector<16xi32> to vector<16xi32>
      %swap3A_174 = vector.shape_cast %select_n3A_170 : vector<16xi32> to vector<16xi32>
      tpu.vector_store %arg11[%swap3A_171], %swap3A_174 {strides = array<i32>} : memref<128xi32, #tpu.memory_space<vmem>>, vector<16xi32>,
      %add3A_175 = arith.constant 112 : i32
      %add3A_176 = arith.addi %mul3A_36, %add3A_175 : i32
      %get3A_177 = arith.index_cast %add3A_176 : i32 to index
      %get3A_178 = tpu.vector_load %arg10[%get3A_177] {strides = array<i32>} : memref<10240xi32, #tpu.memory_space<vmem>>, vector<16xi32>,
      %get3A_179 = vector.shape_cast %get3A_178 : vector<16xi32> to vector<16xi32>
      %ge3A_180 = vector.broadcast %mul3A_0 : i32 to vector<16xi32>
      %ge3A_181 = arith.cmpi sge, %get3A_179, %ge3A_180 : vector<16xi32>
      %add3A_182 = arith.constant 5000 : i32
      %add3A_183 = arith.addi %mul3A_0, %add3A_182 : i32
      %lt3A_184 = vector.broadcast %add3A_183 : i32 to vector<16xi32>
      %lt3A_185 = arith.cmpi slt, %get3A_179, %lt3A_184 : vector<16xi32>
      %and3A_186 = arith.andi %ge3A_181, %lt3A_185 : vector<16xi1>
      %sub3A_187 = vector.broadcast %mul3A_0 : i32 to vector<16xi32>
      %sub3A_188 = arith.subi %get3A_179, %sub3A_187 : vector<16xi32>
      %jit3A_189 = arith.constant 5000 : i32
      %broadcast_in_dim3A_190 = vector.broadcast %jit3A_189 : i32 to vector<16xi32>
      %select_n3A_191 = arith.select %and3A_186, %sub3A_188, %broadcast_in_dim3A_190 : vector<16xi1>, vector<16xi32>
      %swap3A_192 = arith.constant 112 : index
      %swap3A_193 = tpu.vector_load %arg11[%swap3A_192] {strides = array<i32>} : memref<128xi32, #tpu.memory_space<vmem>>, vector<16xi32>,
      %swap3A_194 = vector.shape_cast %swap3A_193 : vector<16xi32> to vector<16xi32>
      %swap3A_195 = vector.shape_cast %select_n3A_191 : vector<16xi32> to vector<16xi32>
      tpu.vector_store %arg11[%swap3A_192], %swap3A_195 {strides = array<i32>} : memref<128xi32, #tpu.memory_space<vmem>>, vector<16xi32>,
      %dma_start3A = tpu.memref_slice %arg9[%mul3A_36] : memref<10240xi32, #tpu.memory_space<vmem>> -> memref<128xi32, #tpu.memory_space<vmem>>
      %dma_start3A_196 = arith.constant 0 : i32
      %dma_start3A_197 = arith.constant 0 : i32
      %dma_start3A_198 = tpu.memref_slice %arg2[%dma_start3A_196, %dma_start3A_197] : memref<10000x128xf32, #tpu.memory_space<hbm>> -> memref<10000x128xf32, #tpu.memory_space<hbm>>
      tpu.enqueue_indirect_dma source(%dma_start3A_198 : memref<10000x128xf32, #tpu.memory_space<hbm>>) target(%arg12 : memref<128x128xf32, #tpu.memory_space<vmem>>) offsets(%dma_start3A : memref<128xi32, #tpu.memory_space<vmem>>) semaphore(%arg14 : memref<!tpu.dma_semaphore, #tpu.memory_space<semaphore_mem>>)
      %dma_wait3A = tpu.memref_slice %arg9[%mul3A_36] : memref<10240xi32, #tpu.memory_space<vmem>> -> memref<128xi32, #tpu.memory_space<vmem>>
      %dma_wait3A_199 = arith.constant 0 : i32
      %dma_wait3A_200 = arith.constant 0 : i32
      %dma_wait3A_201 = tpu.memref_slice %arg2[%dma_wait3A_199, %dma_wait3A_200] : memref<10000x128xf32, #tpu.memory_space<hbm>> -> memref<10000x128xf32, #tpu.memory_space<hbm>>
      tpu.wait_indirect_dma semaphore(%arg14 : memref<!tpu.dma_semaphore, #tpu.memory_space<semaphore_mem>>) src(%dma_wait3A_201 : memref<10000x128xf32, #tpu.memory_space<hbm>>) dst(%arg12 : memref<128x128xf32, #tpu.memory_space<vmem>>)
      "tpu.region"() ({
        %run_scoped3A = tpu.sem_alloc : memref<!tpu.dma_semaphore, #tpu.memory_space<semaphore_mem>>
        %dma_start3A_202 = arith.constant 0 : i32
        %dma_start3A_203 = arith.constant 0 : i32
        %dma_start3A_204 = tpu.memref_slice %arg13[%dma_start3A_202, %dma_start3A_203] : memref<5120x128xf32, #tpu.memory_space<vmem_shared>> -> memref<5120x128xf32, #tpu.memory_space<vmem_shared>>
        tpu.enqueue_indirect_dma source(%arg12 : memref<128x128xf32, #tpu.memory_space<vmem>>) target(%dma_start3A_204 : memref<5120x128xf32, #tpu.memory_space<vmem_shared>>) offsets(%arg11 : memref<128xi32, #tpu.memory_space<vmem>>) semaphore(%run_scoped3A : memref<!tpu.dma_semaphore, #tpu.memory_space<semaphore_mem>>) {add = true}
        %dma_wait3A_205 = arith.constant 0 : i32
        %dma_wait3A_206 = arith.constant 0 : i32
        %dma_wait3A_207 = tpu.memref_slice %arg13[%dma_wait3A_205, %dma_wait3A_206] : memref<5120x128xf32, #tpu.memory_space<vmem_shared>> -> memref<5120x128xf32, #tpu.memory_space<vmem_shared>>
        tpu.wait_indirect_dma semaphore(%run_scoped3A : memref<!tpu.dma_semaphore, #tpu.memory_space<semaphore_mem>>) src(%arg12 : memref<128x128xf32, #tpu.memory_space<vmem>>) dst(%dma_wait3A_207 : memref<5120x128xf32, #tpu.memory_space<vmem_shared>>)
        tpu.yield
      }) : () -> ()
    }
    %scan3A_8 = arith.constant 80 : i32
    %barrier3A_9 = arith.constant 0 : index
    tpu.barrier barrier_id(%barrier3A_9)
    %mul3A_10 = arith.constant 320 : i32
    %mul3A_11 = arith.muli %arg1, %mul3A_10 : i32
    %mul3A_12 = arith.constant 5120 : i32
    %mul3A_13 = arith.muli %arg0, %mul3A_12 : i32
    %mul3A_14 = arith.constant 320 : i32
    %mul3A_15 = arith.muli %arg1, %mul3A_14 : i32
    %add3A = arith.addi %mul3A_13, %mul3A_15 : i32
    "tpu.region"() ({
      %run_scoped3A = tpu.sem_alloc : memref<!tpu.dma_semaphore, #tpu.memory_space<semaphore_mem>>
      %dma_start3A = arith.constant 0 : i32
      %dma_start3A_34 = tpu.memref_slice %arg7[%add3A, %dma_start3A] : memref<10240x128xf32, #tpu.memory_space<hbm>> -> memref<320x128xf32, #tpu.memory_space<hbm>>
      %dma_start3A_35 = arith.constant 0 : i32
      %dma_start3A_36 = tpu.memref_slice %arg13[%mul3A_11, %dma_start3A_35] : memref<5120x128xf32, #tpu.memory_space<vmem_shared>> -> memref<320x128xf32, #tpu.memory_space<vmem_shared>>
      tpu.enqueue_dma source(%dma_start3A_36 : memref<320x128xf32, #tpu.memory_space<vmem_shared>>) target(%dma_start3A_34 : memref<320x128xf32, #tpu.memory_space<hbm>>) target_semaphore(%run_scoped3A : memref<!tpu.dma_semaphore, #tpu.memory_space<semaphore_mem>>)
      %dma_wait3A = arith.constant 0 : i32
      %dma_wait3A_37 = tpu.memref_slice %arg7[%add3A, %dma_wait3A] : memref<10240x128xf32, #tpu.memory_space<hbm>> -> memref<320x128xf32, #tpu.memory_space<hbm>>
      %dma_wait3A_38 = arith.constant 0 : i32
      %dma_wait3A_39 = tpu.memref_slice %arg13[%mul3A_11, %dma_wait3A_38] : memref<5120x128xf32, #tpu.memory_space<vmem_shared>> -> memref<320x128xf32, #tpu.memory_space<vmem_shared>>
      tpu.wait_dma2 semaphore(%run_scoped3A : memref<!tpu.dma_semaphore, #tpu.memory_space<semaphore_mem>>) src(%dma_wait3A_39 : memref<320x128xf32, #tpu.memory_space<vmem_shared>>) dst(%dma_wait3A_37 : memref<320x128xf32, #tpu.memory_space<hbm>>)
      tpu.yield
    }) : () -> ()
    %barrier3A_16 = arith.constant 0 : index
    tpu.barrier barrier_id(%barrier3A_16)
    %mul3A_17 = arith.constant 320 : i32
    %mul3A_18 = arith.muli %arg1, %mul3A_17 : i32
    "tpu.region"() ({
      %run_scoped3A = tpu.sem_alloc : memref<!tpu.dma_semaphore, #tpu.memory_space<semaphore_mem>>
      %dma_start3A = arith.constant 0 : i32
      %dma_start3A_34 = tpu.memref_slice %arg13[%mul3A_18, %dma_start3A] : memref<5120x128xf32, #tpu.memory_space<vmem_shared>> -> memref<320x128xf32, #tpu.memory_space<vmem_shared>>
      tpu.enqueue_dma source(%arg6 : memref<320x128xf32, #tpu.memory_space<hbm>>) target(%dma_start3A_34 : memref<320x128xf32, #tpu.memory_space<vmem_shared>>) target_semaphore(%run_scoped3A : memref<!tpu.dma_semaphore, #tpu.memory_space<semaphore_mem>>)
      %dma_wait3A = arith.constant 0 : i32
      %dma_wait3A_35 = tpu.memref_slice %arg13[%mul3A_18, %dma_wait3A] : memref<5120x128xf32, #tpu.memory_space<vmem_shared>> -> memref<320x128xf32, #tpu.memory_space<vmem_shared>>
      tpu.wait_dma2 semaphore(%run_scoped3A : memref<!tpu.dma_semaphore, #tpu.memory_space<semaphore_mem>>) src(%arg6 : memref<320x128xf32, #tpu.memory_space<hbm>>) dst(%dma_wait3A_35 : memref<320x128xf32, #tpu.memory_space<vmem_shared>>)
      tpu.yield
    }) : () -> ()
    %barrier3A_19 = arith.constant 0 : index
    tpu.barrier barrier_id(%barrier3A_19)
    %scan3A_20 = arith.constant 0 : i32
    %scan3A_21 = arith.constant 80 : i32
    %scan3A_22 = arith.addi %scan3A_20, %scan3A_21 : i32
    %scan3A_23 = arith.constant 1 : i32
    scf.for %scan3A_34 = %scan3A_20 to %scan3A_22 step %scan3A_23  : i32 {
      %mul3A_35 = arith.constant 128 : i32
      %mul3A_36 = arith.muli %scan3A_34, %mul3A_35 : i32
      %add3A_37 = arith.constant 0 : i32
      %add3A_38 = arith.addi %mul3A_36, %add3A_37 : i32
      %get3A = arith.index_cast %add3A_38 : i32 to index
      %get3A_39 = tpu.vector_load %arg10[%get3A] {strides = array<i32>} : memref<10240xi32, #tpu.memory_space<vmem>>, vector<16xi32>,
      %get3A_40 = vector.shape_cast %get3A_39 : vector<16xi32> to vector<16xi32>
      %ge3A = vector.broadcast %mul3A_0 : i32 to vector<16xi32>
      %ge3A_41 = arith.cmpi sge, %get3A_40, %ge3A : vector<16xi32>
      %add3A_42 = arith.constant 5000 : i32
      %add3A_43 = arith.addi %mul3A_0, %add3A_42 : i32
      %lt3A = vector.broadcast %add3A_43 : i32 to vector<16xi32>
      %lt3A_44 = arith.cmpi slt, %get3A_40, %lt3A : vector<16xi32>
      %and3A = arith.andi %ge3A_41, %lt3A_44 : vector<16xi1>
      %sub3A = vector.broadcast %mul3A_0 : i32 to vector<16xi32>
      %sub3A_45 = arith.subi %get3A_40, %sub3A : vector<16xi32>
      %jit3A = arith.constant 5000 : i32
      %broadcast_in_dim3A = vector.broadcast %jit3A : i32 to vector<16xi32>
      %select_n3A = arith.select %and3A, %sub3A_45, %broadcast_in_dim3A : vector<16xi1>, vector<16xi32>
      %swap3A = arith.constant 0 : index
      %swap3A_46 = tpu.vector_load %arg11[%swap3A] {strides = array<i32>} : memref<128xi32, #tpu.memory_space<vmem>>, vector<16xi32>,
      %swap3A_47 = vector.shape_cast %swap3A_46 : vector<16xi32> to vector<16xi32>
      %swap3A_48 = vector.shape_cast %select_n3A : vector<16xi32> to vector<16xi32>
      tpu.vector_store %arg11[%swap3A], %swap3A_48 {strides = array<i32>} : memref<128xi32, #tpu.memory_space<vmem>>, vector<16xi32>,
      %add3A_49 = arith.constant 16 : i32
      %add3A_50 = arith.addi %mul3A_36, %add3A_49 : i32
      %get3A_51 = arith.index_cast %add3A_50 : i32 to index
      %get3A_52 = tpu.vector_load %arg10[%get3A_51] {strides = array<i32>} : memref<10240xi32, #tpu.memory_space<vmem>>, vector<16xi32>,
      %get3A_53 = vector.shape_cast %get3A_52 : vector<16xi32> to vector<16xi32>
      %ge3A_54 = vector.broadcast %mul3A_0 : i32 to vector<16xi32>
      %ge3A_55 = arith.cmpi sge, %get3A_53, %ge3A_54 : vector<16xi32>
      %add3A_56 = arith.constant 5000 : i32
      %add3A_57 = arith.addi %mul3A_0, %add3A_56 : i32
      %lt3A_58 = vector.broadcast %add3A_57 : i32 to vector<16xi32>
      %lt3A_59 = arith.cmpi slt, %get3A_53, %lt3A_58 : vector<16xi32>
      %and3A_60 = arith.andi %ge3A_55, %lt3A_59 : vector<16xi1>
      %sub3A_61 = vector.broadcast %mul3A_0 : i32 to vector<16xi32>
      %sub3A_62 = arith.subi %get3A_53, %sub3A_61 : vector<16xi32>
      %jit3A_63 = arith.constant 5000 : i32
      %broadcast_in_dim3A_64 = vector.broadcast %jit3A_63 : i32 to vector<16xi32>
      %select_n3A_65 = arith.select %and3A_60, %sub3A_62, %broadcast_in_dim3A_64 : vector<16xi1>, vector<16xi32>
      %swap3A_66 = arith.constant 16 : index
      %swap3A_67 = tpu.vector_load %arg11[%swap3A_66] {strides = array<i32>} : memref<128xi32, #tpu.memory_space<vmem>>, vector<16xi32>,
      %swap3A_68 = vector.shape_cast %swap3A_67 : vector<16xi32> to vector<16xi32>
      %swap3A_69 = vector.shape_cast %select_n3A_65 : vector<16xi32> to vector<16xi32>
      tpu.vector_store %arg11[%swap3A_66], %swap3A_69 {strides = array<i32>} : memref<128xi32, #tpu.memory_space<vmem>>, vector<16xi32>,
      %add3A_70 = arith.constant 32 : i32
      %add3A_71 = arith.addi %mul3A_36, %add3A_70 : i32
      %get3A_72 = arith.index_cast %add3A_71 : i32 to index
      %get3A_73 = tpu.vector_load %arg10[%get3A_72] {strides = array<i32>} : memref<10240xi32, #tpu.memory_space<vmem>>, vector<16xi32>,
      %get3A_74 = vector.shape_cast %get3A_73 : vector<16xi32> to vector<16xi32>
      %ge3A_75 = vector.broadcast %mul3A_0 : i32 to vector<16xi32>
      %ge3A_76 = arith.cmpi sge, %get3A_74, %ge3A_75 : vector<16xi32>
      %add3A_77 = arith.constant 5000 : i32
      %add3A_78 = arith.addi %mul3A_0, %add3A_77 : i32
      %lt3A_79 = vector.broadcast %add3A_78 : i32 to vector<16xi32>
      %lt3A_80 = arith.cmpi slt, %get3A_74, %lt3A_79 : vector<16xi32>
      %and3A_81 = arith.andi %ge3A_76, %lt3A_80 : vector<16xi1>
      %sub3A_82 = vector.broadcast %mul3A_0 : i32 to vector<16xi32>
      %sub3A_83 = arith.subi %get3A_74, %sub3A_82 : vector<16xi32>
      %jit3A_84 = arith.constant 5000 : i32
      %broadcast_in_dim3A_85 = vector.broadcast %jit3A_84 : i32 to vector<16xi32>
      %select_n3A_86 = arith.select %and3A_81, %sub3A_83, %broadcast_in_dim3A_85 : vector<16xi1>, vector<16xi32>
      %swap3A_87 = arith.constant 32 : index
      %swap3A_88 = tpu.vector_load %arg11[%swap3A_87] {strides = array<i32>} : memref<128xi32, #tpu.memory_space<vmem>>, vector<16xi32>,
      %swap3A_89 = vector.shape_cast %swap3A_88 : vector<16xi32> to vector<16xi32>
      %swap3A_90 = vector.shape_cast %select_n3A_86 : vector<16xi32> to vector<16xi32>
      tpu.vector_store %arg11[%swap3A_87], %swap3A_90 {strides = array<i32>} : memref<128xi32, #tpu.memory_space<vmem>>, vector<16xi32>,
      %add3A_91 = arith.constant 48 : i32
      %add3A_92 = arith.addi %mul3A_36, %add3A_91 : i32
      %get3A_93 = arith.index_cast %add3A_92 : i32 to index
      %get3A_94 = tpu.vector_load %arg10[%get3A_93] {strides = array<i32>} : memref<10240xi32, #tpu.memory_space<vmem>>, vector<16xi32>,
      %get3A_95 = vector.shape_cast %get3A_94 : vector<16xi32> to vector<16xi32>
      %ge3A_96 = vector.broadcast %mul3A_0 : i32 to vector<16xi32>
      %ge3A_97 = arith.cmpi sge, %get3A_95, %ge3A_96 : vector<16xi32>
      %add3A_98 = arith.constant 5000 : i32
      %add3A_99 = arith.addi %mul3A_0, %add3A_98 : i32
      %lt3A_100 = vector.broadcast %add3A_99 : i32 to vector<16xi32>
      %lt3A_101 = arith.cmpi slt, %get3A_95, %lt3A_100 : vector<16xi32>
      %and3A_102 = arith.andi %ge3A_97, %lt3A_101 : vector<16xi1>
      %sub3A_103 = vector.broadcast %mul3A_0 : i32 to vector<16xi32>
      %sub3A_104 = arith.subi %get3A_95, %sub3A_103 : vector<16xi32>
      %jit3A_105 = arith.constant 5000 : i32
      %broadcast_in_dim3A_106 = vector.broadcast %jit3A_105 : i32 to vector<16xi32>
      %select_n3A_107 = arith.select %and3A_102, %sub3A_104, %broadcast_in_dim3A_106 : vector<16xi1>, vector<16xi32>
      %swap3A_108 = arith.constant 48 : index
      %swap3A_109 = tpu.vector_load %arg11[%swap3A_108] {strides = array<i32>} : memref<128xi32, #tpu.memory_space<vmem>>, vector<16xi32>,
      %swap3A_110 = vector.shape_cast %swap3A_109 : vector<16xi32> to vector<16xi32>
      %swap3A_111 = vector.shape_cast %select_n3A_107 : vector<16xi32> to vector<16xi32>
      tpu.vector_store %arg11[%swap3A_108], %swap3A_111 {strides = array<i32>} : memref<128xi32, #tpu.memory_space<vmem>>, vector<16xi32>,
      %add3A_112 = arith.constant 64 : i32
      %add3A_113 = arith.addi %mul3A_36, %add3A_112 : i32
      %get3A_114 = arith.index_cast %add3A_113 : i32 to index
      %get3A_115 = tpu.vector_load %arg10[%get3A_114] {strides = array<i32>} : memref<10240xi32, #tpu.memory_space<vmem>>, vector<16xi32>,
      %get3A_116 = vector.shape_cast %get3A_115 : vector<16xi32> to vector<16xi32>
      %ge3A_117 = vector.broadcast %mul3A_0 : i32 to vector<16xi32>
      %ge3A_118 = arith.cmpi sge, %get3A_116, %ge3A_117 : vector<16xi32>
      %add3A_119 = arith.constant 5000 : i32
      %add3A_120 = arith.addi %mul3A_0, %add3A_119 : i32
      %lt3A_121 = vector.broadcast %add3A_120 : i32 to vector<16xi32>
      %lt3A_122 = arith.cmpi slt, %get3A_116, %lt3A_121 : vector<16xi32>
      %and3A_123 = arith.andi %ge3A_118, %lt3A_122 : vector<16xi1>
      %sub3A_124 = vector.broadcast %mul3A_0 : i32 to vector<16xi32>
      %sub3A_125 = arith.subi %get3A_116, %sub3A_124 : vector<16xi32>
      %jit3A_126 = arith.constant 5000 : i32
      %broadcast_in_dim3A_127 = vector.broadcast %jit3A_126 : i32 to vector<16xi32>
      %select_n3A_128 = arith.select %and3A_123, %sub3A_125, %broadcast_in_dim3A_127 : vector<16xi1>, vector<16xi32>
      %swap3A_129 = arith.constant 64 : index
      %swap3A_130 = tpu.vector_load %arg11[%swap3A_129] {strides = array<i32>} : memref<128xi32, #tpu.memory_space<vmem>>, vector<16xi32>,
      %swap3A_131 = vector.shape_cast %swap3A_130 : vector<16xi32> to vector<16xi32>
      %swap3A_132 = vector.shape_cast %select_n3A_128 : vector<16xi32> to vector<16xi32>
      tpu.vector_store %arg11[%swap3A_129], %swap3A_132 {strides = array<i32>} : memref<128xi32, #tpu.memory_space<vmem>>, vector<16xi32>,
      %add3A_133 = arith.constant 80 : i32
      %add3A_134 = arith.addi %mul3A_36, %add3A_133 : i32
      %get3A_135 = arith.index_cast %add3A_134 : i32 to index
      %get3A_136 = tpu.vector_load %arg10[%get3A_135] {strides = array<i32>} : memref<10240xi32, #tpu.memory_space<vmem>>, vector<16xi32>,
      %get3A_137 = vector.shape_cast %get3A_136 : vector<16xi32> to vector<16xi32>
      %ge3A_138 = vector.broadcast %mul3A_0 : i32 to vector<16xi32>
      %ge3A_139 = arith.cmpi sge, %get3A_137, %ge3A_138 : vector<16xi32>
      %add3A_140 = arith.constant 5000 : i32
      %add3A_141 = arith.addi %mul3A_0, %add3A_140 : i32
      %lt3A_142 = vector.broadcast %add3A_141 : i32 to vector<16xi32>
      %lt3A_143 = arith.cmpi slt, %get3A_137, %lt3A_142 : vector<16xi32>
      %and3A_144 = arith.andi %ge3A_139, %lt3A_143 : vector<16xi1>
      %sub3A_145 = vector.broadcast %mul3A_0 : i32 to vector<16xi32>
      %sub3A_146 = arith.subi %get3A_137, %sub3A_145 : vector<16xi32>
      %jit3A_147 = arith.constant 5000 : i32
      %broadcast_in_dim3A_148 = vector.broadcast %jit3A_147 : i32 to vector<16xi32>
      %select_n3A_149 = arith.select %and3A_144, %sub3A_146, %broadcast_in_dim3A_148 : vector<16xi1>, vector<16xi32>
      %swap3A_150 = arith.constant 80 : index
      %swap3A_151 = tpu.vector_load %arg11[%swap3A_150] {strides = array<i32>} : memref<128xi32, #tpu.memory_space<vmem>>, vector<16xi32>,
      %swap3A_152 = vector.shape_cast %swap3A_151 : vector<16xi32> to vector<16xi32>
      %swap3A_153 = vector.shape_cast %select_n3A_149 : vector<16xi32> to vector<16xi32>
      tpu.vector_store %arg11[%swap3A_150], %swap3A_153 {strides = array<i32>} : memref<128xi32, #tpu.memory_space<vmem>>, vector<16xi32>,
      %add3A_154 = arith.constant 96 : i32
      %add3A_155 = arith.addi %mul3A_36, %add3A_154 : i32
      %get3A_156 = arith.index_cast %add3A_155 : i32 to index
      %get3A_157 = tpu.vector_load %arg10[%get3A_156] {strides = array<i32>} : memref<10240xi32, #tpu.memory_space<vmem>>, vector<16xi32>,
      %get3A_158 = vector.shape_cast %get3A_157 : vector<16xi32> to vector<16xi32>
      %ge3A_159 = vector.broadcast %mul3A_0 : i32 to vector<16xi32>
      %ge3A_160 = arith.cmpi sge, %get3A_158, %ge3A_159 : vector<16xi32>
      %add3A_161 = arith.constant 5000 : i32
      %add3A_162 = arith.addi %mul3A_0, %add3A_161 : i32
      %lt3A_163 = vector.broadcast %add3A_162 : i32 to vector<16xi32>
      %lt3A_164 = arith.cmpi slt, %get3A_158, %lt3A_163 : vector<16xi32>
      %and3A_165 = arith.andi %ge3A_160, %lt3A_164 : vector<16xi1>
      %sub3A_166 = vector.broadcast %mul3A_0 : i32 to vector<16xi32>
      %sub3A_167 = arith.subi %get3A_158, %sub3A_166 : vector<16xi32>
      %jit3A_168 = arith.constant 5000 : i32
      %broadcast_in_dim3A_169 = vector.broadcast %jit3A_168 : i32 to vector<16xi32>
      %select_n3A_170 = arith.select %and3A_165, %sub3A_167, %broadcast_in_dim3A_169 : vector<16xi1>, vector<16xi32>
      %swap3A_171 = arith.constant 96 : index
      %swap3A_172 = tpu.vector_load %arg11[%swap3A_171] {strides = array<i32>} : memref<128xi32, #tpu.memory_space<vmem>>, vector<16xi32>,
      %swap3A_173 = vector.shape_cast %swap3A_172 : vector<16xi32> to vector<16xi32>
      %swap3A_174 = vector.shape_cast %select_n3A_170 : vector<16xi32> to vector<16xi32>
      tpu.vector_store %arg11[%swap3A_171], %swap3A_174 {strides = array<i32>} : memref<128xi32, #tpu.memory_space<vmem>>, vector<16xi32>,
      %add3A_175 = arith.constant 112 : i32
      %add3A_176 = arith.addi %mul3A_36, %add3A_175 : i32
      %get3A_177 = arith.index_cast %add3A_176 : i32 to index
      %get3A_178 = tpu.vector_load %arg10[%get3A_177] {strides = array<i32>} : memref<10240xi32, #tpu.memory_space<vmem>>, vector<16xi32>,
      %get3A_179 = vector.shape_cast %get3A_178 : vector<16xi32> to vector<16xi32>
      %ge3A_180 = vector.broadcast %mul3A_0 : i32 to vector<16xi32>
      %ge3A_181 = arith.cmpi sge, %get3A_179, %ge3A_180 : vector<16xi32>
      %add3A_182 = arith.constant 5000 : i32
      %add3A_183 = arith.addi %mul3A_0, %add3A_182 : i32
      %lt3A_184 = vector.broadcast %add3A_183 : i32 to vector<16xi32>
      %lt3A_185 = arith.cmpi slt, %get3A_179, %lt3A_184 : vector<16xi32>
      %and3A_186 = arith.andi %ge3A_181, %lt3A_185 : vector<16xi1>
      %sub3A_187 = vector.broadcast %mul3A_0 : i32 to vector<16xi32>
      %sub3A_188 = arith.subi %get3A_179, %sub3A_187 : vector<16xi32>
      %jit3A_189 = arith.constant 5000 : i32
      %broadcast_in_dim3A_190 = vector.broadcast %jit3A_189 : i32 to vector<16xi32>
      %select_n3A_191 = arith.select %and3A_186, %sub3A_188, %broadcast_in_dim3A_190 : vector<16xi1>, vector<16xi32>
      %swap3A_192 = arith.constant 112 : index
      %swap3A_193 = tpu.vector_load %arg11[%swap3A_192] {strides = array<i32>} : memref<128xi32, #tpu.memory_space<vmem>>, vector<16xi32>,
      %swap3A_194 = vector.shape_cast %swap3A_193 : vector<16xi32> to vector<16xi32>
      %swap3A_195 = vector.shape_cast %select_n3A_191 : vector<16xi32> to vector<16xi32>
      tpu.vector_store %arg11[%swap3A_192], %swap3A_195 {strides = array<i32>} : memref<128xi32, #tpu.memory_space<vmem>>, vector<16xi32>,
      %dma_start3A = tpu.memref_slice %arg9[%mul3A_36] : memref<10240xi32, #tpu.memory_space<vmem>> -> memref<128xi32, #tpu.memory_space<vmem>>
      %dma_start3A_196 = arith.constant 0 : i32
      %dma_start3A_197 = arith.constant 0 : i32
      %dma_start3A_198 = tpu.memref_slice %arg3[%dma_start3A_196, %dma_start3A_197] : memref<10000x128xf32, #tpu.memory_space<hbm>> -> memref<10000x128xf32, #tpu.memory_space<hbm>>
      tpu.enqueue_indirect_dma source(%dma_start3A_198 : memref<10000x128xf32, #tpu.memory_space<hbm>>) target(%arg12 : memref<128x128xf32, #tpu.memory_space<vmem>>) offsets(%dma_start3A : memref<128xi32, #tpu.memory_space<vmem>>) semaphore(%arg14 : memref<!tpu.dma_semaphore, #tpu.memory_space<semaphore_mem>>)
      %dma_wait3A = tpu.memref_slice %arg9[%mul3A_36] : memref<10240xi32, #tpu.memory_space<vmem>> -> memref<128xi32, #tpu.memory_space<vmem>>
      %dma_wait3A_199 = arith.constant 0 : i32
      %dma_wait3A_200 = arith.constant 0 : i32
      %dma_wait3A_201 = tpu.memref_slice %arg3[%dma_wait3A_199, %dma_wait3A_200] : memref<10000x128xf32, #tpu.memory_space<hbm>> -> memref<10000x128xf32, #tpu.memory_space<hbm>>
      tpu.wait_indirect_dma semaphore(%arg14 : memref<!tpu.dma_semaphore, #tpu.memory_space<semaphore_mem>>) src(%dma_wait3A_201 : memref<10000x128xf32, #tpu.memory_space<hbm>>) dst(%arg12 : memref<128x128xf32, #tpu.memory_space<vmem>>)
      "tpu.region"() ({
        %run_scoped3A = tpu.sem_alloc : memref<!tpu.dma_semaphore, #tpu.memory_space<semaphore_mem>>
        %dma_start3A_202 = arith.constant 0 : i32
        %dma_start3A_203 = arith.constant 0 : i32
        %dma_start3A_204 = tpu.memref_slice %arg13[%dma_start3A_202, %dma_start3A_203] : memref<5120x128xf32, #tpu.memory_space<vmem_shared>> -> memref<5120x128xf32, #tpu.memory_space<vmem_shared>>
        tpu.enqueue_indirect_dma source(%arg12 : memref<128x128xf32, #tpu.memory_space<vmem>>) target(%dma_start3A_204 : memref<5120x128xf32, #tpu.memory_space<vmem_shared>>) offsets(%arg11 : memref<128xi32, #tpu.memory_space<vmem>>) semaphore(%run_scoped3A : memref<!tpu.dma_semaphore, #tpu.memory_space<semaphore_mem>>) {add = true}
        %dma_wait3A_205 = arith.constant 0 : i32
        %dma_wait3A_206 = arith.constant 0 : i32
        %dma_wait3A_207 = tpu.memref_slice %arg13[%dma_wait3A_205, %dma_wait3A_206] : memref<5120x128xf32, #tpu.memory_space<vmem_shared>> -> memref<5120x128xf32, #tpu.memory_space<vmem_shared>>
        tpu.wait_indirect_dma semaphore(%run_scoped3A : memref<!tpu.dma_semaphore, #tpu.memory_space<semaphore_mem>>) src(%arg12 : memref<128x128xf32, #tpu.memory_space<vmem>>) dst(%dma_wait3A_207 : memref<5120x128xf32, #tpu.memory_space<vmem_shared>>)
        tpu.yield
      }) : () -> ()
    }
    %scan3A_24 = arith.constant 80 : i32
    %barrier3A_25 = arith.constant 0 : index
    tpu.barrier barrier_id(%barrier3A_25)
    %mul3A_26 = arith.constant 320 : i32
    %mul3A_27 = arith.muli %arg1, %mul3A_26 : i32
    %mul3A_28 = arith.constant 5120 : i32
    %mul3A_29 = arith.muli %arg0, %mul3A_28 : i32
    %mul3A_30 = arith.constant 320 : i32
    %mul3A_31 = arith.muli %arg1, %mul3A_30 : i32
    %add3A_32 = arith.addi %mul3A_29, %mul3A_31 : i32
    "tpu.region"() ({
      %run_scoped3A = tpu.sem_alloc : memref<!tpu.dma_semaphore, #tpu.memory_space<semaphore_mem>>
      %dma_start3A = arith.constant 0 : i32
      %dma_start3A_34 = tpu.memref_slice %arg8[%add3A_32, %dma_start3A] : memref<10240x128xf32, #tpu.memory_space<hbm>> -> memref<320x128xf32, #tpu.memory_space<hbm>>
      %dma_start3A_35 = arith.constant 0 : i32
      %dma_start3A_36 = tpu.memref_slice %arg13[%mul3A_27, %dma_start3A_35] : memref<5120x128xf32, #tpu.memory_space<vmem_shared>> -> memref<320x128xf32, #tpu.memory_space<vmem_shared>>
      tpu.enqueue_dma source(%dma_start3A_36 : memref<320x128xf32, #tpu.memory_space<vmem_shared>>) target(%dma_start3A_34 : memref<320x128xf32, #tpu.memory_space<hbm>>) target_semaphore(%run_scoped3A : memref<!tpu.dma_semaphore, #tpu.memory_space<semaphore_mem>>)
      %dma_wait3A = arith.constant 0 : i32
      %dma_wait3A_37 = tpu.memref_slice %arg8[%add3A_32, %dma_wait3A] : memref<10240x128xf32, #tpu.memory_space<hbm>> -> memref<320x128xf32, #tpu.memory_space<hbm>>
      %dma_wait3A_38 = arith.constant 0 : i32
      %dma_wait3A_39 = tpu.memref_slice %arg13[%mul3A_27, %dma_wait3A_38] : memref<5120x128xf32, #tpu.memory_space<vmem_shared>> -> memref<320x128xf32, #tpu.memory_space<vmem_shared>>
      tpu.wait_dma2 semaphore(%run_scoped3A : memref<!tpu.dma_semaphore, #tpu.memory_space<semaphore_mem>>) src(%dma_wait3A_39 : memref<320x128xf32, #tpu.memory_space<vmem_shared>>) dst(%dma_wait3A_37 : memref<320x128xf32, #tpu.memory_space<hbm>>)
      tpu.yield
    }) : () -> ()
    %barrier3A_33 = arith.constant 0 : index
    tpu.barrier barrier_id(%barrier3A_33)
    return
  }
}

#map = affine_map<(d0, d1) -> (0, 0)>
#map1 = affine_map<(d0, d1) -> (0)>
module attributes {stable_mosaic.version = 14 : i64} {
  func.func @k(%arg0: i32, %arg1: i32, %arg2: memref<10000x128xf32, #tpu.memory_space<hbm>>, %arg3: memref<10000x128xf32, #tpu.memory_space<hbm>>, %arg4: memref<163840xi32, #tpu.memory_space<hbm>>, %arg5: memref<163840xi32, #tpu.memory_space<hbm>>, %arg6: memref<320x128xf32, #tpu.memory_space<hbm>>, %arg7: memref<10240x128xf32, #tpu.memory_space<hbm>>, %arg8: memref<10240x128xf32, #tpu.memory_space<hbm>>, %arg9: memref<10240xi32, #tpu.memory_space<vmem>>, %arg10: memref<10240xi32, #tpu.memory_space<vmem>>, %arg11: memref<128xi32, #tpu.memory_space<vmem>>, %arg12: memref<128x128xf32, #tpu.memory_space<vmem>>, %arg13: memref<5120x128xf32, #tpu.memory_space<vmem_shared>>, %arg14: memref<!tpu.dma_semaphore, #tpu.memory_space<semaphore_mem>>) attributes {dimension_semantics = [#tpu.dimension_semantics<core_parallel>, #tpu.dimension_semantics<subcore_parallel>], iteration_bounds = array<i64: 2, 16>, scalar_prefetch = 0 : i64, scratch_operands = 6 : i64, tpu.core_type = #tpu.core_type<sc_vector_subcore>, window_params = [{transform_indices = #map}, {transform_indices = #map}, {transform_indices = #map1}, {transform_indices = #map1}, {transform_indices = #map}, {transform_indices = #map}, {transform_indices = #map}]} {
    %mul3A = arith.constant 5000 : i32
    %mul3A_0 = arith.muli %arg0, %mul3A : i32
    %mul3A_1 = arith.constant 10240 : i32
    %mul3A_2 = arith.muli %arg1, %mul3A_1 : i32
    "tpu.region"() ({
      %run_scoped3A = tpu.sem_alloc : memref<!tpu.dma_semaphore, #tpu.memory_space<semaphore_mem>>
      %dma_start3A = tpu.memref_slice %arg4[%mul3A_2] : memref<163840xi32, #tpu.memory_space<hbm>> -> memref<10240xi32, #tpu.memory_space<hbm>>
      %dma_start3A_34 = tpu.memref_slice %arg4[%mul3A_2] : memref<163840xi32, #tpu.memory_space<hbm>> -> memref<10240xi32, #tpu.memory_space<hbm>>
      tpu.enqueue_dma source(%dma_start3A_34 : memref<10240xi32, #tpu.memory_space<hbm>>) target(%arg9 : memref<10240xi32, #tpu.memory_space<vmem>>) target_semaphore(%run_scoped3A : memref<!tpu.dma_semaphore, #tpu.memory_space<semaphore_mem>>)
      %dma_wait3A = tpu.memref_slice %arg4[%mul3A_2] : memref<163840xi32, #tpu.memory_space<hbm>> -> memref<10240xi32, #tpu.memory_space<hbm>>
      %dma_wait3A_35 = tpu.memref_slice %arg4[%mul3A_2] : memref<163840xi32, #tpu.memory_space<hbm>> -> memref<10240xi32, #tpu.memory_space<hbm>>
      tpu.wait_dma2 semaphore(%run_scoped3A : memref<!tpu.dma_semaphore, #tpu.memory_space<semaphore_mem>>) src(%dma_wait3A_35 : memref<10240xi32, #tpu.memory_space<hbm>>) dst(%arg9 : memref<10240xi32, #tpu.memory_space<vmem>>)
      tpu.yield
    }) : () -> ()
    "tpu.region"() ({
      %run_scoped3A = tpu.sem_alloc : memref<!tpu.dma_semaphore, #tpu.memory_space<semaphore_mem>>
      %dma_start3A = tpu.memref_slice %arg5[%mul3A_2] : memref<163840xi32, #tpu.memory_space<hbm>> -> memref<10240xi32, #tpu.memory_space<hbm>>
      %dma_start3A_34 = tpu.memref_slice %arg5[%mul3A_2] : memref<163840xi32, #tpu.memory_space<hbm>> -> memref<10240xi32, #tpu.memory_space<hbm>>
      tpu.enqueue_dma source(%dma_start3A_34 : memref<10240xi32, #tpu.memory_space<hbm>>) target(%arg10 : memref<10240xi32, #tpu.memory_space<vmem>>) target_semaphore(%run_scoped3A : memref<!tpu.dma_semaphore, #tpu.memory_space<semaphore_mem>>)
      %dma_wait3A = tpu.memref_slice %arg5[%mul3A_2] : memref<163840xi32, #tpu.memory_space<hbm>> -> memref<10240xi32, #tpu.memory_space<hbm>>
      %dma_wait3A_35 = tpu.memref_slice %arg5[%mul3A_2] : memref<163840xi32, #tpu.memory_space<hbm>> -> memref<10240xi32, #tpu.memory_space<hbm>>
      tpu.wait_dma2 semaphore(%run_scoped3A : memref<!tpu.dma_semaphore, #tpu.memory_space<semaphore_mem>>) src(%dma_wait3A_35 : memref<10240xi32, #tpu.memory_space<hbm>>) dst(%arg10 : memref<10240xi32, #tpu.memory_space<vmem>>)
      tpu.yield
    }) : () -> ()
    %mul3A_3 = arith.constant 320 : i32
    %mul3A_4 = arith.muli %arg1, %mul3A_3 : i32
    "tpu.region"() ({
      %run_scoped3A = tpu.sem_alloc : memref<!tpu.dma_semaphore, #tpu.memory_space<semaphore_mem>>
      %dma_start3A = arith.constant 0 : i32
      %dma_start3A_34 = tpu.memref_slice %arg13[%mul3A_4, %dma_start3A] : memref<5120x128xf32, #tpu.memory_space<vmem_shared>> -> memref<320x128xf32, #tpu.memory_space<vmem_shared>>
      tpu.enqueue_dma source(%arg6 : memref<320x128xf32, #tpu.memory_space<hbm>>) target(%dma_start3A_34 : memref<320x128xf32, #tpu.memory_space<vmem_shared>>) target_semaphore(%run_scoped3A : memref<!tpu.dma_semaphore, #tpu.memory_space<semaphore_mem>>)
      %dma_wait3A = arith.constant 0 : i32
      %dma_wait3A_35 = tpu.memref_slice %arg13[%mul3A_4, %dma_wait3A] : memref<5120x128xf32, #tpu.memory_space<vmem_shared>> -> memref<320x128xf32, #tpu.memory_space<vmem_shared>>
      tpu.wait_dma2 semaphore(%run_scoped3A : memref<!tpu.dma_semaphore, #tpu.memory_space<semaphore_mem>>) src(%arg6 : memref<320x128xf32, #tpu.memory_space<hbm>>) dst(%dma_wait3A_35 : memref<320x128xf32, #tpu.memory_space<vmem_shared>>)
      tpu.yield
    }) : () -> ()
    %barrier3A = arith.constant 0 : index
    tpu.barrier barrier_id(%barrier3A)
    %scan3A = arith.constant 0 : i32
    %scan3A_5 = arith.constant 80 : i32
    %scan3A_6 = arith.addi %scan3A, %scan3A_5 : i32
    %scan3A_7 = arith.constant 1 : i32
    scf.for %scan3A_34 = %scan3A to %scan3A_6 step %scan3A_7  : i32 {
      %mul3A_35 = arith.constant 128 : i32
      %mul3A_36 = arith.muli %scan3A_34, %mul3A_35 : i32
      %add3A_37 = arith.constant 0 : i32
      %add3A_38 = arith.addi %mul3A_36, %add3A_37 : i32
      %get3A = arith.index_cast %add3A_38 : i32 to index
      %get3A_39 = tpu.vector_load %arg10[%get3A] {strides = array<i32>} : memref<10240xi32, #tpu.memory_space<vmem>>, vector<16xi32>,
      %get3A_40 = vector.shape_cast %get3A_39 : vector<16xi32> to vector<16xi32>
      %ge3A = vector.broadcast %mul3A_0 : i32 to vector<16xi32>
      %ge3A_41 = arith.cmpi sge, %get3A_40, %ge3A : vector<16xi32>
      %add3A_42 = arith.constant 5000 : i32
      %add3A_43 = arith.addi %mul3A_0, %add3A_42 : i32
      %lt3A = vector.broadcast %add3A_43 : i32 to vector<16xi32>
      %lt3A_44 = arith.cmpi slt, %get3A_40, %lt3A : vector<16xi32>
      %and3A = arith.andi %ge3A_41, %lt3A_44 : vector<16xi1>
      %sub3A = vector.broadcast %mul3A_0 : i32 to vector<16xi32>
      %sub3A_45 = arith.subi %get3A_40, %sub3A : vector<16xi32>
      %jit3A = arith.constant 5000 : i32
      %broadcast_in_dim3A = vector.broadcast %jit3A : i32 to vector<16xi32>
      %select_n3A = arith.select %and3A, %sub3A_45, %broadcast_in_dim3A : vector<16xi1>, vector<16xi32>
      %swap3A = arith.constant 0 : index
      %swap3A_46 = tpu.vector_load %arg11[%swap3A] {strides = array<i32>} : memref<128xi32, #tpu.memory_space<vmem>>, vector<16xi32>,
      %swap3A_47 = vector.shape_cast %swap3A_46 : vector<16xi32> to vector<16xi32>
      %swap3A_48 = vector.shape_cast %select_n3A : vector<16xi32> to vector<16xi32>
      tpu.vector_store %arg11[%swap3A], %swap3A_48 {strides = array<i32>} : memref<128xi32, #tpu.memory_space<vmem>>, vector<16xi32>,
      %add3A_49 = arith.constant 16 : i32
      %add3A_50 = arith.addi %mul3A_36, %add3A_49 : i32
      %get3A_51 = arith.index_cast %add3A_50 : i32 to index
      %get3A_52 = tpu.vector_load %arg10[%get3A_51] {strides = array<i32>} : memref<10240xi32, #tpu.memory_space<vmem>>, vector<16xi32>,
      %get3A_53 = vector.shape_cast %get3A_52 : vector<16xi32> to vector<16xi32>
      %ge3A_54 = vector.broadcast %mul3A_0 : i32 to vector<16xi32>
      %ge3A_55 = arith.cmpi sge, %get3A_53, %ge3A_54 : vector<16xi32>
      %add3A_56 = arith.constant 5000 : i32
      %add3A_57 = arith.addi %mul3A_0, %add3A_56 : i32
      %lt3A_58 = vector.broadcast %add3A_57 : i32 to vector<16xi32>
      %lt3A_59 = arith.cmpi slt, %get3A_53, %lt3A_58 : vector<16xi32>
      %and3A_60 = arith.andi %ge3A_55, %lt3A_59 : vector<16xi1>
      %sub3A_61 = vector.broadcast %mul3A_0 : i32 to vector<16xi32>
      %sub3A_62 = arith.subi %get3A_53, %sub3A_61 : vector<16xi32>
      %jit3A_63 = arith.constant 5000 : i32
      %broadcast_in_dim3A_64 = vector.broadcast %jit3A_63 : i32 to vector<16xi32>
      %select_n3A_65 = arith.select %and3A_60, %sub3A_62, %broadcast_in_dim3A_64 : vector<16xi1>, vector<16xi32>
      %swap3A_66 = arith.constant 16 : index
      %swap3A_67 = tpu.vector_load %arg11[%swap3A_66] {strides = array<i32>} : memref<128xi32, #tpu.memory_space<vmem>>, vector<16xi32>,
      %swap3A_68 = vector.shape_cast %swap3A_67 : vector<16xi32> to vector<16xi32>
      %swap3A_69 = vector.shape_cast %select_n3A_65 : vector<16xi32> to vector<16xi32>
      tpu.vector_store %arg11[%swap3A_66], %swap3A_69 {strides = array<i32>} : memref<128xi32, #tpu.memory_space<vmem>>, vector<16xi32>,
      %add3A_70 = arith.constant 32 : i32
      %add3A_71 = arith.addi %mul3A_36, %add3A_70 : i32
      %get3A_72 = arith.index_cast %add3A_71 : i32 to index
      %get3A_73 = tpu.vector_load %arg10[%get3A_72] {strides = array<i32>} : memref<10240xi32, #tpu.memory_space<vmem>>, vector<16xi32>,
      %get3A_74 = vector.shape_cast %get3A_73 : vector<16xi32> to vector<16xi32>
      %ge3A_75 = vector.broadcast %mul3A_0 : i32 to vector<16xi32>
      %ge3A_76 = arith.cmpi sge, %get3A_74, %ge3A_75 : vector<16xi32>
      %add3A_77 = arith.constant 5000 : i32
      %add3A_78 = arith.addi %mul3A_0, %add3A_77 : i32
      %lt3A_79 = vector.broadcast %add3A_78 : i32 to vector<16xi32>
      %lt3A_80 = arith.cmpi slt, %get3A_74, %lt3A_79 : vector<16xi32>
      %and3A_81 = arith.andi %ge3A_76, %lt3A_80 : vector<16xi1>
      %sub3A_82 = vector.broadcast %mul3A_0 : i32 to vector<16xi32>
      %sub3A_83 = arith.subi %get3A_74, %sub3A_82 : vector<16xi32>
      %jit3A_84 = arith.constant 5000 : i32
      %broadcast_in_dim3A_85 = vector.broadcast %jit3A_84 : i32 to vector<16xi32>
      %select_n3A_86 = arith.select %and3A_81, %sub3A_83, %broadcast_in_dim3A_85 : vector<16xi1>, vector<16xi32>
      %swap3A_87 = arith.constant 32 : index
      %swap3A_88 = tpu.vector_load %arg11[%swap3A_87] {strides = array<i32>} : memref<128xi32, #tpu.memory_space<vmem>>, vector<16xi32>,
      %swap3A_89 = vector.shape_cast %swap3A_88 : vector<16xi32> to vector<16xi32>
      %swap3A_90 = vector.shape_cast %select_n3A_86 : vector<16xi32> to vector<16xi32>
      tpu.vector_store %arg11[%swap3A_87], %swap3A_90 {strides = array<i32>} : memref<128xi32, #tpu.memory_space<vmem>>, vector<16xi32>,
      %add3A_91 = arith.constant 48 : i32
      %add3A_92 = arith.addi %mul3A_36, %add3A_91 : i32
      %get3A_93 = arith.index_cast %add3A_92 : i32 to index
      %get3A_94 = tpu.vector_load %arg10[%get3A_93] {strides = array<i32>} : memref<10240xi32, #tpu.memory_space<vmem>>, vector<16xi32>,
      %get3A_95 = vector.shape_cast %get3A_94 : vector<16xi32> to vector<16xi32>
      %ge3A_96 = vector.broadcast %mul3A_0 : i32 to vector<16xi32>
      %ge3A_97 = arith.cmpi sge, %get3A_95, %ge3A_96 : vector<16xi32>
      %add3A_98 = arith.constant 5000 : i32
      %add3A_99 = arith.addi %mul3A_0, %add3A_98 : i32
      %lt3A_100 = vector.broadcast %add3A_99 : i32 to vector<16xi32>
      %lt3A_101 = arith.cmpi slt, %get3A_95, %lt3A_100 : vector<16xi32>
      %and3A_102 = arith.andi %ge3A_97, %lt3A_101 : vector<16xi1>
      %sub3A_103 = vector.broadcast %mul3A_0 : i32 to vector<16xi32>
      %sub3A_104 = arith.subi %get3A_95, %sub3A_103 : vector<16xi32>
      %jit3A_105 = arith.constant 5000 : i32
      %broadcast_in_dim3A_106 = vector.broadcast %jit3A_105 : i32 to vector<16xi32>
      %select_n3A_107 = arith.select %and3A_102, %sub3A_104, %broadcast_in_dim3A_106 : vector<16xi1>, vector<16xi32>
      %swap3A_108 = arith.constant 48 : index
      %swap3A_109 = tpu.vector_load %arg11[%swap3A_108] {strides = array<i32>} : memref<128xi32, #tpu.memory_space<vmem>>, vector<16xi32>,
      %swap3A_110 = vector.shape_cast %swap3A_109 : vector<16xi32> to vector<16xi32>
      %swap3A_111 = vector.shape_cast %select_n3A_107 : vector<16xi32> to vector<16xi32>
      tpu.vector_store %arg11[%swap3A_108], %swap3A_111 {strides = array<i32>} : memref<128xi32, #tpu.memory_space<vmem>>, vector<16xi32>,
      %add3A_112 = arith.constant 64 : i32
      %add3A_113 = arith.addi %mul3A_36, %add3A_112 : i32
      %get3A_114 = arith.index_cast %add3A_113 : i32 to index
      %get3A_115 = tpu.vector_load %arg10[%get3A_114] {strides = array<i32>} : memref<10240xi32, #tpu.memory_space<vmem>>, vector<16xi32>,
      %get3A_116 = vector.shape_cast %get3A_115 : vector<16xi32> to vector<16xi32>
      %ge3A_117 = vector.broadcast %mul3A_0 : i32 to vector<16xi32>
      %ge3A_118 = arith.cmpi sge, %get3A_116, %ge3A_117 : vector<16xi32>
      %add3A_119 = arith.constant 5000 : i32
      %add3A_120 = arith.addi %mul3A_0, %add3A_119 : i32
      %lt3A_121 = vector.broadcast %add3A_120 : i32 to vector<16xi32>
      %lt3A_122 = arith.cmpi slt, %get3A_116, %lt3A_121 : vector<16xi32>
      %and3A_123 = arith.andi %ge3A_118, %lt3A_122 : vector<16xi1>
      %sub3A_124 = vector.broadcast %mul3A_0 : i32 to vector<16xi32>
      %sub3A_125 = arith.subi %get3A_116, %sub3A_124 : vector<16xi32>
      %jit3A_126 = arith.constant 5000 : i32
      %broadcast_in_dim3A_127 = vector.broadcast %jit3A_126 : i32 to vector<16xi32>
      %select_n3A_128 = arith.select %and3A_123, %sub3A_125, %broadcast_in_dim3A_127 : vector<16xi1>, vector<16xi32>
      %swap3A_129 = arith.constant 64 : index
      %swap3A_130 = tpu.vector_load %arg11[%swap3A_129] {strides = array<i32>} : memref<128xi32, #tpu.memory_space<vmem>>, vector<16xi32>,
      %swap3A_131 = vector.shape_cast %swap3A_130 : vector<16xi32> to vector<16xi32>
      %swap3A_132 = vector.shape_cast %select_n3A_128 : vector<16xi32> to vector<16xi32>
      tpu.vector_store %arg11[%swap3A_129], %swap3A_132 {strides = array<i32>} : memref<128xi32, #tpu.memory_space<vmem>>, vector<16xi32>,
      %add3A_133 = arith.constant 80 : i32
      %add3A_134 = arith.addi %mul3A_36, %add3A_133 : i32
      %get3A_135 = arith.index_cast %add3A_134 : i32 to index
      %get3A_136 = tpu.vector_load %arg10[%get3A_135] {strides = array<i32>} : memref<10240xi32, #tpu.memory_space<vmem>>, vector<16xi32>,
      %get3A_137 = vector.shape_cast %get3A_136 : vector<16xi32> to vector<16xi32>
      %ge3A_138 = vector.broadcast %mul3A_0 : i32 to vector<16xi32>
      %ge3A_139 = arith.cmpi sge, %get3A_137, %ge3A_138 : vector<16xi32>
      %add3A_140 = arith.constant 5000 : i32
      %add3A_141 = arith.addi %mul3A_0, %add3A_140 : i32
      %lt3A_142 = vector.broadcast %add3A_141 : i32 to vector<16xi32>
      %lt3A_143 = arith.cmpi slt, %get3A_137, %lt3A_142 : vector<16xi32>
      %and3A_144 = arith.andi %ge3A_139, %lt3A_143 : vector<16xi1>
      %sub3A_145 = vector.broadcast %mul3A_0 : i32 to vector<16xi32>
      %sub3A_146 = arith.subi %get3A_137, %sub3A_145 : vector<16xi32>
      %jit3A_147 = arith.constant 5000 : i32
      %broadcast_in_dim3A_148 = vector.broadcast %jit3A_147 : i32 to vector<16xi32>
      %select_n3A_149 = arith.select %and3A_144, %sub3A_146, %broadcast_in_dim3A_148 : vector<16xi1>, vector<16xi32>
      %swap3A_150 = arith.constant 80 : index
      %swap3A_151 = tpu.vector_load %arg11[%swap3A_150] {strides = array<i32>} : memref<128xi32, #tpu.memory_space<vmem>>, vector<16xi32>,
      %swap3A_152 = vector.shape_cast %swap3A_151 : vector<16xi32> to vector<16xi32>
      %swap3A_153 = vector.shape_cast %select_n3A_149 : vector<16xi32> to vector<16xi32>
      tpu.vector_store %arg11[%swap3A_150], %swap3A_153 {strides = array<i32>} : memref<128xi32, #tpu.memory_space<vmem>>, vector<16xi32>,
      %add3A_154 = arith.constant 96 : i32
      %add3A_155 = arith.addi %mul3A_36, %add3A_154 : i32
      %get3A_156 = arith.index_cast %add3A_155 : i32 to index
      %get3A_157 = tpu.vector_load %arg10[%get3A_156] {strides = array<i32>} : memref<10240xi32, #tpu.memory_space<vmem>>, vector<16xi32>,
      %get3A_158 = vector.shape_cast %get3A_157 : vector<16xi32> to vector<16xi32>
      %ge3A_159 = vector.broadcast %mul3A_0 : i32 to vector<16xi32>
      %ge3A_160 = arith.cmpi sge, %get3A_158, %ge3A_159 : vector<16xi32>
      %add3A_161 = arith.constant 5000 : i32
      %add3A_162 = arith.addi %mul3A_0, %add3A_161 : i32
      %lt3A_163 = vector.broadcast %add3A_162 : i32 to vector<16xi32>
      %lt3A_164 = arith.cmpi slt, %get3A_158, %lt3A_163 : vector<16xi32>
      %and3A_165 = arith.andi %ge3A_160, %lt3A_164 : vector<16xi1>
      %sub3A_166 = vector.broadcast %mul3A_0 : i32 to vector<16xi32>
      %sub3A_167 = arith.subi %get3A_158, %sub3A_166 : vector<16xi32>
      %jit3A_168 = arith.constant 5000 : i32
      %broadcast_in_dim3A_169 = vector.broadcast %jit3A_168 : i32 to vector<16xi32>
      %select_n3A_170 = arith.select %and3A_165, %sub3A_167, %broadcast_in_dim3A_169 : vector<16xi1>, vector<16xi32>
      %swap3A_171 = arith.constant 96 : index
      %swap3A_172 = tpu.vector_load %arg11[%swap3A_171] {strides = array<i32>} : memref<128xi32, #tpu.memory_space<vmem>>, vector<16xi32>,
      %swap3A_173 = vector.shape_cast %swap3A_172 : vector<16xi32> to vector<16xi32>
      %swap3A_174 = vector.shape_cast %select_n3A_170 : vector<16xi32> to vector<16xi32>
      tpu.vector_store %arg11[%swap3A_171], %swap3A_174 {strides = array<i32>} : memref<128xi32, #tpu.memory_space<vmem>>, vector<16xi32>,
      %add3A_175 = arith.constant 112 : i32
      %add3A_176 = arith.addi %mul3A_36, %add3A_175 : i32
      %get3A_177 = arith.index_cast %add3A_176 : i32 to index
      %get3A_178 = tpu.vector_load %arg10[%get3A_177] {strides = array<i32>} : memref<10240xi32, #tpu.memory_space<vmem>>, vector<16xi32>,
      %get3A_179 = vector.shape_cast %get3A_178 : vector<16xi32> to vector<16xi32>
      %ge3A_180 = vector.broadcast %mul3A_0 : i32 to vector<16xi32>
      %ge3A_181 = arith.cmpi sge, %get3A_179, %ge3A_180 : vector<16xi32>
      %add3A_182 = arith.constant 5000 : i32
      %add3A_183 = arith.addi %mul3A_0, %add3A_182 : i32
      %lt3A_184 = vector.broadcast %add3A_183 : i32 to vector<16xi32>
      %lt3A_185 = arith.cmpi slt, %get3A_179, %lt3A_184 : vector<16xi32>
      %and3A_186 = arith.andi %ge3A_181, %lt3A_185 : vector<16xi1>
      %sub3A_187 = vector.broadcast %mul3A_0 : i32 to vector<16xi32>
      %sub3A_188 = arith.subi %get3A_179, %sub3A_187 : vector<16xi32>
      %jit3A_189 = arith.constant 5000 : i32
      %broadcast_in_dim3A_190 = vector.broadcast %jit3A_189 : i32 to vector<16xi32>
      %select_n3A_191 = arith.select %and3A_186, %sub3A_188, %broadcast_in_dim3A_190 : vector<16xi1>, vector<16xi32>
      %swap3A_192 = arith.constant 112 : index
      %swap3A_193 = tpu.vector_load %arg11[%swap3A_192] {strides = array<i32>} : memref<128xi32, #tpu.memory_space<vmem>>, vector<16xi32>,
      %swap3A_194 = vector.shape_cast %swap3A_193 : vector<16xi32> to vector<16xi32>
      %swap3A_195 = vector.shape_cast %select_n3A_191 : vector<16xi32> to vector<16xi32>
      tpu.vector_store %arg11[%swap3A_192], %swap3A_195 {strides = array<i32>} : memref<128xi32, #tpu.memory_space<vmem>>, vector<16xi32>,
      %dma_start3A = tpu.memref_slice %arg9[%mul3A_36] : memref<10240xi32, #tpu.memory_space<vmem>> -> memref<128xi32, #tpu.memory_space<vmem>>
      %dma_start3A_196 = arith.constant 0 : i32
      %dma_start3A_197 = arith.constant 0 : i32
      %dma_start3A_198 = tpu.memref_slice %arg2[%dma_start3A_196, %dma_start3A_197] : memref<10000x128xf32, #tpu.memory_space<hbm>> -> memref<10000x128xf32, #tpu.memory_space<hbm>>
      tpu.enqueue_indirect_dma source(%dma_start3A_198 : memref<10000x128xf32, #tpu.memory_space<hbm>>) target(%arg12 : memref<128x128xf32, #tpu.memory_space<vmem>>) offsets(%dma_start3A : memref<128xi32, #tpu.memory_space<vmem>>) semaphore(%arg14 : memref<!tpu.dma_semaphore, #tpu.memory_space<semaphore_mem>>)
      %dma_wait3A = tpu.memref_slice %arg9[%mul3A_36] : memref<10240xi32, #tpu.memory_space<vmem>> -> memref<128xi32, #tpu.memory_space<vmem>>
      %dma_wait3A_199 = arith.constant 0 : i32
      %dma_wait3A_200 = arith.constant 0 : i32
      %dma_wait3A_201 = tpu.memref_slice %arg2[%dma_wait3A_199, %dma_wait3A_200] : memref<10000x128xf32, #tpu.memory_space<hbm>> -> memref<10000x128xf32, #tpu.memory_space<hbm>>
      tpu.wait_indirect_dma semaphore(%arg14 : memref<!tpu.dma_semaphore, #tpu.memory_space<semaphore_mem>>) src(%dma_wait3A_201 : memref<10000x128xf32, #tpu.memory_space<hbm>>) dst(%arg12 : memref<128x128xf32, #tpu.memory_space<vmem>>)
      "tpu.region"() ({
        %run_scoped3A = tpu.sem_alloc : memref<!tpu.dma_semaphore, #tpu.memory_space<semaphore_mem>>
        %dma_start3A_202 = arith.constant 0 : i32
        %dma_start3A_203 = arith.constant 0 : i32
        %dma_start3A_204 = tpu.memref_slice %arg13[%dma_start3A_202, %dma_start3A_203] : memref<5120x128xf32, #tpu.memory_space<vmem_shared>> -> memref<5120x128xf32, #tpu.memory_space<vmem_shared>>
        tpu.enqueue_indirect_dma source(%arg12 : memref<128x128xf32, #tpu.memory_space<vmem>>) target(%dma_start3A_204 : memref<5120x128xf32, #tpu.memory_space<vmem_shared>>) offsets(%arg11 : memref<128xi32, #tpu.memory_space<vmem>>) semaphore(%run_scoped3A : memref<!tpu.dma_semaphore, #tpu.memory_space<semaphore_mem>>) {add = true}
        %dma_wait3A_205 = arith.constant 0 : i32
        %dma_wait3A_206 = arith.constant 0 : i32
        %dma_wait3A_207 = tpu.memref_slice %arg13[%dma_wait3A_205, %dma_wait3A_206] : memref<5120x128xf32, #tpu.memory_space<vmem_shared>> -> memref<5120x128xf32, #tpu.memory_space<vmem_shared>>
        tpu.wait_indirect_dma semaphore(%run_scoped3A : memref<!tpu.dma_semaphore, #tpu.memory_space<semaphore_mem>>) src(%arg12 : memref<128x128xf32, #tpu.memory_space<vmem>>) dst(%dma_wait3A_207 : memref<5120x128xf32, #tpu.memory_space<vmem_shared>>)
        tpu.yield
      }) : () -> ()
    }
    %scan3A_8 = arith.constant 80 : i32
    %barrier3A_9 = arith.constant 0 : index
    tpu.barrier barrier_id(%barrier3A_9)
    %mul3A_10 = arith.constant 320 : i32
    %mul3A_11 = arith.muli %arg1, %mul3A_10 : i32
    %mul3A_12 = arith.constant 5120 : i32
    %mul3A_13 = arith.muli %arg0, %mul3A_12 : i32
    %mul3A_14 = arith.constant 320 : i32
    %mul3A_15 = arith.muli %arg1, %mul3A_14 : i32
    %add3A = arith.addi %mul3A_13, %mul3A_15 : i32
    "tpu.region"() ({
      %run_scoped3A = tpu.sem_alloc : memref<!tpu.dma_semaphore, #tpu.memory_space<semaphore_mem>>
      %dma_start3A = arith.constant 0 : i32
      %dma_start3A_34 = tpu.memref_slice %arg7[%add3A, %dma_start3A] : memref<10240x128xf32, #tpu.memory_space<hbm>> -> memref<320x128xf32, #tpu.memory_space<hbm>>
      %dma_start3A_35 = arith.constant 0 : i32
      %dma_start3A_36 = tpu.memref_slice %arg13[%mul3A_11, %dma_start3A_35] : memref<5120x128xf32, #tpu.memory_space<vmem_shared>> -> memref<320x128xf32, #tpu.memory_space<vmem_shared>>
      tpu.enqueue_dma source(%dma_start3A_36 : memref<320x128xf32, #tpu.memory_space<vmem_shared>>) target(%dma_start3A_34 : memref<320x128xf32, #tpu.memory_space<hbm>>) target_semaphore(%run_scoped3A : memref<!tpu.dma_semaphore, #tpu.memory_space<semaphore_mem>>)
      %dma_wait3A = arith.constant 0 : i32
      %dma_wait3A_37 = tpu.memref_slice %arg7[%add3A, %dma_wait3A] : memref<10240x128xf32, #tpu.memory_space<hbm>> -> memref<320x128xf32, #tpu.memory_space<hbm>>
      %dma_wait3A_38 = arith.constant 0 : i32
      %dma_wait3A_39 = tpu.memref_slice %arg13[%mul3A_11, %dma_wait3A_38] : memref<5120x128xf32, #tpu.memory_space<vmem_shared>> -> memref<320x128xf32, #tpu.memory_space<vmem_shared>>
      tpu.wait_dma2 semaphore(%run_scoped3A : memref<!tpu.dma_semaphore, #tpu.memory_space<semaphore_mem>>) src(%dma_wait3A_39 : memref<320x128xf32, #tpu.memory_space<vmem_shared>>) dst(%dma_wait3A_37 : memref<320x128xf32, #tpu.memory_space<hbm>>)
      tpu.yield
    }) : () -> ()
    %barrier3A_16 = arith.constant 0 : index
    tpu.barrier barrier_id(%barrier3A_16)
    %mul3A_17 = arith.constant 320 : i32
    %mul3A_18 = arith.muli %arg1, %mul3A_17 : i32
    "tpu.region"() ({
      %run_scoped3A = tpu.sem_alloc : memref<!tpu.dma_semaphore, #tpu.memory_space<semaphore_mem>>
      %dma_start3A = arith.constant 0 : i32
      %dma_start3A_34 = tpu.memref_slice %arg13[%mul3A_18, %dma_start3A] : memref<5120x128xf32, #tpu.memory_space<vmem_shared>> -> memref<320x128xf32, #tpu.memory_space<vmem_shared>>
      tpu.enqueue_dma source(%arg6 : memref<320x128xf32, #tpu.memory_space<hbm>>) target(%dma_start3A_34 : memref<320x128xf32, #tpu.memory_space<vmem_shared>>) target_semaphore(%run_scoped3A : memref<!tpu.dma_semaphore, #tpu.memory_space<semaphore_mem>>)
      %dma_wait3A = arith.constant 0 : i32
      %dma_wait3A_35 = tpu.memref_slice %arg13[%mul3A_18, %dma_wait3A] : memref<5120x128xf32, #tpu.memory_space<vmem_shared>> -> memref<320x128xf32, #tpu.memory_space<vmem_shared>>
      tpu.wait_dma2 semaphore(%run_scoped3A : memref<!tpu.dma_semaphore, #tpu.memory_space<semaphore_mem>>) src(%arg6 : memref<320x128xf32, #tpu.memory_space<hbm>>) dst(%dma_wait3A_35 : memref<320x128xf32, #tpu.memory_space<vmem_shared>>)
      tpu.yield
    }) : () -> ()
    %barrier3A_19 = arith.constant 0 : index
    tpu.barrier barrier_id(%barrier3A_19)
    %scan3A_20 = arith.constant 0 : i32
    %scan3A_21 = arith.constant 80 : i32
    %scan3A_22 = arith.addi %scan3A_20, %scan3A_21 : i32
    %scan3A_23 = arith.constant 1 : i32
    scf.for %scan3A_34 = %scan3A_20 to %scan3A_22 step %scan3A_23  : i32 {
      %mul3A_35 = arith.constant 128 : i32
      %mul3A_36 = arith.muli %scan3A_34, %mul3A_35 : i32
      %add3A_37 = arith.constant 0 : i32
      %add3A_38 = arith.addi %mul3A_36, %add3A_37 : i32
      %get3A = arith.index_cast %add3A_38 : i32 to index
      %get3A_39 = tpu.vector_load %arg10[%get3A] {strides = array<i32>} : memref<10240xi32, #tpu.memory_space<vmem>>, vector<16xi32>,
      %get3A_40 = vector.shape_cast %get3A_39 : vector<16xi32> to vector<16xi32>
      %ge3A = vector.broadcast %mul3A_0 : i32 to vector<16xi32>
      %ge3A_41 = arith.cmpi sge, %get3A_40, %ge3A : vector<16xi32>
      %add3A_42 = arith.constant 5000 : i32
      %add3A_43 = arith.addi %mul3A_0, %add3A_42 : i32
      %lt3A = vector.broadcast %add3A_43 : i32 to vector<16xi32>
      %lt3A_44 = arith.cmpi slt, %get3A_40, %lt3A : vector<16xi32>
      %and3A = arith.andi %ge3A_41, %lt3A_44 : vector<16xi1>
      %sub3A = vector.broadcast %mul3A_0 : i32 to vector<16xi32>
      %sub3A_45 = arith.subi %get3A_40, %sub3A : vector<16xi32>
      %jit3A = arith.constant 5000 : i32
      %broadcast_in_dim3A = vector.broadcast %jit3A : i32 to vector<16xi32>
      %select_n3A = arith.select %and3A, %sub3A_45, %broadcast_in_dim3A : vector<16xi1>, vector<16xi32>
      %swap3A = arith.constant 0 : index
      %swap3A_46 = tpu.vector_load %arg11[%swap3A] {strides = array<i32>} : memref<128xi32, #tpu.memory_space<vmem>>, vector<16xi32>,
      %swap3A_47 = vector.shape_cast %swap3A_46 : vector<16xi32> to vector<16xi32>
      %swap3A_48 = vector.shape_cast %select_n3A : vector<16xi32> to vector<16xi32>
      tpu.vector_store %arg11[%swap3A], %swap3A_48 {strides = array<i32>} : memref<128xi32, #tpu.memory_space<vmem>>, vector<16xi32>,
      %add3A_49 = arith.constant 16 : i32
      %add3A_50 = arith.addi %mul3A_36, %add3A_49 : i32
      %get3A_51 = arith.index_cast %add3A_50 : i32 to index
      %get3A_52 = tpu.vector_load %arg10[%get3A_51] {strides = array<i32>} : memref<10240xi32, #tpu.memory_space<vmem>>, vector<16xi32>,
      %get3A_53 = vector.shape_cast %get3A_52 : vector<16xi32> to vector<16xi32>
      %ge3A_54 = vector.broadcast %mul3A_0 : i32 to vector<16xi32>
      %ge3A_55 = arith.cmpi sge, %get3A_53, %ge3A_54 : vector<16xi32>
      %add3A_56 = arith.constant 5000 : i32
      %add3A_57 = arith.addi %mul3A_0, %add3A_56 : i32
      %lt3A_58 = vector.broadcast %add3A_57 : i32 to vector<16xi32>
      %lt3A_59 = arith.cmpi slt, %get3A_53, %lt3A_58 : vector<16xi32>
      %and3A_60 = arith.andi %ge3A_55, %lt3A_59 : vector<16xi1>
      %sub3A_61 = vector.broadcast %mul3A_0 : i32 to vector<16xi32>
      %sub3A_62 = arith.subi %get3A_53, %sub3A_61 : vector<16xi32>
      %jit3A_63 = arith.constant 5000 : i32
      %broadcast_in_dim3A_64 = vector.broadcast %jit3A_63 : i32 to vector<16xi32>
      %select_n3A_65 = arith.select %and3A_60, %sub3A_62, %broadcast_in_dim3A_64 : vector<16xi1>, vector<16xi32>
      %swap3A_66 = arith.constant 16 : index
      %swap3A_67 = tpu.vector_load %arg11[%swap3A_66] {strides = array<i32>} : memref<128xi32, #tpu.memory_space<vmem>>, vector<16xi32>,
      %swap3A_68 = vector.shape_cast %swap3A_67 : vector<16xi32> to vector<16xi32>
      %swap3A_69 = vector.shape_cast %select_n3A_65 : vector<16xi32> to vector<16xi32>
      tpu.vector_store %arg11[%swap3A_66], %swap3A_69 {strides = array<i32>} : memref<128xi32, #tpu.memory_space<vmem>>, vector<16xi32>,
      %add3A_70 = arith.constant 32 : i32
      %add3A_71 = arith.addi %mul3A_36, %add3A_70 : i32
      %get3A_72 = arith.index_cast %add3A_71 : i32 to index
      %get3A_73 = tpu.vector_load %arg10[%get3A_72] {strides = array<i32>} : memref<10240xi32, #tpu.memory_space<vmem>>, vector<16xi32>,
      %get3A_74 = vector.shape_cast %get3A_73 : vector<16xi32> to vector<16xi32>
      %ge3A_75 = vector.broadcast %mul3A_0 : i32 to vector<16xi32>
      %ge3A_76 = arith.cmpi sge, %get3A_74, %ge3A_75 : vector<16xi32>
      %add3A_77 = arith.constant 5000 : i32
      %add3A_78 = arith.addi %mul3A_0, %add3A_77 : i32
      %lt3A_79 = vector.broadcast %add3A_78 : i32 to vector<16xi32>
      %lt3A_80 = arith.cmpi slt, %get3A_74, %lt3A_79 : vector<16xi32>
      %and3A_81 = arith.andi %ge3A_76, %lt3A_80 : vector<16xi1>
      %sub3A_82 = vector.broadcast %mul3A_0 : i32 to vector<16xi32>
      %sub3A_83 = arith.subi %get3A_74, %sub3A_82 : vector<16xi32>
      %jit3A_84 = arith.constant 5000 : i32
      %broadcast_in_dim3A_85 = vector.broadcast %jit3A_84 : i32 to vector<16xi32>
      %select_n3A_86 = arith.select %and3A_81, %sub3A_83, %broadcast_in_dim3A_85 : vector<16xi1>, vector<16xi32>
      %swap3A_87 = arith.constant 32 : index
      %swap3A_88 = tpu.vector_load %arg11[%swap3A_87] {strides = array<i32>} : memref<128xi32, #tpu.memory_space<vmem>>, vector<16xi32>,
      %swap3A_89 = vector.shape_cast %swap3A_88 : vector<16xi32> to vector<16xi32>
      %swap3A_90 = vector.shape_cast %select_n3A_86 : vector<16xi32> to vector<16xi32>
      tpu.vector_store %arg11[%swap3A_87], %swap3A_90 {strides = array<i32>} : memref<128xi32, #tpu.memory_space<vmem>>, vector<16xi32>,
      %add3A_91 = arith.constant 48 : i32
      %add3A_92 = arith.addi %mul3A_36, %add3A_91 : i32
      %get3A_93 = arith.index_cast %add3A_92 : i32 to index
      %get3A_94 = tpu.vector_load %arg10[%get3A_93] {strides = array<i32>} : memref<10240xi32, #tpu.memory_space<vmem>>, vector<16xi32>,
      %get3A_95 = vector.shape_cast %get3A_94 : vector<16xi32> to vector<16xi32>
      %ge3A_96 = vector.broadcast %mul3A_0 : i32 to vector<16xi32>
      %ge3A_97 = arith.cmpi sge, %get3A_95, %ge3A_96 : vector<16xi32>
      %add3A_98 = arith.constant 5000 : i32
      %add3A_99 = arith.addi %mul3A_0, %add3A_98 : i32
      %lt3A_100 = vector.broadcast %add3A_99 : i32 to vector<16xi32>
      %lt3A_101 = arith.cmpi slt, %get3A_95, %lt3A_100 : vector<16xi32>
      %and3A_102 = arith.andi %ge3A_97, %lt3A_101 : vector<16xi1>
      %sub3A_103 = vector.broadcast %mul3A_0 : i32 to vector<16xi32>
      %sub3A_104 = arith.subi %get3A_95, %sub3A_103 : vector<16xi32>
      %jit3A_105 = arith.constant 5000 : i32
      %broadcast_in_dim3A_106 = vector.broadcast %jit3A_105 : i32 to vector<16xi32>
      %select_n3A_107 = arith.select %and3A_102, %sub3A_104, %broadcast_in_dim3A_106 : vector<16xi1>, vector<16xi32>
      %swap3A_108 = arith.constant 48 : index
      %swap3A_109 = tpu.vector_load %arg11[%swap3A_108] {strides = array<i32>} : memref<128xi32, #tpu.memory_space<vmem>>, vector<16xi32>,
      %swap3A_110 = vector.shape_cast %swap3A_109 : vector<16xi32> to vector<16xi32>
      %swap3A_111 = vector.shape_cast %select_n3A_107 : vector<16xi32> to vector<16xi32>
      tpu.vector_store %arg11[%swap3A_108], %swap3A_111 {strides = array<i32>} : memref<128xi32, #tpu.memory_space<vmem>>, vector<16xi32>,
      %add3A_112 = arith.constant 64 : i32
      %add3A_113 = arith.addi %mul3A_36, %add3A_112 : i32
      %get3A_114 = arith.index_cast %add3A_113 : i32 to index
      %get3A_115 = tpu.vector_load %arg10[%get3A_114] {strides = array<i32>} : memref<10240xi32, #tpu.memory_space<vmem>>, vector<16xi32>,
      %get3A_116 = vector.shape_cast %get3A_115 : vector<16xi32> to vector<16xi32>
      %ge3A_117 = vector.broadcast %mul3A_0 : i32 to vector<16xi32>
      %ge3A_118 = arith.cmpi sge, %get3A_116, %ge3A_117 : vector<16xi32>
      %add3A_119 = arith.constant 5000 : i32
      %add3A_120 = arith.addi %mul3A_0, %add3A_119 : i32
      %lt3A_121 = vector.broadcast %add3A_120 : i32 to vector<16xi32>
      %lt3A_122 = arith.cmpi slt, %get3A_116, %lt3A_121 : vector<16xi32>
      %and3A_123 = arith.andi %ge3A_118, %lt3A_122 : vector<16xi1>
      %sub3A_124 = vector.broadcast %mul3A_0 : i32 to vector<16xi32>
      %sub3A_125 = arith.subi %get3A_116, %sub3A_124 : vector<16xi32>
      %jit3A_126 = arith.constant 5000 : i32
      %broadcast_in_dim3A_127 = vector.broadcast %jit3A_126 : i32 to vector<16xi32>
      %select_n3A_128 = arith.select %and3A_123, %sub3A_125, %broadcast_in_dim3A_127 : vector<16xi1>, vector<16xi32>
      %swap3A_129 = arith.constant 64 : index
      %swap3A_130 = tpu.vector_load %arg11[%swap3A_129] {strides = array<i32>} : memref<128xi32, #tpu.memory_space<vmem>>, vector<16xi32>,
      %swap3A_131 = vector.shape_cast %swap3A_130 : vector<16xi32> to vector<16xi32>
      %swap3A_132 = vector.shape_cast %select_n3A_128 : vector<16xi32> to vector<16xi32>
      tpu.vector_store %arg11[%swap3A_129], %swap3A_132 {strides = array<i32>} : memref<128xi32, #tpu.memory_space<vmem>>, vector<16xi32>,
      %add3A_133 = arith.constant 80 : i32
      %add3A_134 = arith.addi %mul3A_36, %add3A_133 : i32
      %get3A_135 = arith.index_cast %add3A_134 : i32 to index
      %get3A_136 = tpu.vector_load %arg10[%get3A_135] {strides = array<i32>} : memref<10240xi32, #tpu.memory_space<vmem>>, vector<16xi32>,
      %get3A_137 = vector.shape_cast %get3A_136 : vector<16xi32> to vector<16xi32>
      %ge3A_138 = vector.broadcast %mul3A_0 : i32 to vector<16xi32>
      %ge3A_139 = arith.cmpi sge, %get3A_137, %ge3A_138 : vector<16xi32>
      %add3A_140 = arith.constant 5000 : i32
      %add3A_141 = arith.addi %mul3A_0, %add3A_140 : i32
      %lt3A_142 = vector.broadcast %add3A_141 : i32 to vector<16xi32>
      %lt3A_143 = arith.cmpi slt, %get3A_137, %lt3A_142 : vector<16xi32>
      %and3A_144 = arith.andi %ge3A_139, %lt3A_143 : vector<16xi1>
      %sub3A_145 = vector.broadcast %mul3A_0 : i32 to vector<16xi32>
      %sub3A_146 = arith.subi %get3A_137, %sub3A_145 : vector<16xi32>
      %jit3A_147 = arith.constant 5000 : i32
      %broadcast_in_dim3A_148 = vector.broadcast %jit3A_147 : i32 to vector<16xi32>
      %select_n3A_149 = arith.select %and3A_144, %sub3A_146, %broadcast_in_dim3A_148 : vector<16xi1>, vector<16xi32>
      %swap3A_150 = arith.constant 80 : index
      %swap3A_151 = tpu.vector_load %arg11[%swap3A_150] {strides = array<i32>} : memref<128xi32, #tpu.memory_space<vmem>>, vector<16xi32>,
      %swap3A_152 = vector.shape_cast %swap3A_151 : vector<16xi32> to vector<16xi32>
      %swap3A_153 = vector.shape_cast %select_n3A_149 : vector<16xi32> to vector<16xi32>
      tpu.vector_store %arg11[%swap3A_150], %swap3A_153 {strides = array<i32>} : memref<128xi32, #tpu.memory_space<vmem>>, vector<16xi32>,
      %add3A_154 = arith.constant 96 : i32
      %add3A_155 = arith.addi %mul3A_36, %add3A_154 : i32
      %get3A_156 = arith.index_cast %add3A_155 : i32 to index
      %get3A_157 = tpu.vector_load %arg10[%get3A_156] {strides = array<i32>} : memref<10240xi32, #tpu.memory_space<vmem>>, vector<16xi32>,
      %get3A_158 = vector.shape_cast %get3A_157 : vector<16xi32> to vector<16xi32>
      %ge3A_159 = vector.broadcast %mul3A_0 : i32 to vector<16xi32>
      %ge3A_160 = arith.cmpi sge, %get3A_158, %ge3A_159 : vector<16xi32>
      %add3A_161 = arith.constant 5000 : i32
      %add3A_162 = arith.addi %mul3A_0, %add3A_161 : i32
      %lt3A_163 = vector.broadcast %add3A_162 : i32 to vector<16xi32>
      %lt3A_164 = arith.cmpi slt, %get3A_158, %lt3A_163 : vector<16xi32>
      %and3A_165 = arith.andi %ge3A_160, %lt3A_164 : vector<16xi1>
      %sub3A_166 = vector.broadcast %mul3A_0 : i32 to vector<16xi32>
      %sub3A_167 = arith.subi %get3A_158, %sub3A_166 : vector<16xi32>
      %jit3A_168 = arith.constant 5000 : i32
      %broadcast_in_dim3A_169 = vector.broadcast %jit3A_168 : i32 to vector<16xi32>
      %select_n3A_170 = arith.select %and3A_165, %sub3A_167, %broadcast_in_dim3A_169 : vector<16xi1>, vector<16xi32>
      %swap3A_171 = arith.constant 96 : index
      %swap3A_172 = tpu.vector_load %arg11[%swap3A_171] {strides = array<i32>} : memref<128xi32, #tpu.memory_space<vmem>>, vector<16xi32>,
      %swap3A_173 = vector.shape_cast %swap3A_172 : vector<16xi32> to vector<16xi32>
      %swap3A_174 = vector.shape_cast %select_n3A_170 : vector<16xi32> to vector<16xi32>
      tpu.vector_store %arg11[%swap3A_171], %swap3A_174 {strides = array<i32>} : memref<128xi32, #tpu.memory_space<vmem>>, vector<16xi32>,
      %add3A_175 = arith.constant 112 : i32
      %add3A_176 = arith.addi %mul3A_36, %add3A_175 : i32
      %get3A_177 = arith.index_cast %add3A_176 : i32 to index
      %get3A_178 = tpu.vector_load %arg10[%get3A_177] {strides = array<i32>} : memref<10240xi32, #tpu.memory_space<vmem>>, vector<16xi32>,
      %get3A_179 = vector.shape_cast %get3A_178 : vector<16xi32> to vector<16xi32>
      %ge3A_180 = vector.broadcast %mul3A_0 : i32 to vector<16xi32>
      %ge3A_181 = arith.cmpi sge, %get3A_179, %ge3A_180 : vector<16xi32>
      %add3A_182 = arith.constant 5000 : i32
      %add3A_183 = arith.addi %mul3A_0, %add3A_182 : i32
      %lt3A_184 = vector.broadcast %add3A_183 : i32 to vector<16xi32>
      %lt3A_185 = arith.cmpi slt, %get3A_179, %lt3A_184 : vector<16xi32>
      %and3A_186 = arith.andi %ge3A_181, %lt3A_185 : vector<16xi1>
      %sub3A_187 = vector.broadcast %mul3A_0 : i32 to vector<16xi32>
      %sub3A_188 = arith.subi %get3A_179, %sub3A_187 : vector<16xi32>
      %jit3A_189 = arith.constant 5000 : i32
      %broadcast_in_dim3A_190 = vector.broadcast %jit3A_189 : i32 to vector<16xi32>
      %select_n3A_191 = arith.select %and3A_186, %sub3A_188, %broadcast_in_dim3A_190 : vector<16xi1>, vector<16xi32>
      %swap3A_192 = arith.constant 112 : index
      %swap3A_193 = tpu.vector_load %arg11[%swap3A_192] {strides = array<i32>} : memref<128xi32, #tpu.memory_space<vmem>>, vector<16xi32>,
      %swap3A_194 = vector.shape_cast %swap3A_193 : vector<16xi32> to vector<16xi32>
      %swap3A_195 = vector.shape_cast %select_n3A_191 : vector<16xi32> to vector<16xi32>
      tpu.vector_store %arg11[%swap3A_192], %swap3A_195 {strides = array<i32>} : memref<128xi32, #tpu.memory_space<vmem>>, vector<16xi32>,
      %dma_start3A = tpu.memref_slice %arg9[%mul3A_36] : memref<10240xi32, #tpu.memory_space<vmem>> -> memref<128xi32, #tpu.memory_space<vmem>>
      %dma_start3A_196 = arith.constant 0 : i32
      %dma_start3A_197 = arith.constant 0 : i32
      %dma_start3A_198 = tpu.memref_slice %arg3[%dma_start3A_196, %dma_start3A_197] : memref<10000x128xf32, #tpu.memory_space<hbm>> -> memref<10000x128xf32, #tpu.memory_space<hbm>>
      tpu.enqueue_indirect_dma source(%dma_start3A_198 : memref<10000x128xf32, #tpu.memory_space<hbm>>) target(%arg12 : memref<128x128xf32, #tpu.memory_space<vmem>>) offsets(%dma_start3A : memref<128xi32, #tpu.memory_space<vmem>>) semaphore(%arg14 : memref<!tpu.dma_semaphore, #tpu.memory_space<semaphore_mem>>)
      %dma_wait3A = tpu.memref_slice %arg9[%mul3A_36] : memref<10240xi32, #tpu.memory_space<vmem>> -> memref<128xi32, #tpu.memory_space<vmem>>
      %dma_wait3A_199 = arith.constant 0 : i32
      %dma_wait3A_200 = arith.constant 0 : i32
      %dma_wait3A_201 = tpu.memref_slice %arg3[%dma_wait3A_199, %dma_wait3A_200] : memref<10000x128xf32, #tpu.memory_space<hbm>> -> memref<10000x128xf32, #tpu.memory_space<hbm>>
      tpu.wait_indirect_dma semaphore(%arg14 : memref<!tpu.dma_semaphore, #tpu.memory_space<semaphore_mem>>) src(%dma_wait3A_201 : memref<10000x128xf32, #tpu.memory_space<hbm>>) dst(%arg12 : memref<128x128xf32, #tpu.memory_space<vmem>>)
      "tpu.region"() ({
        %run_scoped3A = tpu.sem_alloc : memref<!tpu.dma_semaphore, #tpu.memory_space<semaphore_mem>>
        %dma_start3A_202 = arith.constant 0 : i32
        %dma_start3A_203 = arith.constant 0 : i32
        %dma_start3A_204 = tpu.memref_slice %arg13[%dma_start3A_202, %dma_start3A_203] : memref<5120x128xf32, #tpu.memory_space<vmem_shared>> -> memref<5120x128xf32, #tpu.memory_space<vmem_shared>>
        tpu.enqueue_indirect_dma source(%arg12 : memref<128x128xf32, #tpu.memory_space<vmem>>) target(%dma_start3A_204 : memref<5120x128xf32, #tpu.memory_space<vmem_shared>>) offsets(%arg11 : memref<128xi32, #tpu.memory_space<vmem>>) semaphore(%run_scoped3A : memref<!tpu.dma_semaphore, #tpu.memory_space<semaphore_mem>>) {add = true}
        %dma_wait3A_205 = arith.constant 0 : i32
        %dma_wait3A_206 = arith.constant 0 : i32
        %dma_wait3A_207 = tpu.memref_slice %arg13[%dma_wait3A_205, %dma_wait3A_206] : memref<5120x128xf32, #tpu.memory_space<vmem_shared>> -> memref<5120x128xf32, #tpu.memory_space<vmem_shared>>
        tpu.wait_indirect_dma semaphore(%run_scoped3A : memref<!tpu.dma_semaphore, #tpu.memory_space<semaphore_mem>>) src(%arg12 : memref<128x128xf32, #tpu.memory_space<vmem>>) dst(%dma_wait3A_207 : memref<5120x128xf32, #tpu.memory_space<vmem_shared>>)
        tpu.yield
      }) : () -> ()
    }
    %scan3A_24 = arith.constant 80 : i32
    %barrier3A_25 = arith.constant 0 : index
    tpu.barrier barrier_id(%barrier3A_25)
    %mul3A_26 = arith.constant 320 : i32
    %mul3A_27 = arith.muli %arg1, %mul3A_26 : i32
    %mul3A_28 = arith.constant 5120 : i32
    %mul3A_29 = arith.muli %arg0, %mul3A_28 : i32
    %mul3A_30 = arith.constant 320 : i32
    %mul3A_31 = arith.muli %arg1, %mul3A_30 : i32
    %add3A_32 = arith.addi %mul3A_29, %mul3A_31 : i32
    "tpu.region"() ({
      %run_scoped3A = tpu.sem_alloc : memref<!tpu.dma_semaphore, #tpu.memory_space<semaphore_mem>>
      %dma_start3A = arith.constant 0 : i32
      %dma_start3A_34 = tpu.memref_slice %arg8[%add3A_32, %dma_start3A] : memref<10240x128xf32, #tpu.memory_space<hbm>> -> memref<320x128xf32, #tpu.memory_space<hbm>>
      %dma_start3A_35 = arith.constant 0 : i32
      %dma_start3A_36 = tpu.memref_slice %arg13[%mul3A_27, %dma_start3A_35] : memref<5120x128xf32, #tpu.memory_space<vmem_shared>> -> memref<320x128xf32, #tpu.memory_space<vmem_shared>>
      tpu.enqueue_dma source(%dma_start3A_36 : memref<320x128xf32, #tpu.memory_space<vmem_shared>>) target(%dma_start3A_34 : memref<320x128xf32, #tpu.memory_space<hbm>>) target_semaphore(%run_scoped3A : memref<!tpu.dma_semaphore, #tpu.memory_space<semaphore_mem>>)
      %dma_wait3A = arith.constant 0 : i32
      %dma_wait3A_37 = tpu.memref_slice %arg8[%add3A_32, %dma_wait3A] : memref<10240x128xf32, #tpu.memory_space<hbm>> -> memref<320x128xf32, #tpu.memory_space<hbm>>
      %dma_wait3A_38 = arith.constant 0 : i32
      %dma_wait3A_39 = tpu.memref_slice %arg13[%mul3A_27, %dma_wait3A_38] : memref<5120x128xf32, #tpu.memory_space<vmem_shared>> -> memref<320x128xf32, #tpu.memory_space<vmem_shared>>
      tpu.wait_dma2 semaphore(%run_scoped3A : memref<!tpu.dma_semaphore, #tpu.memory_space<semaphore_mem>>) src(%dma_wait3A_39 : memref<320x128xf32, #tpu.memory_space<vmem_shared>>) dst(%dma_wait3A_37 : memref<320x128xf32, #tpu.memory_space<hbm>>)
      tpu.yield
    }) : () -> ()
    %barrier3A_33 = arith.constant 0 : index
    tpu.barrier barrier_id(%barrier3A_33)
    return
  }
}

#map = affine_map<(d0, d1) -> (0, 0)>
#map1 = affine_map<(d0, d1) -> (0)>
module attributes {stable_mosaic.version = 14 : i64} {
  func.func @k(%arg0: i32, %arg1: i32, %arg2: memref<10000x128xf32, #tpu.memory_space<hbm>>, %arg3: memref<10000x128xf32, #tpu.memory_space<hbm>>, %arg4: memref<163840xi32, #tpu.memory_space<hbm>>, %arg5: memref<163840xi32, #tpu.memory_space<hbm>>, %arg6: memref<320x128xf32, #tpu.memory_space<hbm>>, %arg7: memref<10240x128xf32, #tpu.memory_space<hbm>>, %arg8: memref<10240x128xf32, #tpu.memory_space<hbm>>, %arg9: memref<10240xi32, #tpu.memory_space<vmem>>, %arg10: memref<10240xi32, #tpu.memory_space<vmem>>, %arg11: memref<128xi32, #tpu.memory_space<vmem>>, %arg12: memref<128x128xf32, #tpu.memory_space<vmem>>, %arg13: memref<5120x128xf32, #tpu.memory_space<vmem_shared>>, %arg14: memref<!tpu.dma_semaphore, #tpu.memory_space<semaphore_mem>>) attributes {dimension_semantics = [#tpu.dimension_semantics<core_parallel>, #tpu.dimension_semantics<subcore_parallel>], iteration_bounds = array<i64: 2, 16>, scalar_prefetch = 0 : i64, scratch_operands = 6 : i64, tpu.core_type = #tpu.core_type<sc_vector_subcore>, window_params = [{transform_indices = #map}, {transform_indices = #map}, {transform_indices = #map1}, {transform_indices = #map1}, {transform_indices = #map}, {transform_indices = #map}, {transform_indices = #map}]} {
    %mul3A = arith.constant 5000 : i32
    %mul3A_0 = arith.muli %arg0, %mul3A : i32
    %mul3A_1 = arith.constant 10240 : i32
    %mul3A_2 = arith.muli %arg1, %mul3A_1 : i32
    "tpu.region"() ({
      %run_scoped3A = tpu.sem_alloc : memref<!tpu.dma_semaphore, #tpu.memory_space<semaphore_mem>>
      %dma_start3A = tpu.memref_slice %arg4[%mul3A_2] : memref<163840xi32, #tpu.memory_space<hbm>> -> memref<10240xi32, #tpu.memory_space<hbm>>
      %dma_start3A_34 = tpu.memref_slice %arg4[%mul3A_2] : memref<163840xi32, #tpu.memory_space<hbm>> -> memref<10240xi32, #tpu.memory_space<hbm>>
      tpu.enqueue_dma source(%dma_start3A_34 : memref<10240xi32, #tpu.memory_space<hbm>>) target(%arg9 : memref<10240xi32, #tpu.memory_space<vmem>>) target_semaphore(%run_scoped3A : memref<!tpu.dma_semaphore, #tpu.memory_space<semaphore_mem>>)
      %dma_wait3A = tpu.memref_slice %arg4[%mul3A_2] : memref<163840xi32, #tpu.memory_space<hbm>> -> memref<10240xi32, #tpu.memory_space<hbm>>
      %dma_wait3A_35 = tpu.memref_slice %arg4[%mul3A_2] : memref<163840xi32, #tpu.memory_space<hbm>> -> memref<10240xi32, #tpu.memory_space<hbm>>
      tpu.wait_dma2 semaphore(%run_scoped3A : memref<!tpu.dma_semaphore, #tpu.memory_space<semaphore_mem>>) src(%dma_wait3A_35 : memref<10240xi32, #tpu.memory_space<hbm>>) dst(%arg9 : memref<10240xi32, #tpu.memory_space<vmem>>)
      tpu.yield
    }) : () -> ()
    "tpu.region"() ({
      %run_scoped3A = tpu.sem_alloc : memref<!tpu.dma_semaphore, #tpu.memory_space<semaphore_mem>>
      %dma_start3A = tpu.memref_slice %arg5[%mul3A_2] : memref<163840xi32, #tpu.memory_space<hbm>> -> memref<10240xi32, #tpu.memory_space<hbm>>
      %dma_start3A_34 = tpu.memref_slice %arg5[%mul3A_2] : memref<163840xi32, #tpu.memory_space<hbm>> -> memref<10240xi32, #tpu.memory_space<hbm>>
      tpu.enqueue_dma source(%dma_start3A_34 : memref<10240xi32, #tpu.memory_space<hbm>>) target(%arg10 : memref<10240xi32, #tpu.memory_space<vmem>>) target_semaphore(%run_scoped3A : memref<!tpu.dma_semaphore, #tpu.memory_space<semaphore_mem>>)
      %dma_wait3A = tpu.memref_slice %arg5[%mul3A_2] : memref<163840xi32, #tpu.memory_space<hbm>> -> memref<10240xi32, #tpu.memory_space<hbm>>
      %dma_wait3A_35 = tpu.memref_slice %arg5[%mul3A_2] : memref<163840xi32, #tpu.memory_space<hbm>> -> memref<10240xi32, #tpu.memory_space<hbm>>
      tpu.wait_dma2 semaphore(%run_scoped3A : memref<!tpu.dma_semaphore, #tpu.memory_space<semaphore_mem>>) src(%dma_wait3A_35 : memref<10240xi32, #tpu.memory_space<hbm>>) dst(%arg10 : memref<10240xi32, #tpu.memory_space<vmem>>)
      tpu.yield
    }) : () -> ()
    %mul3A_3 = arith.constant 320 : i32
    %mul3A_4 = arith.muli %arg1, %mul3A_3 : i32
    "tpu.region"() ({
      %run_scoped3A = tpu.sem_alloc : memref<!tpu.dma_semaphore, #tpu.memory_space<semaphore_mem>>
      %dma_start3A = arith.constant 0 : i32
      %dma_start3A_34 = tpu.memref_slice %arg13[%mul3A_4, %dma_start3A] : memref<5120x128xf32, #tpu.memory_space<vmem_shared>> -> memref<320x128xf32, #tpu.memory_space<vmem_shared>>
      tpu.enqueue_dma source(%arg6 : memref<320x128xf32, #tpu.memory_space<hbm>>) target(%dma_start3A_34 : memref<320x128xf32, #tpu.memory_space<vmem_shared>>) target_semaphore(%run_scoped3A : memref<!tpu.dma_semaphore, #tpu.memory_space<semaphore_mem>>)
      %dma_wait3A = arith.constant 0 : i32
      %dma_wait3A_35 = tpu.memref_slice %arg13[%mul3A_4, %dma_wait3A] : memref<5120x128xf32, #tpu.memory_space<vmem_shared>> -> memref<320x128xf32, #tpu.memory_space<vmem_shared>>
      tpu.wait_dma2 semaphore(%run_scoped3A : memref<!tpu.dma_semaphore, #tpu.memory_space<semaphore_mem>>) src(%arg6 : memref<320x128xf32, #tpu.memory_space<hbm>>) dst(%dma_wait3A_35 : memref<320x128xf32, #tpu.memory_space<vmem_shared>>)
      tpu.yield
    }) : () -> ()
    %barrier3A = arith.constant 0 : index
    tpu.barrier barrier_id(%barrier3A)
    %scan3A = arith.constant 0 : i32
    %scan3A_5 = arith.constant 80 : i32
    %scan3A_6 = arith.addi %scan3A, %scan3A_5 : i32
    %scan3A_7 = arith.constant 1 : i32
    scf.for %scan3A_34 = %scan3A to %scan3A_6 step %scan3A_7  : i32 {
      %mul3A_35 = arith.constant 128 : i32
      %mul3A_36 = arith.muli %scan3A_34, %mul3A_35 : i32
      %add3A_37 = arith.constant 0 : i32
      %add3A_38 = arith.addi %mul3A_36, %add3A_37 : i32
      %get3A = arith.index_cast %add3A_38 : i32 to index
      %get3A_39 = tpu.vector_load %arg10[%get3A] {strides = array<i32>} : memref<10240xi32, #tpu.memory_space<vmem>>, vector<16xi32>,
      %get3A_40 = vector.shape_cast %get3A_39 : vector<16xi32> to vector<16xi32>
      %ge3A = vector.broadcast %mul3A_0 : i32 to vector<16xi32>
      %ge3A_41 = arith.cmpi sge, %get3A_40, %ge3A : vector<16xi32>
      %add3A_42 = arith.constant 5000 : i32
      %add3A_43 = arith.addi %mul3A_0, %add3A_42 : i32
      %lt3A = vector.broadcast %add3A_43 : i32 to vector<16xi32>
      %lt3A_44 = arith.cmpi slt, %get3A_40, %lt3A : vector<16xi32>
      %and3A = arith.andi %ge3A_41, %lt3A_44 : vector<16xi1>
      %sub3A = vector.broadcast %mul3A_0 : i32 to vector<16xi32>
      %sub3A_45 = arith.subi %get3A_40, %sub3A : vector<16xi32>
      %jit3A = arith.constant 5000 : i32
      %broadcast_in_dim3A = vector.broadcast %jit3A : i32 to vector<16xi32>
      %select_n3A = arith.select %and3A, %sub3A_45, %broadcast_in_dim3A : vector<16xi1>, vector<16xi32>
      %swap3A = arith.constant 0 : index
      %swap3A_46 = tpu.vector_load %arg11[%swap3A] {strides = array<i32>} : memref<128xi32, #tpu.memory_space<vmem>>, vector<16xi32>,
      %swap3A_47 = vector.shape_cast %swap3A_46 : vector<16xi32> to vector<16xi32>
      %swap3A_48 = vector.shape_cast %select_n3A : vector<16xi32> to vector<16xi32>
      tpu.vector_store %arg11[%swap3A], %swap3A_48 {strides = array<i32>} : memref<128xi32, #tpu.memory_space<vmem>>, vector<16xi32>,
      %add3A_49 = arith.constant 16 : i32
      %add3A_50 = arith.addi %mul3A_36, %add3A_49 : i32
      %get3A_51 = arith.index_cast %add3A_50 : i32 to index
      %get3A_52 = tpu.vector_load %arg10[%get3A_51] {strides = array<i32>} : memref<10240xi32, #tpu.memory_space<vmem>>, vector<16xi32>,
      %get3A_53 = vector.shape_cast %get3A_52 : vector<16xi32> to vector<16xi32>
      %ge3A_54 = vector.broadcast %mul3A_0 : i32 to vector<16xi32>
      %ge3A_55 = arith.cmpi sge, %get3A_53, %ge3A_54 : vector<16xi32>
      %add3A_56 = arith.constant 5000 : i32
      %add3A_57 = arith.addi %mul3A_0, %add3A_56 : i32
      %lt3A_58 = vector.broadcast %add3A_57 : i32 to vector<16xi32>
      %lt3A_59 = arith.cmpi slt, %get3A_53, %lt3A_58 : vector<16xi32>
      %and3A_60 = arith.andi %ge3A_55, %lt3A_59 : vector<16xi1>
      %sub3A_61 = vector.broadcast %mul3A_0 : i32 to vector<16xi32>
      %sub3A_62 = arith.subi %get3A_53, %sub3A_61 : vector<16xi32>
      %jit3A_63 = arith.constant 5000 : i32
      %broadcast_in_dim3A_64 = vector.broadcast %jit3A_63 : i32 to vector<16xi32>
      %select_n3A_65 = arith.select %and3A_60, %sub3A_62, %broadcast_in_dim3A_64 : vector<16xi1>, vector<16xi32>
      %swap3A_66 = arith.constant 16 : index
      %swap3A_67 = tpu.vector_load %arg11[%swap3A_66] {strides = array<i32>} : memref<128xi32, #tpu.memory_space<vmem>>, vector<16xi32>,
      %swap3A_68 = vector.shape_cast %swap3A_67 : vector<16xi32> to vector<16xi32>
      %swap3A_69 = vector.shape_cast %select_n3A_65 : vector<16xi32> to vector<16xi32>
      tpu.vector_store %arg11[%swap3A_66], %swap3A_69 {strides = array<i32>} : memref<128xi32, #tpu.memory_space<vmem>>, vector<16xi32>,
      %add3A_70 = arith.constant 32 : i32
      %add3A_71 = arith.addi %mul3A_36, %add3A_70 : i32
      %get3A_72 = arith.index_cast %add3A_71 : i32 to index
      %get3A_73 = tpu.vector_load %arg10[%get3A_72] {strides = array<i32>} : memref<10240xi32, #tpu.memory_space<vmem>>, vector<16xi32>,
      %get3A_74 = vector.shape_cast %get3A_73 : vector<16xi32> to vector<16xi32>
      %ge3A_75 = vector.broadcast %mul3A_0 : i32 to vector<16xi32>
      %ge3A_76 = arith.cmpi sge, %get3A_74, %ge3A_75 : vector<16xi32>
      %add3A_77 = arith.constant 5000 : i32
      %add3A_78 = arith.addi %mul3A_0, %add3A_77 : i32
      %lt3A_79 = vector.broadcast %add3A_78 : i32 to vector<16xi32>
      %lt3A_80 = arith.cmpi slt, %get3A_74, %lt3A_79 : vector<16xi32>
      %and3A_81 = arith.andi %ge3A_76, %lt3A_80 : vector<16xi1>
      %sub3A_82 = vector.broadcast %mul3A_0 : i32 to vector<16xi32>
      %sub3A_83 = arith.subi %get3A_74, %sub3A_82 : vector<16xi32>
      %jit3A_84 = arith.constant 5000 : i32
      %broadcast_in_dim3A_85 = vector.broadcast %jit3A_84 : i32 to vector<16xi32>
      %select_n3A_86 = arith.select %and3A_81, %sub3A_83, %broadcast_in_dim3A_85 : vector<16xi1>, vector<16xi32>
      %swap3A_87 = arith.constant 32 : index
      %swap3A_88 = tpu.vector_load %arg11[%swap3A_87] {strides = array<i32>} : memref<128xi32, #tpu.memory_space<vmem>>, vector<16xi32>,
      %swap3A_89 = vector.shape_cast %swap3A_88 : vector<16xi32> to vector<16xi32>
      %swap3A_90 = vector.shape_cast %select_n3A_86 : vector<16xi32> to vector<16xi32>
      tpu.vector_store %arg11[%swap3A_87], %swap3A_90 {strides = array<i32>} : memref<128xi32, #tpu.memory_space<vmem>>, vector<16xi32>,
      %add3A_91 = arith.constant 48 : i32
      %add3A_92 = arith.addi %mul3A_36, %add3A_91 : i32
      %get3A_93 = arith.index_cast %add3A_92 : i32 to index
      %get3A_94 = tpu.vector_load %arg10[%get3A_93] {strides = array<i32>} : memref<10240xi32, #tpu.memory_space<vmem>>, vector<16xi32>,
      %get3A_95 = vector.shape_cast %get3A_94 : vector<16xi32> to vector<16xi32>
      %ge3A_96 = vector.broadcast %mul3A_0 : i32 to vector<16xi32>
      %ge3A_97 = arith.cmpi sge, %get3A_95, %ge3A_96 : vector<16xi32>
      %add3A_98 = arith.constant 5000 : i32
      %add3A_99 = arith.addi %mul3A_0, %add3A_98 : i32
      %lt3A_100 = vector.broadcast %add3A_99 : i32 to vector<16xi32>
      %lt3A_101 = arith.cmpi slt, %get3A_95, %lt3A_100 : vector<16xi32>
      %and3A_102 = arith.andi %ge3A_97, %lt3A_101 : vector<16xi1>
      %sub3A_103 = vector.broadcast %mul3A_0 : i32 to vector<16xi32>
      %sub3A_104 = arith.subi %get3A_95, %sub3A_103 : vector<16xi32>
      %jit3A_105 = arith.constant 5000 : i32
      %broadcast_in_dim3A_106 = vector.broadcast %jit3A_105 : i32 to vector<16xi32>
      %select_n3A_107 = arith.select %and3A_102, %sub3A_104, %broadcast_in_dim3A_106 : vector<16xi1>, vector<16xi32>
      %swap3A_108 = arith.constant 48 : index
      %swap3A_109 = tpu.vector_load %arg11[%swap3A_108] {strides = array<i32>} : memref<128xi32, #tpu.memory_space<vmem>>, vector<16xi32>,
      %swap3A_110 = vector.shape_cast %swap3A_109 : vector<16xi32> to vector<16xi32>
      %swap3A_111 = vector.shape_cast %select_n3A_107 : vector<16xi32> to vector<16xi32>
      tpu.vector_store %arg11[%swap3A_108], %swap3A_111 {strides = array<i32>} : memref<128xi32, #tpu.memory_space<vmem>>, vector<16xi32>,
      %add3A_112 = arith.constant 64 : i32
      %add3A_113 = arith.addi %mul3A_36, %add3A_112 : i32
      %get3A_114 = arith.index_cast %add3A_113 : i32 to index
      %get3A_115 = tpu.vector_load %arg10[%get3A_114] {strides = array<i32>} : memref<10240xi32, #tpu.memory_space<vmem>>, vector<16xi32>,
      %get3A_116 = vector.shape_cast %get3A_115 : vector<16xi32> to vector<16xi32>
      %ge3A_117 = vector.broadcast %mul3A_0 : i32 to vector<16xi32>
      %ge3A_118 = arith.cmpi sge, %get3A_116, %ge3A_117 : vector<16xi32>
      %add3A_119 = arith.constant 5000 : i32
      %add3A_120 = arith.addi %mul3A_0, %add3A_119 : i32
      %lt3A_121 = vector.broadcast %add3A_120 : i32 to vector<16xi32>
      %lt3A_122 = arith.cmpi slt, %get3A_116, %lt3A_121 : vector<16xi32>
      %and3A_123 = arith.andi %ge3A_118, %lt3A_122 : vector<16xi1>
      %sub3A_124 = vector.broadcast %mul3A_0 : i32 to vector<16xi32>
      %sub3A_125 = arith.subi %get3A_116, %sub3A_124 : vector<16xi32>
      %jit3A_126 = arith.constant 5000 : i32
      %broadcast_in_dim3A_127 = vector.broadcast %jit3A_126 : i32 to vector<16xi32>
      %select_n3A_128 = arith.select %and3A_123, %sub3A_125, %broadcast_in_dim3A_127 : vector<16xi1>, vector<16xi32>
      %swap3A_129 = arith.constant 64 : index
      %swap3A_130 = tpu.vector_load %arg11[%swap3A_129] {strides = array<i32>} : memref<128xi32, #tpu.memory_space<vmem>>, vector<16xi32>,
      %swap3A_131 = vector.shape_cast %swap3A_130 : vector<16xi32> to vector<16xi32>
      %swap3A_132 = vector.shape_cast %select_n3A_128 : vector<16xi32> to vector<16xi32>
      tpu.vector_store %arg11[%swap3A_129], %swap3A_132 {strides = array<i32>} : memref<128xi32, #tpu.memory_space<vmem>>, vector<16xi32>,
      %add3A_133 = arith.constant 80 : i32
      %add3A_134 = arith.addi %mul3A_36, %add3A_133 : i32
      %get3A_135 = arith.index_cast %add3A_134 : i32 to index
      %get3A_136 = tpu.vector_load %arg10[%get3A_135] {strides = array<i32>} : memref<10240xi32, #tpu.memory_space<vmem>>, vector<16xi32>,
      %get3A_137 = vector.shape_cast %get3A_136 : vector<16xi32> to vector<16xi32>
      %ge3A_138 = vector.broadcast %mul3A_0 : i32 to vector<16xi32>
      %ge3A_139 = arith.cmpi sge, %get3A_137, %ge3A_138 : vector<16xi32>
      %add3A_140 = arith.constant 5000 : i32
      %add3A_141 = arith.addi %mul3A_0, %add3A_140 : i32
      %lt3A_142 = vector.broadcast %add3A_141 : i32 to vector<16xi32>
      %lt3A_143 = arith.cmpi slt, %get3A_137, %lt3A_142 : vector<16xi32>
      %and3A_144 = arith.andi %ge3A_139, %lt3A_143 : vector<16xi1>
      %sub3A_145 = vector.broadcast %mul3A_0 : i32 to vector<16xi32>
      %sub3A_146 = arith.subi %get3A_137, %sub3A_145 : vector<16xi32>
      %jit3A_147 = arith.constant 5000 : i32
      %broadcast_in_dim3A_148 = vector.broadcast %jit3A_147 : i32 to vector<16xi32>
      %select_n3A_149 = arith.select %and3A_144, %sub3A_146, %broadcast_in_dim3A_148 : vector<16xi1>, vector<16xi32>
      %swap3A_150 = arith.constant 80 : index
      %swap3A_151 = tpu.vector_load %arg11[%swap3A_150] {strides = array<i32>} : memref<128xi32, #tpu.memory_space<vmem>>, vector<16xi32>,
      %swap3A_152 = vector.shape_cast %swap3A_151 : vector<16xi32> to vector<16xi32>
      %swap3A_153 = vector.shape_cast %select_n3A_149 : vector<16xi32> to vector<16xi32>
      tpu.vector_store %arg11[%swap3A_150], %swap3A_153 {strides = array<i32>} : memref<128xi32, #tpu.memory_space<vmem>>, vector<16xi32>,
      %add3A_154 = arith.constant 96 : i32
      %add3A_155 = arith.addi %mul3A_36, %add3A_154 : i32
      %get3A_156 = arith.index_cast %add3A_155 : i32 to index
      %get3A_157 = tpu.vector_load %arg10[%get3A_156] {strides = array<i32>} : memref<10240xi32, #tpu.memory_space<vmem>>, vector<16xi32>,
      %get3A_158 = vector.shape_cast %get3A_157 : vector<16xi32> to vector<16xi32>
      %ge3A_159 = vector.broadcast %mul3A_0 : i32 to vector<16xi32>
      %ge3A_160 = arith.cmpi sge, %get3A_158, %ge3A_159 : vector<16xi32>
      %add3A_161 = arith.constant 5000 : i32
      %add3A_162 = arith.addi %mul3A_0, %add3A_161 : i32
      %lt3A_163 = vector.broadcast %add3A_162 : i32 to vector<16xi32>
      %lt3A_164 = arith.cmpi slt, %get3A_158, %lt3A_163 : vector<16xi32>
      %and3A_165 = arith.andi %ge3A_160, %lt3A_164 : vector<16xi1>
      %sub3A_166 = vector.broadcast %mul3A_0 : i32 to vector<16xi32>
      %sub3A_167 = arith.subi %get3A_158, %sub3A_166 : vector<16xi32>
      %jit3A_168 = arith.constant 5000 : i32
      %broadcast_in_dim3A_169 = vector.broadcast %jit3A_168 : i32 to vector<16xi32>
      %select_n3A_170 = arith.select %and3A_165, %sub3A_167, %broadcast_in_dim3A_169 : vector<16xi1>, vector<16xi32>
      %swap3A_171 = arith.constant 96 : index
      %swap3A_172 = tpu.vector_load %arg11[%swap3A_171] {strides = array<i32>} : memref<128xi32, #tpu.memory_space<vmem>>, vector<16xi32>,
      %swap3A_173 = vector.shape_cast %swap3A_172 : vector<16xi32> to vector<16xi32>
      %swap3A_174 = vector.shape_cast %select_n3A_170 : vector<16xi32> to vector<16xi32>
      tpu.vector_store %arg11[%swap3A_171], %swap3A_174 {strides = array<i32>} : memref<128xi32, #tpu.memory_space<vmem>>, vector<16xi32>,
      %add3A_175 = arith.constant 112 : i32
      %add3A_176 = arith.addi %mul3A_36, %add3A_175 : i32
      %get3A_177 = arith.index_cast %add3A_176 : i32 to index
      %get3A_178 = tpu.vector_load %arg10[%get3A_177] {strides = array<i32>} : memref<10240xi32, #tpu.memory_space<vmem>>, vector<16xi32>,
      %get3A_179 = vector.shape_cast %get3A_178 : vector<16xi32> to vector<16xi32>
      %ge3A_180 = vector.broadcast %mul3A_0 : i32 to vector<16xi32>
      %ge3A_181 = arith.cmpi sge, %get3A_179, %ge3A_180 : vector<16xi32>
      %add3A_182 = arith.constant 5000 : i32
      %add3A_183 = arith.addi %mul3A_0, %add3A_182 : i32
      %lt3A_184 = vector.broadcast %add3A_183 : i32 to vector<16xi32>
      %lt3A_185 = arith.cmpi slt, %get3A_179, %lt3A_184 : vector<16xi32>
      %and3A_186 = arith.andi %ge3A_181, %lt3A_185 : vector<16xi1>
      %sub3A_187 = vector.broadcast %mul3A_0 : i32 to vector<16xi32>
      %sub3A_188 = arith.subi %get3A_179, %sub3A_187 : vector<16xi32>
      %jit3A_189 = arith.constant 5000 : i32
      %broadcast_in_dim3A_190 = vector.broadcast %jit3A_189 : i32 to vector<16xi32>
      %select_n3A_191 = arith.select %and3A_186, %sub3A_188, %broadcast_in_dim3A_190 : vector<16xi1>, vector<16xi32>
      %swap3A_192 = arith.constant 112 : index
      %swap3A_193 = tpu.vector_load %arg11[%swap3A_192] {strides = array<i32>} : memref<128xi32, #tpu.memory_space<vmem>>, vector<16xi32>,
      %swap3A_194 = vector.shape_cast %swap3A_193 : vector<16xi32> to vector<16xi32>
      %swap3A_195 = vector.shape_cast %select_n3A_191 : vector<16xi32> to vector<16xi32>
      tpu.vector_store %arg11[%swap3A_192], %swap3A_195 {strides = array<i32>} : memref<128xi32, #tpu.memory_space<vmem>>, vector<16xi32>,
      %dma_start3A = tpu.memref_slice %arg9[%mul3A_36] : memref<10240xi32, #tpu.memory_space<vmem>> -> memref<128xi32, #tpu.memory_space<vmem>>
      %dma_start3A_196 = arith.constant 0 : i32
      %dma_start3A_197 = arith.constant 0 : i32
      %dma_start3A_198 = tpu.memref_slice %arg2[%dma_start3A_196, %dma_start3A_197] : memref<10000x128xf32, #tpu.memory_space<hbm>> -> memref<10000x128xf32, #tpu.memory_space<hbm>>
      tpu.enqueue_indirect_dma source(%dma_start3A_198 : memref<10000x128xf32, #tpu.memory_space<hbm>>) target(%arg12 : memref<128x128xf32, #tpu.memory_space<vmem>>) offsets(%dma_start3A : memref<128xi32, #tpu.memory_space<vmem>>) semaphore(%arg14 : memref<!tpu.dma_semaphore, #tpu.memory_space<semaphore_mem>>)
      %dma_wait3A = tpu.memref_slice %arg9[%mul3A_36] : memref<10240xi32, #tpu.memory_space<vmem>> -> memref<128xi32, #tpu.memory_space<vmem>>
      %dma_wait3A_199 = arith.constant 0 : i32
      %dma_wait3A_200 = arith.constant 0 : i32
      %dma_wait3A_201 = tpu.memref_slice %arg2[%dma_wait3A_199, %dma_wait3A_200] : memref<10000x128xf32, #tpu.memory_space<hbm>> -> memref<10000x128xf32, #tpu.memory_space<hbm>>
      tpu.wait_indirect_dma semaphore(%arg14 : memref<!tpu.dma_semaphore, #tpu.memory_space<semaphore_mem>>) src(%dma_wait3A_201 : memref<10000x128xf32, #tpu.memory_space<hbm>>) dst(%arg12 : memref<128x128xf32, #tpu.memory_space<vmem>>)
      "tpu.region"() ({
        %run_scoped3A = tpu.sem_alloc : memref<!tpu.dma_semaphore, #tpu.memory_space<semaphore_mem>>
        %dma_start3A_202 = arith.constant 0 : i32
        %dma_start3A_203 = arith.constant 0 : i32
        %dma_start3A_204 = tpu.memref_slice %arg13[%dma_start3A_202, %dma_start3A_203] : memref<5120x128xf32, #tpu.memory_space<vmem_shared>> -> memref<5120x128xf32, #tpu.memory_space<vmem_shared>>
        tpu.enqueue_indirect_dma source(%arg12 : memref<128x128xf32, #tpu.memory_space<vmem>>) target(%dma_start3A_204 : memref<5120x128xf32, #tpu.memory_space<vmem_shared>>) offsets(%arg11 : memref<128xi32, #tpu.memory_space<vmem>>) semaphore(%run_scoped3A : memref<!tpu.dma_semaphore, #tpu.memory_space<semaphore_mem>>) {add = true}
        %dma_wait3A_205 = arith.constant 0 : i32
        %dma_wait3A_206 = arith.constant 0 : i32
        %dma_wait3A_207 = tpu.memref_slice %arg13[%dma_wait3A_205, %dma_wait3A_206] : memref<5120x128xf32, #tpu.memory_space<vmem_shared>> -> memref<5120x128xf32, #tpu.memory_space<vmem_shared>>
        tpu.wait_indirect_dma semaphore(%run_scoped3A : memref<!tpu.dma_semaphore, #tpu.memory_space<semaphore_mem>>) src(%arg12 : memref<128x128xf32, #tpu.memory_space<vmem>>) dst(%dma_wait3A_207 : memref<5120x128xf32, #tpu.memory_space<vmem_shared>>)
        tpu.yield
      }) : () -> ()
    }
    %scan3A_8 = arith.constant 80 : i32
    %barrier3A_9 = arith.constant 0 : index
    tpu.barrier barrier_id(%barrier3A_9)
    %mul3A_10 = arith.constant 320 : i32
    %mul3A_11 = arith.muli %arg1, %mul3A_10 : i32
    %mul3A_12 = arith.constant 5120 : i32
    %mul3A_13 = arith.muli %arg0, %mul3A_12 : i32
    %mul3A_14 = arith.constant 320 : i32
    %mul3A_15 = arith.muli %arg1, %mul3A_14 : i32
    %add3A = arith.addi %mul3A_13, %mul3A_15 : i32
    "tpu.region"() ({
      %run_scoped3A = tpu.sem_alloc : memref<!tpu.dma_semaphore, #tpu.memory_space<semaphore_mem>>
      %dma_start3A = arith.constant 0 : i32
      %dma_start3A_34 = tpu.memref_slice %arg7[%add3A, %dma_start3A] : memref<10240x128xf32, #tpu.memory_space<hbm>> -> memref<320x128xf32, #tpu.memory_space<hbm>>
      %dma_start3A_35 = arith.constant 0 : i32
      %dma_start3A_36 = tpu.memref_slice %arg13[%mul3A_11, %dma_start3A_35] : memref<5120x128xf32, #tpu.memory_space<vmem_shared>> -> memref<320x128xf32, #tpu.memory_space<vmem_shared>>
      tpu.enqueue_dma source(%dma_start3A_36 : memref<320x128xf32, #tpu.memory_space<vmem_shared>>) target(%dma_start3A_34 : memref<320x128xf32, #tpu.memory_space<hbm>>) target_semaphore(%run_scoped3A : memref<!tpu.dma_semaphore, #tpu.memory_space<semaphore_mem>>)
      %dma_wait3A = arith.constant 0 : i32
      %dma_wait3A_37 = tpu.memref_slice %arg7[%add3A, %dma_wait3A] : memref<10240x128xf32, #tpu.memory_space<hbm>> -> memref<320x128xf32, #tpu.memory_space<hbm>>
      %dma_wait3A_38 = arith.constant 0 : i32
      %dma_wait3A_39 = tpu.memref_slice %arg13[%mul3A_11, %dma_wait3A_38] : memref<5120x128xf32, #tpu.memory_space<vmem_shared>> -> memref<320x128xf32, #tpu.memory_space<vmem_shared>>
      tpu.wait_dma2 semaphore(%run_scoped3A : memref<!tpu.dma_semaphore, #tpu.memory_space<semaphore_mem>>) src(%dma_wait3A_39 : memref<320x128xf32, #tpu.memory_space<vmem_shared>>) dst(%dma_wait3A_37 : memref<320x128xf32, #tpu.memory_space<hbm>>)
      tpu.yield
    }) : () -> ()
    %barrier3A_16 = arith.constant 0 : index
    tpu.barrier barrier_id(%barrier3A_16)
    %mul3A_17 = arith.constant 320 : i32
    %mul3A_18 = arith.muli %arg1, %mul3A_17 : i32
    "tpu.region"() ({
      %run_scoped3A = tpu.sem_alloc : memref<!tpu.dma_semaphore, #tpu.memory_space<semaphore_mem>>
      %dma_start3A = arith.constant 0 : i32
      %dma_start3A_34 = tpu.memref_slice %arg13[%mul3A_18, %dma_start3A] : memref<5120x128xf32, #tpu.memory_space<vmem_shared>> -> memref<320x128xf32, #tpu.memory_space<vmem_shared>>
      tpu.enqueue_dma source(%arg6 : memref<320x128xf32, #tpu.memory_space<hbm>>) target(%dma_start3A_34 : memref<320x128xf32, #tpu.memory_space<vmem_shared>>) target_semaphore(%run_scoped3A : memref<!tpu.dma_semaphore, #tpu.memory_space<semaphore_mem>>)
      %dma_wait3A = arith.constant 0 : i32
      %dma_wait3A_35 = tpu.memref_slice %arg13[%mul3A_18, %dma_wait3A] : memref<5120x128xf32, #tpu.memory_space<vmem_shared>> -> memref<320x128xf32, #tpu.memory_space<vmem_shared>>
      tpu.wait_dma2 semaphore(%run_scoped3A : memref<!tpu.dma_semaphore, #tpu.memory_space<semaphore_mem>>) src(%arg6 : memref<320x128xf32, #tpu.memory_space<hbm>>) dst(%dma_wait3A_35 : memref<320x128xf32, #tpu.memory_space<vmem_shared>>)
      tpu.yield
    }) : () -> ()
    %barrier3A_19 = arith.constant 0 : index
    tpu.barrier barrier_id(%barrier3A_19)
    %scan3A_20 = arith.constant 0 : i32
    %scan3A_21 = arith.constant 80 : i32
    %scan3A_22 = arith.addi %scan3A_20, %scan3A_21 : i32
    %scan3A_23 = arith.constant 1 : i32
    scf.for %scan3A_34 = %scan3A_20 to %scan3A_22 step %scan3A_23  : i32 {
      %mul3A_35 = arith.constant 128 : i32
      %mul3A_36 = arith.muli %scan3A_34, %mul3A_35 : i32
      %add3A_37 = arith.constant 0 : i32
      %add3A_38 = arith.addi %mul3A_36, %add3A_37 : i32
      %get3A = arith.index_cast %add3A_38 : i32 to index
      %get3A_39 = tpu.vector_load %arg10[%get3A] {strides = array<i32>} : memref<10240xi32, #tpu.memory_space<vmem>>, vector<16xi32>,
      %get3A_40 = vector.shape_cast %get3A_39 : vector<16xi32> to vector<16xi32>
      %ge3A = vector.broadcast %mul3A_0 : i32 to vector<16xi32>
      %ge3A_41 = arith.cmpi sge, %get3A_40, %ge3A : vector<16xi32>
      %add3A_42 = arith.constant 5000 : i32
      %add3A_43 = arith.addi %mul3A_0, %add3A_42 : i32
      %lt3A = vector.broadcast %add3A_43 : i32 to vector<16xi32>
      %lt3A_44 = arith.cmpi slt, %get3A_40, %lt3A : vector<16xi32>
      %and3A = arith.andi %ge3A_41, %lt3A_44 : vector<16xi1>
      %sub3A = vector.broadcast %mul3A_0 : i32 to vector<16xi32>
      %sub3A_45 = arith.subi %get3A_40, %sub3A : vector<16xi32>
      %jit3A = arith.constant 5000 : i32
      %broadcast_in_dim3A = vector.broadcast %jit3A : i32 to vector<16xi32>
      %select_n3A = arith.select %and3A, %sub3A_45, %broadcast_in_dim3A : vector<16xi1>, vector<16xi32>
      %swap3A = arith.constant 0 : index
      %swap3A_46 = tpu.vector_load %arg11[%swap3A] {strides = array<i32>} : memref<128xi32, #tpu.memory_space<vmem>>, vector<16xi32>,
      %swap3A_47 = vector.shape_cast %swap3A_46 : vector<16xi32> to vector<16xi32>
      %swap3A_48 = vector.shape_cast %select_n3A : vector<16xi32> to vector<16xi32>
      tpu.vector_store %arg11[%swap3A], %swap3A_48 {strides = array<i32>} : memref<128xi32, #tpu.memory_space<vmem>>, vector<16xi32>,
      %add3A_49 = arith.constant 16 : i32
      %add3A_50 = arith.addi %mul3A_36, %add3A_49 : i32
      %get3A_51 = arith.index_cast %add3A_50 : i32 to index
      %get3A_52 = tpu.vector_load %arg10[%get3A_51] {strides = array<i32>} : memref<10240xi32, #tpu.memory_space<vmem>>, vector<16xi32>,
      %get3A_53 = vector.shape_cast %get3A_52 : vector<16xi32> to vector<16xi32>
      %ge3A_54 = vector.broadcast %mul3A_0 : i32 to vector<16xi32>
      %ge3A_55 = arith.cmpi sge, %get3A_53, %ge3A_54 : vector<16xi32>
      %add3A_56 = arith.constant 5000 : i32
      %add3A_57 = arith.addi %mul3A_0, %add3A_56 : i32
      %lt3A_58 = vector.broadcast %add3A_57 : i32 to vector<16xi32>
      %lt3A_59 = arith.cmpi slt, %get3A_53, %lt3A_58 : vector<16xi32>
      %and3A_60 = arith.andi %ge3A_55, %lt3A_59 : vector<16xi1>
      %sub3A_61 = vector.broadcast %mul3A_0 : i32 to vector<16xi32>
      %sub3A_62 = arith.subi %get3A_53, %sub3A_61 : vector<16xi32>
      %jit3A_63 = arith.constant 5000 : i32
      %broadcast_in_dim3A_64 = vector.broadcast %jit3A_63 : i32 to vector<16xi32>
      %select_n3A_65 = arith.select %and3A_60, %sub3A_62, %broadcast_in_dim3A_64 : vector<16xi1>, vector<16xi32>
      %swap3A_66 = arith.constant 16 : index
      %swap3A_67 = tpu.vector_load %arg11[%swap3A_66] {strides = array<i32>} : memref<128xi32, #tpu.memory_space<vmem>>, vector<16xi32>,
      %swap3A_68 = vector.shape_cast %swap3A_67 : vector<16xi32> to vector<16xi32>
      %swap3A_69 = vector.shape_cast %select_n3A_65 : vector<16xi32> to vector<16xi32>
      tpu.vector_store %arg11[%swap3A_66], %swap3A_69 {strides = array<i32>} : memref<128xi32, #tpu.memory_space<vmem>>, vector<16xi32>,
      %add3A_70 = arith.constant 32 : i32
      %add3A_71 = arith.addi %mul3A_36, %add3A_70 : i32
      %get3A_72 = arith.index_cast %add3A_71 : i32 to index
      %get3A_73 = tpu.vector_load %arg10[%get3A_72] {strides = array<i32>} : memref<10240xi32, #tpu.memory_space<vmem>>, vector<16xi32>,
      %get3A_74 = vector.shape_cast %get3A_73 : vector<16xi32> to vector<16xi32>
      %ge3A_75 = vector.broadcast %mul3A_0 : i32 to vector<16xi32>
      %ge3A_76 = arith.cmpi sge, %get3A_74, %ge3A_75 : vector<16xi32>
      %add3A_77 = arith.constant 5000 : i32
      %add3A_78 = arith.addi %mul3A_0, %add3A_77 : i32
      %lt3A_79 = vector.broadcast %add3A_78 : i32 to vector<16xi32>
      %lt3A_80 = arith.cmpi slt, %get3A_74, %lt3A_79 : vector<16xi32>
      %and3A_81 = arith.andi %ge3A_76, %lt3A_80 : vector<16xi1>
      %sub3A_82 = vector.broadcast %mul3A_0 : i32 to vector<16xi32>
      %sub3A_83 = arith.subi %get3A_74, %sub3A_82 : vector<16xi32>
      %jit3A_84 = arith.constant 5000 : i32
      %broadcast_in_dim3A_85 = vector.broadcast %jit3A_84 : i32 to vector<16xi32>
      %select_n3A_86 = arith.select %and3A_81, %sub3A_83, %broadcast_in_dim3A_85 : vector<16xi1>, vector<16xi32>
      %swap3A_87 = arith.constant 32 : index
      %swap3A_88 = tpu.vector_load %arg11[%swap3A_87] {strides = array<i32>} : memref<128xi32, #tpu.memory_space<vmem>>, vector<16xi32>,
      %swap3A_89 = vector.shape_cast %swap3A_88 : vector<16xi32> to vector<16xi32>
      %swap3A_90 = vector.shape_cast %select_n3A_86 : vector<16xi32> to vector<16xi32>
      tpu.vector_store %arg11[%swap3A_87], %swap3A_90 {strides = array<i32>} : memref<128xi32, #tpu.memory_space<vmem>>, vector<16xi32>,
      %add3A_91 = arith.constant 48 : i32
      %add3A_92 = arith.addi %mul3A_36, %add3A_91 : i32
      %get3A_93 = arith.index_cast %add3A_92 : i32 to index
      %get3A_94 = tpu.vector_load %arg10[%get3A_93] {strides = array<i32>} : memref<10240xi32, #tpu.memory_space<vmem>>, vector<16xi32>,
      %get3A_95 = vector.shape_cast %get3A_94 : vector<16xi32> to vector<16xi32>
      %ge3A_96 = vector.broadcast %mul3A_0 : i32 to vector<16xi32>
      %ge3A_97 = arith.cmpi sge, %get3A_95, %ge3A_96 : vector<16xi32>
      %add3A_98 = arith.constant 5000 : i32
      %add3A_99 = arith.addi %mul3A_0, %add3A_98 : i32
      %lt3A_100 = vector.broadcast %add3A_99 : i32 to vector<16xi32>
      %lt3A_101 = arith.cmpi slt, %get3A_95, %lt3A_100 : vector<16xi32>
      %and3A_102 = arith.andi %ge3A_97, %lt3A_101 : vector<16xi1>
      %sub3A_103 = vector.broadcast %mul3A_0 : i32 to vector<16xi32>
      %sub3A_104 = arith.subi %get3A_95, %sub3A_103 : vector<16xi32>
      %jit3A_105 = arith.constant 5000 : i32
      %broadcast_in_dim3A_106 = vector.broadcast %jit3A_105 : i32 to vector<16xi32>
      %select_n3A_107 = arith.select %and3A_102, %sub3A_104, %broadcast_in_dim3A_106 : vector<16xi1>, vector<16xi32>
      %swap3A_108 = arith.constant 48 : index
      %swap3A_109 = tpu.vector_load %arg11[%swap3A_108] {strides = array<i32>} : memref<128xi32, #tpu.memory_space<vmem>>, vector<16xi32>,
      %swap3A_110 = vector.shape_cast %swap3A_109 : vector<16xi32> to vector<16xi32>
      %swap3A_111 = vector.shape_cast %select_n3A_107 : vector<16xi32> to vector<16xi32>
      tpu.vector_store %arg11[%swap3A_108], %swap3A_111 {strides = array<i32>} : memref<128xi32, #tpu.memory_space<vmem>>, vector<16xi32>,
      %add3A_112 = arith.constant 64 : i32
      %add3A_113 = arith.addi %mul3A_36, %add3A_112 : i32
      %get3A_114 = arith.index_cast %add3A_113 : i32 to index
      %get3A_115 = tpu.vector_load %arg10[%get3A_114] {strides = array<i32>} : memref<10240xi32, #tpu.memory_space<vmem>>, vector<16xi32>,
      %get3A_116 = vector.shape_cast %get3A_115 : vector<16xi32> to vector<16xi32>
      %ge3A_117 = vector.broadcast %mul3A_0 : i32 to vector<16xi32>
      %ge3A_118 = arith.cmpi sge, %get3A_116, %ge3A_117 : vector<16xi32>
      %add3A_119 = arith.constant 5000 : i32
      %add3A_120 = arith.addi %mul3A_0, %add3A_119 : i32
      %lt3A_121 = vector.broadcast %add3A_120 : i32 to vector<16xi32>
      %lt3A_122 = arith.cmpi slt, %get3A_116, %lt3A_121 : vector<16xi32>
      %and3A_123 = arith.andi %ge3A_118, %lt3A_122 : vector<16xi1>
      %sub3A_124 = vector.broadcast %mul3A_0 : i32 to vector<16xi32>
      %sub3A_125 = arith.subi %get3A_116, %sub3A_124 : vector<16xi32>
      %jit3A_126 = arith.constant 5000 : i32
      %broadcast_in_dim3A_127 = vector.broadcast %jit3A_126 : i32 to vector<16xi32>
      %select_n3A_128 = arith.select %and3A_123, %sub3A_125, %broadcast_in_dim3A_127 : vector<16xi1>, vector<16xi32>
      %swap3A_129 = arith.constant 64 : index
      %swap3A_130 = tpu.vector_load %arg11[%swap3A_129] {strides = array<i32>} : memref<128xi32, #tpu.memory_space<vmem>>, vector<16xi32>,
      %swap3A_131 = vector.shape_cast %swap3A_130 : vector<16xi32> to vector<16xi32>
      %swap3A_132 = vector.shape_cast %select_n3A_128 : vector<16xi32> to vector<16xi32>
      tpu.vector_store %arg11[%swap3A_129], %swap3A_132 {strides = array<i32>} : memref<128xi32, #tpu.memory_space<vmem>>, vector<16xi32>,
      %add3A_133 = arith.constant 80 : i32
      %add3A_134 = arith.addi %mul3A_36, %add3A_133 : i32
      %get3A_135 = arith.index_cast %add3A_134 : i32 to index
      %get3A_136 = tpu.vector_load %arg10[%get3A_135] {strides = array<i32>} : memref<10240xi32, #tpu.memory_space<vmem>>, vector<16xi32>,
      %get3A_137 = vector.shape_cast %get3A_136 : vector<16xi32> to vector<16xi32>
      %ge3A_138 = vector.broadcast %mul3A_0 : i32 to vector<16xi32>
      %ge3A_139 = arith.cmpi sge, %get3A_137, %ge3A_138 : vector<16xi32>
      %add3A_140 = arith.constant 5000 : i32
      %add3A_141 = arith.addi %mul3A_0, %add3A_140 : i32
      %lt3A_142 = vector.broadcast %add3A_141 : i32 to vector<16xi32>
      %lt3A_143 = arith.cmpi slt, %get3A_137, %lt3A_142 : vector<16xi32>
      %and3A_144 = arith.andi %ge3A_139, %lt3A_143 : vector<16xi1>
      %sub3A_145 = vector.broadcast %mul3A_0 : i32 to vector<16xi32>
      %sub3A_146 = arith.subi %get3A_137, %sub3A_145 : vector<16xi32>
      %jit3A_147 = arith.constant 5000 : i32
      %broadcast_in_dim3A_148 = vector.broadcast %jit3A_147 : i32 to vector<16xi32>
      %select_n3A_149 = arith.select %and3A_144, %sub3A_146, %broadcast_in_dim3A_148 : vector<16xi1>, vector<16xi32>
      %swap3A_150 = arith.constant 80 : index
      %swap3A_151 = tpu.vector_load %arg11[%swap3A_150] {strides = array<i32>} : memref<128xi32, #tpu.memory_space<vmem>>, vector<16xi32>,
      %swap3A_152 = vector.shape_cast %swap3A_151 : vector<16xi32> to vector<16xi32>
      %swap3A_153 = vector.shape_cast %select_n3A_149 : vector<16xi32> to vector<16xi32>
      tpu.vector_store %arg11[%swap3A_150], %swap3A_153 {strides = array<i32>} : memref<128xi32, #tpu.memory_space<vmem>>, vector<16xi32>,
      %add3A_154 = arith.constant 96 : i32
      %add3A_155 = arith.addi %mul3A_36, %add3A_154 : i32
      %get3A_156 = arith.index_cast %add3A_155 : i32 to index
      %get3A_157 = tpu.vector_load %arg10[%get3A_156] {strides = array<i32>} : memref<10240xi32, #tpu.memory_space<vmem>>, vector<16xi32>,
      %get3A_158 = vector.shape_cast %get3A_157 : vector<16xi32> to vector<16xi32>
      %ge3A_159 = vector.broadcast %mul3A_0 : i32 to vector<16xi32>
      %ge3A_160 = arith.cmpi sge, %get3A_158, %ge3A_159 : vector<16xi32>
      %add3A_161 = arith.constant 5000 : i32
      %add3A_162 = arith.addi %mul3A_0, %add3A_161 : i32
      %lt3A_163 = vector.broadcast %add3A_162 : i32 to vector<16xi32>
      %lt3A_164 = arith.cmpi slt, %get3A_158, %lt3A_163 : vector<16xi32>
      %and3A_165 = arith.andi %ge3A_160, %lt3A_164 : vector<16xi1>
      %sub3A_166 = vector.broadcast %mul3A_0 : i32 to vector<16xi32>
      %sub3A_167 = arith.subi %get3A_158, %sub3A_166 : vector<16xi32>
      %jit3A_168 = arith.constant 5000 : i32
      %broadcast_in_dim3A_169 = vector.broadcast %jit3A_168 : i32 to vector<16xi32>
      %select_n3A_170 = arith.select %and3A_165, %sub3A_167, %broadcast_in_dim3A_169 : vector<16xi1>, vector<16xi32>
      %swap3A_171 = arith.constant 96 : index
      %swap3A_172 = tpu.vector_load %arg11[%swap3A_171] {strides = array<i32>} : memref<128xi32, #tpu.memory_space<vmem>>, vector<16xi32>,
      %swap3A_173 = vector.shape_cast %swap3A_172 : vector<16xi32> to vector<16xi32>
      %swap3A_174 = vector.shape_cast %select_n3A_170 : vector<16xi32> to vector<16xi32>
      tpu.vector_store %arg11[%swap3A_171], %swap3A_174 {strides = array<i32>} : memref<128xi32, #tpu.memory_space<vmem>>, vector<16xi32>,
      %add3A_175 = arith.constant 112 : i32
      %add3A_176 = arith.addi %mul3A_36, %add3A_175 : i32
      %get3A_177 = arith.index_cast %add3A_176 : i32 to index
      %get3A_178 = tpu.vector_load %arg10[%get3A_177] {strides = array<i32>} : memref<10240xi32, #tpu.memory_space<vmem>>, vector<16xi32>,
      %get3A_179 = vector.shape_cast %get3A_178 : vector<16xi32> to vector<16xi32>
      %ge3A_180 = vector.broadcast %mul3A_0 : i32 to vector<16xi32>
      %ge3A_181 = arith.cmpi sge, %get3A_179, %ge3A_180 : vector<16xi32>
      %add3A_182 = arith.constant 5000 : i32
      %add3A_183 = arith.addi %mul3A_0, %add3A_182 : i32
      %lt3A_184 = vector.broadcast %add3A_183 : i32 to vector<16xi32>
      %lt3A_185 = arith.cmpi slt, %get3A_179, %lt3A_184 : vector<16xi32>
      %and3A_186 = arith.andi %ge3A_181, %lt3A_185 : vector<16xi1>
      %sub3A_187 = vector.broadcast %mul3A_0 : i32 to vector<16xi32>
      %sub3A_188 = arith.subi %get3A_179, %sub3A_187 : vector<16xi32>
      %jit3A_189 = arith.constant 5000 : i32
      %broadcast_in_dim3A_190 = vector.broadcast %jit3A_189 : i32 to vector<16xi32>
      %select_n3A_191 = arith.select %and3A_186, %sub3A_188, %broadcast_in_dim3A_190 : vector<16xi1>, vector<16xi32>
      %swap3A_192 = arith.constant 112 : index
      %swap3A_193 = tpu.vector_load %arg11[%swap3A_192] {strides = array<i32>} : memref<128xi32, #tpu.memory_space<vmem>>, vector<16xi32>,
      %swap3A_194 = vector.shape_cast %swap3A_193 : vector<16xi32> to vector<16xi32>
      %swap3A_195 = vector.shape_cast %select_n3A_191 : vector<16xi32> to vector<16xi32>
      tpu.vector_store %arg11[%swap3A_192], %swap3A_195 {strides = array<i32>} : memref<128xi32, #tpu.memory_space<vmem>>, vector<16xi32>,
      %dma_start3A = tpu.memref_slice %arg9[%mul3A_36] : memref<10240xi32, #tpu.memory_space<vmem>> -> memref<128xi32, #tpu.memory_space<vmem>>
      %dma_start3A_196 = arith.constant 0 : i32
      %dma_start3A_197 = arith.constant 0 : i32
      %dma_start3A_198 = tpu.memref_slice %arg3[%dma_start3A_196, %dma_start3A_197] : memref<10000x128xf32, #tpu.memory_space<hbm>> -> memref<10000x128xf32, #tpu.memory_space<hbm>>
      tpu.enqueue_indirect_dma source(%dma_start3A_198 : memref<10000x128xf32, #tpu.memory_space<hbm>>) target(%arg12 : memref<128x128xf32, #tpu.memory_space<vmem>>) offsets(%dma_start3A : memref<128xi32, #tpu.memory_space<vmem>>) semaphore(%arg14 : memref<!tpu.dma_semaphore, #tpu.memory_space<semaphore_mem>>)
      %dma_wait3A = tpu.memref_slice %arg9[%mul3A_36] : memref<10240xi32, #tpu.memory_space<vmem>> -> memref<128xi32, #tpu.memory_space<vmem>>
      %dma_wait3A_199 = arith.constant 0 : i32
      %dma_wait3A_200 = arith.constant 0 : i32
      %dma_wait3A_201 = tpu.memref_slice %arg3[%dma_wait3A_199, %dma_wait3A_200] : memref<10000x128xf32, #tpu.memory_space<hbm>> -> memref<10000x128xf32, #tpu.memory_space<hbm>>
      tpu.wait_indirect_dma semaphore(%arg14 : memref<!tpu.dma_semaphore, #tpu.memory_space<semaphore_mem>>) src(%dma_wait3A_201 : memref<10000x128xf32, #tpu.memory_space<hbm>>) dst(%arg12 : memref<128x128xf32, #tpu.memory_space<vmem>>)
      "tpu.region"() ({
        %run_scoped3A = tpu.sem_alloc : memref<!tpu.dma_semaphore, #tpu.memory_space<semaphore_mem>>
        %dma_start3A_202 = arith.constant 0 : i32
        %dma_start3A_203 = arith.constant 0 : i32
        %dma_start3A_204 = tpu.memref_slice %arg13[%dma_start3A_202, %dma_start3A_203] : memref<5120x128xf32, #tpu.memory_space<vmem_shared>> -> memref<5120x128xf32, #tpu.memory_space<vmem_shared>>
        tpu.enqueue_indirect_dma source(%arg12 : memref<128x128xf32, #tpu.memory_space<vmem>>) target(%dma_start3A_204 : memref<5120x128xf32, #tpu.memory_space<vmem_shared>>) offsets(%arg11 : memref<128xi32, #tpu.memory_space<vmem>>) semaphore(%run_scoped3A : memref<!tpu.dma_semaphore, #tpu.memory_space<semaphore_mem>>) {add = true}
        %dma_wait3A_205 = arith.constant 0 : i32
        %dma_wait3A_206 = arith.constant 0 : i32
        %dma_wait3A_207 = tpu.memref_slice %arg13[%dma_wait3A_205, %dma_wait3A_206] : memref<5120x128xf32, #tpu.memory_space<vmem_shared>> -> memref<5120x128xf32, #tpu.memory_space<vmem_shared>>
        tpu.wait_indirect_dma semaphore(%run_scoped3A : memref<!tpu.dma_semaphore, #tpu.memory_space<semaphore_mem>>) src(%arg12 : memref<128x128xf32, #tpu.memory_space<vmem>>) dst(%dma_wait3A_207 : memref<5120x128xf32, #tpu.memory_space<vmem_shared>>)
        tpu.yield
      }) : () -> ()
    }
    %scan3A_24 = arith.constant 80 : i32
    %barrier3A_25 = arith.constant 0 : index
    tpu.barrier barrier_id(%barrier3A_25)
    %mul3A_26 = arith.constant 320 : i32
    %mul3A_27 = arith.muli %arg1, %mul3A_26 : i32
    %mul3A_28 = arith.constant 5120 : i32
    %mul3A_29 = arith.muli %arg0, %mul3A_28 : i32
    %mul3A_30 = arith.constant 320 : i32
    %mul3A_31 = arith.muli %arg1, %mul3A_30 : i32
    %add3A_32 = arith.addi %mul3A_29, %mul3A_31 : i32
    "tpu.region"() ({
      %run_scoped3A = tpu.sem_alloc : memref<!tpu.dma_semaphore, #tpu.memory_space<semaphore_mem>>
      %dma_start3A = arith.constant 0 : i32
      %dma_start3A_34 = tpu.memref_slice %arg8[%add3A_32, %dma_start3A] : memref<10240x128xf32, #tpu.memory_space<hbm>> -> memref<320x128xf32, #tpu.memory_space<hbm>>
      %dma_start3A_35 = arith.constant 0 : i32
      %dma_start3A_36 = tpu.memref_slice %arg13[%mul3A_27, %dma_start3A_35] : memref<5120x128xf32, #tpu.memory_space<vmem_shared>> -> memref<320x128xf32, #tpu.memory_space<vmem_shared>>
      tpu.enqueue_dma source(%dma_start3A_36 : memref<320x128xf32, #tpu.memory_space<vmem_shared>>) target(%dma_start3A_34 : memref<320x128xf32, #tpu.memory_space<hbm>>) target_semaphore(%run_scoped3A : memref<!tpu.dma_semaphore, #tpu.memory_space<semaphore_mem>>)
      %dma_wait3A = arith.constant 0 : i32
      %dma_wait3A_37 = tpu.memref_slice %arg8[%add3A_32, %dma_wait3A] : memref<10240x128xf32, #tpu.memory_space<hbm>> -> memref<320x128xf32, #tpu.memory_space<hbm>>
      %dma_wait3A_38 = arith.constant 0 : i32
      %dma_wait3A_39 = tpu.memref_slice %arg13[%mul3A_27, %dma_wait3A_38] : memref<5120x128xf32, #tpu.memory_space<vmem_shared>> -> memref<320x128xf32, #tpu.memory_space<vmem_shared>>
      tpu.wait_dma2 semaphore(%run_scoped3A : memref<!tpu.dma_semaphore, #tpu.memory_space<semaphore_mem>>) src(%dma_wait3A_39 : memref<320x128xf32, #tpu.memory_space<vmem_shared>>) dst(%dma_wait3A_37 : memref<320x128xf32, #tpu.memory_space<hbm>>)
      tpu.yield
    }) : () -> ()
    %barrier3A_33 = arith.constant 0 : index
    tpu.barrier barrier_id(%barrier3A_33)
    return
  }
}

module attributes {stable_mosaic.version = 14 : i64} {
  func.func @_relu_body(%arg0: i32, %arg1: memref<1000x256xf32, #tpu.memory_space<vmem>>, %arg2: memref<1000x128xf32, #tpu.memory_space<vmem>>, %arg3: memref<1000x128xf32, #tpu.memory_space<vmem>>) attributes {dimension_semantics = [#tpu.dimension_semantics<arbitrary>], iteration_bounds = array<i64: 10>, scalar_prefetch = 0 : i64, scratch_operands = 0 : i64, tpu.core_type = #tpu.core_type<tc>, window_params = [{transform_indices = @transform_0, window_bounds = array<i64: 1000, 256>}, {transform_indices = @transform_1, window_bounds = array<i64: 1000, 128>}, {transform_indices = @transform_2, window_bounds = array<i64: 1000, 128>}]} {
    %get3A = arith.constant 0 : index
    %get3A_0 = arith.constant 0 : index
    %get3A_1 = vector.load %arg1[%get3A, %get3A_0] : memref<1000x256xf32, #tpu.memory_space<vmem>>, vector<1000x256xf32>
    %max3A = arith.constant 0.000000e+00 : f32
    %max3A_2 = vector.broadcast %max3A : f32 to vector<1000x256xf32>
    %max3A_3 = arith.maximumf %get3A_1, %max3A_2 : vector<1000x256xf32>
    %slice3A = vector.extract_strided_slice %max3A_3 {offsets = [0, 0], sizes = [1000, 128], strides = [1, 1]} : vector<1000x256xf32> to vector<1000x128xf32>
    %swap3A = arith.constant 0 : index
    %swap3A_4 = arith.constant 0 : index
    %swap3A_5 = vector.load %arg2[%swap3A, %swap3A_4] : memref<1000x128xf32, #tpu.memory_space<vmem>>, vector<1000x128xf32>
    tpu.vector_store %arg2[%swap3A, %swap3A_4], %slice3A {strides = array<i32>} : memref<1000x128xf32, #tpu.memory_space<vmem>>, vector<1000x128xf32>,
    %slice3A_6 = vector.extract_strided_slice %max3A_3 {offsets = [0, 128], sizes = [1000, 128], strides = [1, 1]} : vector<1000x256xf32> to vector<1000x128xf32>
    %swap3A_7 = arith.constant 0 : index
    %swap3A_8 = arith.constant 0 : index
    %swap3A_9 = vector.load %arg3[%swap3A_7, %swap3A_8] : memref<1000x128xf32, #tpu.memory_space<vmem>>, vector<1000x128xf32>
    tpu.vector_store %arg3[%swap3A_7, %swap3A_8], %slice3A_6 {strides = array<i32>} : memref<1000x128xf32, #tpu.memory_space<vmem>>, vector<1000x128xf32>,
    return
  }
  func.func @transform_0(%arg0: i32) -> (i32, i32) {
    %c0_i32 = arith.constant 0 : i32
    %c0_i32_0 = arith.constant 0 : i32
    return %arg0, %c0_i32 : i32, i32
  }
  func.func @transform_1(%arg0: i32) -> (i32, i32) {
    %c0_i32 = arith.constant 0 : i32
    %c0_i32_0 = arith.constant 0 : i32
    return %arg0, %c0_i32 : i32, i32
  }
  func.func @transform_2(%arg0: i32) -> (i32, i32) {
    %c0_i32 = arith.constant 0 : i32
    %c0_i32_0 = arith.constant 0 : i32
    return %arg0, %c0_i32 : i32, i32
  }
}

module attributes {stable_mosaic.version = 14 : i64} {
  func.func @body(%arg0: i32, %arg1: memref<1000x256xf32, #tpu.memory_space<vmem>>, %arg2: memref<1000x256xf32, #tpu.memory_space<vmem>>, %arg3: memref<256x256xf32, #tpu.memory_space<vmem>>, %arg4: memref<1x256xf32, #tpu.memory_space<vmem>>, %arg5: memref<256x256xf32, #tpu.memory_space<vmem>>, %arg6: memref<1x256xf32, #tpu.memory_space<vmem>>, %arg7: memref<1000x256xf32, #tpu.memory_space<vmem>>, %arg8: memref<1000x128xf32, #tpu.memory_space<vmem>>, %arg9: memref<1000x128xf32, #tpu.memory_space<vmem>>) attributes {dimension_semantics = [#tpu.dimension_semantics<arbitrary>], iteration_bounds = array<i64: 10>, scalar_prefetch = 0 : i64, scratch_operands = 0 : i64, tpu.core_type = #tpu.core_type<tc>, window_params = [{transform_indices = @transform_0, window_bounds = array<i64: 1000, 256>}, {transform_indices = @transform_1, window_bounds = array<i64: 1000, 256>}, {pipeline_mode = #tpu.pipeline_mode<synchronous>, transform_indices = @transform_2, window_bounds = array<i64: 256, 256>}, {pipeline_mode = #tpu.pipeline_mode<synchronous>, transform_indices = @transform_3, window_bounds = array<i64: 1, 256>}, {pipeline_mode = #tpu.pipeline_mode<synchronous>, transform_indices = @transform_4, window_bounds = array<i64: 256, 256>}, {pipeline_mode = #tpu.pipeline_mode<synchronous>, transform_indices = @transform_5, window_bounds = array<i64: 1, 256>}, {transform_indices = @transform_6, window_bounds = array<i64: 1000, 256>}, {transform_indices = @transform_7, window_bounds = array<i64: 1000, 128>}, {transform_indices = @transform_8, window_bounds = array<i64: 1000, 128>}]} {
    %get3A = arith.constant 0 : index
    %get3A_0 = arith.constant 0 : index
    %get3A_1 = vector.load %arg1[%get3A, %get3A_0] : memref<1000x256xf32, #tpu.memory_space<vmem>>, vector<1000x256xf32>
    %get3A_2 = arith.constant 0 : index
    %get3A_3 = arith.constant 0 : index
    %get3A_4 = vector.load %arg2[%get3A_2, %get3A_3] : memref<1000x256xf32, #tpu.memory_space<vmem>>, vector<1000x256xf32>
    %add3A = arith.addf %get3A_1, %get3A_4 : vector<1000x256xf32>
    %get3A_5 = arith.constant 0 : index
    %get3A_6 = arith.constant 0 : index
    %get3A_7 = vector.load %arg3[%get3A_5, %get3A_6] : memref<256x256xf32, #tpu.memory_space<vmem>>, vector<256x256xf32>
    %dot_general3A = arith.constant dense<0.000000e+00> : vector<1000x256xf32>
    %dot_general3A_8 = tpu.matmul %add3A, %get3A_7, %dot_general3A {dimension_numbers = #tpu.dot_dimension_numbers<[1], [0], [0], [1], [0, 0, 1, 1], [], []>, transpose_lhs_hint = false} : vector<1000x256xf32>, vector<256x256xf32>, vector<1000x256xf32> -> vector<1000x256xf32>
    %get3A_9 = arith.constant 0 : index
    %get3A_10 = arith.constant 0 : index
    %get3A_11 = vector.load %arg4[%get3A_9, %get3A_10] : memref<1x256xf32, #tpu.memory_space<vmem>>, vector<1x256xf32>
    %add3A_12 = vector.broadcast %get3A_11 : vector<1x256xf32> to vector<1000x256xf32>
    %add3A_13 = arith.addf %dot_general3A_8, %add3A_12 : vector<1000x256xf32>
    %max3A = arith.constant 0.000000e+00 : f32
    %max3A_14 = vector.broadcast %max3A : f32 to vector<1000x256xf32>
    %max3A_15 = arith.maximumf %add3A_13, %max3A_14 : vector<1000x256xf32>
    %get3A_16 = arith.constant 0 : index
    %get3A_17 = arith.constant 0 : index
    %get3A_18 = vector.load %arg5[%get3A_16, %get3A_17] : memref<256x256xf32, #tpu.memory_space<vmem>>, vector<256x256xf32>
    %dot_general3A_19 = arith.constant dense<0.000000e+00> : vector<1000x256xf32>
    %dot_general3A_20 = tpu.matmul %max3A_15, %get3A_18, %dot_general3A_19 {dimension_numbers = #tpu.dot_dimension_numbers<[1], [0], [0], [1], [0, 0, 1, 1], [], []>, transpose_lhs_hint = false} : vector<1000x256xf32>, vector<256x256xf32>, vector<1000x256xf32> -> vector<1000x256xf32>
    %get3A_21 = arith.constant 0 : index
    %get3A_22 = arith.constant 0 : index
    %get3A_23 = vector.load %arg6[%get3A_21, %get3A_22] : memref<1x256xf32, #tpu.memory_space<vmem>>, vector<1x256xf32>
    %add3A_24 = vector.broadcast %get3A_23 : vector<1x256xf32> to vector<1000x256xf32>
    %add3A_25 = arith.addf %dot_general3A_20, %add3A_24 : vector<1000x256xf32>
    %gt3A = arith.constant 0.000000e+00 : f32
    %gt3A_26 = vector.broadcast %gt3A : f32 to vector<1000x256xf32>
    %gt3A_27 = arith.cmpf ogt, %add3A_25, %gt3A_26 : vector<1000x256xf32>
    %min3A = arith.constant 0.000000e+00 : f32
    %min3A_28 = vector.broadcast %min3A : f32 to vector<1000x256xf32>
    %min3A_29 = arith.minimumf %add3A_25, %min3A_28 : vector<1000x256xf32>
    %exp3A = math.exp %min3A_29 : vector<1000x256xf32>
    %sub3A = arith.constant 1.000000e+00 : f32
    %sub3A_30 = vector.broadcast %sub3A : f32 to vector<1000x256xf32>
    %sub3A_31 = arith.subf %exp3A, %sub3A_30 : vector<1000x256xf32>
    %select_n3A = arith.select %gt3A_27, %add3A_25, %sub3A_31 : vector<1000x256xi1>, vector<1000x256xf32>
    %swap3A = arith.constant 0 : index
    %swap3A_32 = arith.constant 0 : index
    %swap3A_33 = vector.load %arg7[%swap3A, %swap3A_32] : memref<1000x256xf32, #tpu.memory_space<vmem>>, vector<1000x256xf32>
    tpu.vector_store %arg7[%swap3A, %swap3A_32], %select_n3A {strides = array<i32>} : memref<1000x256xf32, #tpu.memory_space<vmem>>, vector<1000x256xf32>,
    %max3A_34 = arith.constant 0.000000e+00 : f32
    %max3A_35 = vector.broadcast %max3A_34 : f32 to vector<1000x256xf32>
    %max3A_36 = arith.maximumf %select_n3A, %max3A_35 : vector<1000x256xf32>
    %slice3A = vector.extract_strided_slice %max3A_36 {offsets = [0, 0], sizes = [1000, 128], strides = [1, 1]} : vector<1000x256xf32> to vector<1000x128xf32>
    %swap3A_37 = arith.constant 0 : index
    %swap3A_38 = arith.constant 0 : index
    %swap3A_39 = vector.load %arg8[%swap3A_37, %swap3A_38] : memref<1000x128xf32, #tpu.memory_space<vmem>>, vector<1000x128xf32>
    tpu.vector_store %arg8[%swap3A_37, %swap3A_38], %slice3A {strides = array<i32>} : memref<1000x128xf32, #tpu.memory_space<vmem>>, vector<1000x128xf32>,
    %slice3A_40 = vector.extract_strided_slice %max3A_36 {offsets = [0, 128], sizes = [1000, 128], strides = [1, 1]} : vector<1000x256xf32> to vector<1000x128xf32>
    %swap3A_41 = arith.constant 0 : index
    %swap3A_42 = arith.constant 0 : index
    %swap3A_43 = vector.load %arg9[%swap3A_41, %swap3A_42] : memref<1000x128xf32, #tpu.memory_space<vmem>>, vector<1000x128xf32>
    tpu.vector_store %arg9[%swap3A_41, %swap3A_42], %slice3A_40 {strides = array<i32>} : memref<1000x128xf32, #tpu.memory_space<vmem>>, vector<1000x128xf32>,
    return
  }
  func.func @transform_0(%arg0: i32) -> (i32, i32) {
    %c0_i32 = arith.constant 0 : i32
    %c0_i32_0 = arith.constant 0 : i32
    return %arg0, %c0_i32 : i32, i32
  }
  func.func @transform_1(%arg0: i32) -> (i32, i32) {
    %c0_i32 = arith.constant 0 : i32
    %c0_i32_0 = arith.constant 0 : i32
    return %arg0, %c0_i32 : i32, i32
  }
  func.func @transform_2(%arg0: i32) -> (i32, i32) {
    %c0_i32 = arith.constant 0 : i32
    %c0_i32_0 = arith.constant 0 : i32
    %c0_i32_1 = arith.constant 0 : i32
    return %c0_i32, %c0_i32_0 : i32, i32
  }
  func.func @transform_3(%arg0: i32) -> (i32, i32) {
    %c0_i32 = arith.constant 0 : i32
    %c0_i32_0 = arith.constant 0 : i32
    %c0_i32_1 = arith.constant 0 : i32
    return %c0_i32, %c0_i32_0 : i32, i32
  }
  func.func @transform_4(%arg0: i32) -> (i32, i32) {
    %c0_i32 = arith.constant 0 : i32
    %c0_i32_0 = arith.constant 0 : i32
    %c0_i32_1 = arith.constant 0 : i32
    return %c0_i32, %c0_i32_0 : i32, i32
  }
  func.func @transform_5(%arg0: i32) -> (i32, i32) {
    %c0_i32 = arith.constant 0 : i32
    %c0_i32_0 = arith.constant 0 : i32
    %c0_i32_1 = arith.constant 0 : i32
    return %c0_i32, %c0_i32_0 : i32, i32
  }
  func.func @transform_6(%arg0: i32) -> (i32, i32) {
    %c0_i32 = arith.constant 0 : i32
    %c0_i32_0 = arith.constant 0 : i32
    return %arg0, %c0_i32 : i32, i32
  }
  func.func @transform_7(%arg0: i32) -> (i32, i32) {
    %c0_i32 = arith.constant 0 : i32
    %c0_i32_0 = arith.constant 0 : i32
    return %arg0, %c0_i32 : i32, i32
  }
  func.func @transform_8(%arg0: i32) -> (i32, i32) {
    %c0_i32 = arith.constant 0 : i32
    %c0_i32_0 = arith.constant 0 : i32
    return %arg0, %c0_i32 : i32, i32
  }
}

module attributes {stable_mosaic.version = 14 : i64} {
  func.func @body(%arg0: i32, %arg1: memref<1000x256xf32, #tpu.memory_space<vmem>>, %arg2: memref<1000x256xf32, #tpu.memory_space<vmem>>, %arg3: memref<256x256xf32, #tpu.memory_space<vmem>>, %arg4: memref<1x256xf32, #tpu.memory_space<vmem>>, %arg5: memref<256x256xf32, #tpu.memory_space<vmem>>, %arg6: memref<1x256xf32, #tpu.memory_space<vmem>>, %arg7: memref<1000x256xf32, #tpu.memory_space<vmem>>) attributes {dimension_semantics = [#tpu.dimension_semantics<arbitrary>], iteration_bounds = array<i64: 10>, scalar_prefetch = 0 : i64, scratch_operands = 0 : i64, tpu.core_type = #tpu.core_type<tc>, window_params = [{transform_indices = @transform_0, window_bounds = array<i64: 1000, 256>}, {transform_indices = @transform_1, window_bounds = array<i64: 1000, 256>}, {pipeline_mode = #tpu.pipeline_mode<synchronous>, transform_indices = @transform_2, window_bounds = array<i64: 256, 256>}, {pipeline_mode = #tpu.pipeline_mode<synchronous>, transform_indices = @transform_3, window_bounds = array<i64: 1, 256>}, {pipeline_mode = #tpu.pipeline_mode<synchronous>, transform_indices = @transform_4, window_bounds = array<i64: 256, 256>}, {pipeline_mode = #tpu.pipeline_mode<synchronous>, transform_indices = @transform_5, window_bounds = array<i64: 1, 256>}, {transform_indices = @transform_6, window_bounds = array<i64: 1000, 256>}]} {
    %get3A = arith.constant 0 : index
    %get3A_0 = arith.constant 0 : index
    %get3A_1 = vector.load %arg1[%get3A, %get3A_0] : memref<1000x256xf32, #tpu.memory_space<vmem>>, vector<1000x256xf32>
    %get3A_2 = arith.constant 0 : index
    %get3A_3 = arith.constant 0 : index
    %get3A_4 = vector.load %arg2[%get3A_2, %get3A_3] : memref<1000x256xf32, #tpu.memory_space<vmem>>, vector<1000x256xf32>
    %add3A = arith.addf %get3A_1, %get3A_4 : vector<1000x256xf32>
    %get3A_5 = arith.constant 0 : index
    %get3A_6 = arith.constant 0 : index
    %get3A_7 = vector.load %arg3[%get3A_5, %get3A_6] : memref<256x256xf32, #tpu.memory_space<vmem>>, vector<256x256xf32>
    %dot_general3A = arith.constant dense<0.000000e+00> : vector<1000x256xf32>
    %dot_general3A_8 = tpu.matmul %add3A, %get3A_7, %dot_general3A {dimension_numbers = #tpu.dot_dimension_numbers<[1], [0], [0], [1], [0, 0, 1, 1], [], []>, transpose_lhs_hint = false} : vector<1000x256xf32>, vector<256x256xf32>, vector<1000x256xf32> -> vector<1000x256xf32>
    %get3A_9 = arith.constant 0 : index
    %get3A_10 = arith.constant 0 : index
    %get3A_11 = vector.load %arg4[%get3A_9, %get3A_10] : memref<1x256xf32, #tpu.memory_space<vmem>>, vector<1x256xf32>
    %add3A_12 = vector.broadcast %get3A_11 : vector<1x256xf32> to vector<1000x256xf32>
    %add3A_13 = arith.addf %dot_general3A_8, %add3A_12 : vector<1000x256xf32>
    %max3A = arith.constant 0.000000e+00 : f32
    %max3A_14 = vector.broadcast %max3A : f32 to vector<1000x256xf32>
    %max3A_15 = arith.maximumf %add3A_13, %max3A_14 : vector<1000x256xf32>
    %get3A_16 = arith.constant 0 : index
    %get3A_17 = arith.constant 0 : index
    %get3A_18 = vector.load %arg5[%get3A_16, %get3A_17] : memref<256x256xf32, #tpu.memory_space<vmem>>, vector<256x256xf32>
    %dot_general3A_19 = arith.constant dense<0.000000e+00> : vector<1000x256xf32>
    %dot_general3A_20 = tpu.matmul %max3A_15, %get3A_18, %dot_general3A_19 {dimension_numbers = #tpu.dot_dimension_numbers<[1], [0], [0], [1], [0, 0, 1, 1], [], []>, transpose_lhs_hint = false} : vector<1000x256xf32>, vector<256x256xf32>, vector<1000x256xf32> -> vector<1000x256xf32>
    %get3A_21 = arith.constant 0 : index
    %get3A_22 = arith.constant 0 : index
    %get3A_23 = vector.load %arg6[%get3A_21, %get3A_22] : memref<1x256xf32, #tpu.memory_space<vmem>>, vector<1x256xf32>
    %add3A_24 = vector.broadcast %get3A_23 : vector<1x256xf32> to vector<1000x256xf32>
    %add3A_25 = arith.addf %dot_general3A_20, %add3A_24 : vector<1000x256xf32>
    %swap3A = arith.constant 0 : index
    %swap3A_26 = arith.constant 0 : index
    %swap3A_27 = vector.load %arg7[%swap3A, %swap3A_26] : memref<1000x256xf32, #tpu.memory_space<vmem>>, vector<1000x256xf32>
    tpu.vector_store %arg7[%swap3A, %swap3A_26], %add3A_25 {strides = array<i32>} : memref<1000x256xf32, #tpu.memory_space<vmem>>, vector<1000x256xf32>,
    return
  }
  func.func @transform_0(%arg0: i32) -> (i32, i32) {
    %c0_i32 = arith.constant 0 : i32
    %c0_i32_0 = arith.constant 0 : i32
    return %arg0, %c0_i32 : i32, i32
  }
  func.func @transform_1(%arg0: i32) -> (i32, i32) {
    %c0_i32 = arith.constant 0 : i32
    %c0_i32_0 = arith.constant 0 : i32
    return %arg0, %c0_i32 : i32, i32
  }
  func.func @transform_2(%arg0: i32) -> (i32, i32) {
    %c0_i32 = arith.constant 0 : i32
    %c0_i32_0 = arith.constant 0 : i32
    %c0_i32_1 = arith.constant 0 : i32
    return %c0_i32, %c0_i32_0 : i32, i32
  }
  func.func @transform_3(%arg0: i32) -> (i32, i32) {
    %c0_i32 = arith.constant 0 : i32
    %c0_i32_0 = arith.constant 0 : i32
    %c0_i32_1 = arith.constant 0 : i32
    return %c0_i32, %c0_i32_0 : i32, i32
  }
  func.func @transform_4(%arg0: i32) -> (i32, i32) {
    %c0_i32 = arith.constant 0 : i32
    %c0_i32_0 = arith.constant 0 : i32
    %c0_i32_1 = arith.constant 0 : i32
    return %c0_i32, %c0_i32_0 : i32, i32
  }
  func.func @transform_5(%arg0: i32) -> (i32, i32) {
    %c0_i32 = arith.constant 0 : i32
    %c0_i32_0 = arith.constant 0 : i32
    %c0_i32_1 = arith.constant 0 : i32
    return %c0_i32, %c0_i32_0 : i32, i32
  }
  func.func @transform_6(%arg0: i32) -> (i32, i32) {
    %c0_i32 = arith.constant 0 : i32
    %c0_i32_0 = arith.constant 0 : i32
    return %arg0, %c0_i32 : i32, i32
  }
}

</mosaic_0001>

<sc_bundles>
// kernel: kernel.12.cloned.1.call-start
scs
__scs_entry_jumppad:
0x0: {  	(pc) =	sbr.rel $0x88, $3  }
0x1: {  	(tag) =	ssettag $0x0;
	lr =	simm.s32 $0x1  }
0x2: {  	[smem:$0x3F93] =	sst lr;
	_ =	strace $0xD0000000  }
0x3: {  	_ = 	snop  }
0x4: {  	_ = 	snop  }
0x5: {  	_ = 	snop  }
0x6: {  	_ = 	snop  }
0x7: {  	_ = 	snop  }
__scs_overlays_trampoline_lowered:
0x8: {  	[smem:$0x3FA2] =	sst s0  }
0x9: {  	[smem:$0x3FA3] =	sst s1  }
0xa: {  	[smem:$0x3FA4] =	sst s2  }
0xb: {  	[smem:$0x3FA5] =	sst s3  }
0xc: {  	[smem:$0x3FA6] =	sst s4  }
0xd: {  	[smem:$0x3FA7] =	sst s5  }
0xe: {  	[smem:$0x3FA8] =	sst s6  }
0xf: {  	[smem:$0x3FA9] =	sst s7  }
0x10: {  	[smem:$0x3FAA] =	sst s8  }
0x11: {  	[smem:$0x3FAB] =	sst s9;
	s0 =	simm.s32 @!p0 $0x0  }
0x12: {  	s1 =	sld [smem:$0x3F91];
	s0 =	simm.s32 @p0 $0x1  }
0x13: {  	[smem:$0x3FAC] =	sst s0;
	s0 =	simm.s32 @!p1 $0x0  }
0x14: {  	s2 =	sld [smem:$0x3F90];
	s0 =	simm.s32 @p1 $0x1  }
0x15: {  	[smem:$0x3FAD] =	sst s0;
	s0 =	simm.s32 @!p2 $0x0  }
0x16: {  	s3 =	sld [smem:$0x3FDB];
	s0 =	simm.s32 @p2 $0x1  }
0x17: {  	s4 =	simm.s32 $0x1BF5;
	[smem:$0x3FAF] =	sst s0  }
0x18: {  	s0 =	sld [smem:$0x3F92];
	_ =	swait.ge [sflag:s4], $0x0  }
0x19: {  	s7 =	sld [smem:$0x3F93]  }
0x1a: {  	s8 =	sadd.s32 $0xFFFFE003, lr  }
0x1b: {  	s9 =	sadd.s32 $0xFFFFFEF7, lr;
	s5 =	simm.s32 $0xFFFFFFFF;
	p2 =	slt.u32 s8, $0xFFFFF086  }
0x1c: {  	p1 =	slt.u32 s9, $0xF7A;
	s5 =	simm.s32 @!p2 $0x0  }
0x1d: {  	s5 =	simm.s32 @p1 $0x1;
	p0 =	seq.s32 s7, s2  }
0x1e: {  	s7 =	smul.u32 @!p0 $0xF7A, s2;
	p2 =	seq.s32 @!p0 s5, $0x0  }
0x1f: {  	s9 =	smul.u32 $0xF7A, s1;
	s8 =	simm.s32 @!p0 $0x1BF5;
	p2 =	por !p2, p0  }
0x20: {  	[sflag:s8] =	ssyncset.s32 @!p0 $0xFFFFF086;
	s6 =	sadd.s32 @!p0 s3, s7;
	s7 =	simm.s32 @!p0 $0x108  }
0x21: {  	s3 =	sadd.s32 s3, s9;
	s6 =	sadd.s32 @!p0 $0x88, s6;
	s7 =	simm.s32 @p2 $0x1082  }
0x22: {  	[simem:s7], [sflag:s8] =	dma.local @!p0 [hbm:s6], $0xF7A  }
0x23: {  	s9 =	sor.u32 $0xD0000000, s2;
	s6 =	simm.s32 $0x108;
	_ =	swait.ge @!p0 [sflag:s8], $0x0  }
0x24: {  	s3 =	sadd.s32 $0x88, s3;
	s6 =	simm.s32 @!p1 $0x1082;
	[sflag:s4] =	ssyncset.s32 $0xFFFFF086  }
0x25: {  	[simem:s6], [sflag:s4] =	dma.local [hbm:s3], $0xF7A  }
0x26: {  	[smem:$0x3F93] =	sst s1;
	(tag) =	ssettag s2;
	_ =	strace s9  }
0x27: {  	s1 =	sld [smem:$0x3FA3]  }
0x28: {  	s2 =	sld [smem:$0x3FA4]  }
0x29: {  	s4 =	sld [smem:$0x3FA6]  }
0x2a: {  	p0 =	seq.s32 s5, $0x0;
	s5 =	sld [smem:$0x3FA7]  }
0x2b: {  	s6 =	sld [smem:$0x3FA8]  }
0x2c: {  	s7 =	sld [smem:$0x3FA9]  }
0x2d: {  	s3 =	simm.s32 $0x108;
	s8 =	sld [smem:$0x3FAA]  }
0x2e: {  	s3 =	simm.s32 @!p0 $0x1082;
	s9 =	sld [smem:$0x3FAB]  }
0x2f: {  	lr =	sadd.s32 s0, s3;
	s0 =	sld [smem:$0x3FA2]  }
0x30: {  	s3 =	sld [smem:$0x3FA5]  }
0x31: {  	[smem:$0x3FAE] =	sst s10  }
0x32: {  	s10 =	sld [smem:$0x3FAC];
	_ =	sdelay $0x3  }
0x33: {  	p0 =	seq.s32 s10, $0x1;
	s10 =	sld [smem:$0x3FAE];
	_ =	sdelay $0x3  }
0x34: {  	[smem:$0x3FAE] =	sst s10  }
0x35: {  	s10 =	sld [smem:$0x3FAD];
	_ =	sdelay $0x3  }
0x36: {  	p1 =	seq.s32 s10, $0x1;
	s10 =	sld [smem:$0x3FAE];
	_ =	sdelay $0x3  }
0x37: {  	[smem:$0x3FAE] =	sst s10  }
0x38: {  	s10 =	sld [smem:$0x3FAF]  }
0x39: {  	_ = 	snop;
	(pc) =	sbr.ind lr, $3  }
0x3a: {  	_ = 	snop  }
0x3b: {  	_ = 	snop  }
0x3c: {  	p2 =	seq.s32 s10, $0x1;
	s10 =	sld [smem:$0x3FAE]  }
0x3d: {  	_ =	shalt  }
0x3e: {  	_ =	shalt  }
0x3f: {  	_ =	shalt  }
0x40: {  	_ =	shalt  }
0x41: {  	_ =	shalt  }
0x42: {  	_ =	shalt  }
0x43: {  	_ =	shalt  }
0x44: {  	_ =	shalt  }
0x45: {  	_ =	shalt  }
0x46: {  	_ =	shalt  }
0x47: {  	_ =	shalt  }
0x48: {  	_ =	shalt  }
0x49: {  	_ =	shalt  }
0x4a: {  	_ =	shalt  }
0x4b: {  	_ =	shalt  }
0x4c: {  	_ =	shalt  }
0x4d: {  	_ =	shalt  }
0x4e: {  	_ =	shalt  }
0x4f: {  	_ =	shalt  }
0x50: {  	_ =	shalt  }
0x51: {  	_ =	shalt  }
0x52: {  	_ =	shalt  }
0x53: {  	_ =	shalt  }
0x54: {  	_ =	shalt  }
0x55: {  	_ =	shalt  }
0x56: {  	_ =	shalt  }
0x57: {  	_ =	shalt  }
0x58: {  	_ =	shalt  }
0x59: {  	_ =	shalt  }
0x5a: {  	_ =	shalt  }
0x5b: {  	_ =	shalt  }
0x5c: {  	_ =	shalt  }
0x5d: {  	_ =	shalt  }
0x5e: {  	_ =	shalt  }
0x5f: {  	_ =	shalt  }
0x60: {  	_ =	shalt  }
0x61: {  	_ =	shalt  }
0x62: {  	_ =	shalt  }
0x63: {  	_ =	shalt  }
0x64: {  	_ =	shalt  }
0x65: {  	_ =	shalt  }
0x66: {  	_ =	shalt  }
0x67: {  	_ =	shalt  }
0x68: {  	_ =	shalt  }
0x69: {  	_ =	shalt  }
0x6a: {  	_ =	shalt  }
0x6b: {  	_ =	shalt  }
0x6c: {  	_ =	shalt  }
0x6d: {  	_ =	shalt  }
0x6e: {  	_ =	shalt  }
0x6f: {  	_ =	shalt  }
0x70: {  	_ =	shalt  }
0x71: {  	_ =	shalt  }
0x72: {  	_ =	shalt  }
0x73: {  	_ =	shalt  }
0x74: {  	_ =	shalt  }
0x75: {  	_ =	shalt  }
0x76: {  	_ =	shalt  }
0x77: {  	_ =	shalt  }
0x78: {  	_ =	shalt  }
0x79: {  	_ =	shalt  }
0x7a: {  	_ =	shalt  }
0x7b: {  	_ =	shalt  }
0x7c: {  	_ =	shalt  }
0x7d: {  	_ =	shalt  }
0x7e: {  	_ =	shalt  }
0x7f: {  	_ =	shalt  }
0x80: {  	_ =	shalt  }
0x81: {  	_ =	shalt  }
0x82: {  	_ =	shalt  }
0x83: {  	_ =	shalt  }
0x84: {  	_ =	shalt  }
0x85: {  	_ =	shalt  }
0x86: {  	_ =	shalt  }
0x87: {  	_ =	shalt  }
.Lfunc_end0:
.L_simem_size_0:
called_computation.1_lowered:
.L_overlay_start_0:
0x88: {  	s2 =	sld [smem:$0x3FD9]  }
0x89: {  	s3 =	sld [smem:$0x3FFE];
	_ =	sdelay $0x1  }
0x8a: {  	s1 =	srdreg.scid  }
0x8b: {  	s0 =	sand.u32 $0x1, s1  }
0x8c: {  	s16 =	sshll.u32 s0, $0xA;
	s2 =	sadd.s32 s3, s2  }
0x8d: {  	s2 =	sadd.s32 s2, s16  }
0x8e: {  	[smem:$0x3FBA] =	sst s2  }
0x8f: {  	_ = 	snop  }
0x90: {  	(tm) =	ssettm $0x1  }
0x91: {  	s17 =	sld [smem:$0x3FFB];
	_ =	sdelay $0x3  }
0x92: {  	_ =	strace s17  }
0x93: {  	s2 =	sld [smem:$0x3FFC];
	_ =	sdelay $0x3  }
0x94: {  	_ =	strace s2  }
0x95: {  	s2 =	sld [smem:$0x3FFD];
	_ =	sdelay $0x3  }
0x96: {  	_ =	strace s2  }
0x97: {  	_ =	strace $0x8FFFFFFF  }
0x98: {  	s18 =	sld [smem:$0x3FDB];
	_ =	sdelay $0x1  }
0x99: {  	s19 =	simm.s32 $_scs_section_size  }
0x9a: {  	s4 =	simm.s32 $_size__tile_overlayer_lowered;
	s5 =	simm.s32 $_tile_overlayer_lowered  }
0x9b: {  	s22 =	simm.s32 $0x1BFF;
	s21 =	sshll.u32 s5, $0x1;
	s2 =	sadd.s32 s19, s18  }
0x9c: {  	s6 =	simm.s32 $0x0;
	s20 =	sshll.u32 s4, $0x1;
	s4 =	sadd.s32 s21, s2  }
0x9d: {  	[timem:s6], [sflag:s22] =	dma.local [hbm:s4], s20  }
0x9e: {  	_ =	swait.ge [sflag:s22], s20  }
0x9f: {  	s3 =	ssub.s32 $0x0, s20;
	[sflag:s22] =	ssyncset.done $0x0  }
0xa0: {  	[sflag:s22] =	ssyncadd.s32 s3;
	_ =	sdelay $0x1  }
0xa1: {  	s23 =	simm.s32 $0x1B8B  }
0xa2: {  	_ =	swait.ge [sflag:s23], $0x1  }
0xa3: {  	[sflag:s23] =	ssyncset.done $0x0  }
0xa4: {  	s25 =	simm.s32 $0x1B8E;
	s24 =	sld [smem:$0x3FFE];
	[sflag:s23] =	ssyncadd.s32 $0xFFFFFFFF  }
0xa5: {  	s26 =	simm.s32 $execute0_lowered;
	[smem:$0x3FD2] =	sst s25  }
0xa6: {  	s4 =	sshll.u32 s26, $0x1;
	_ =	strace $0x80000049;
	[dreg:$0x1] =	wrdreg $0xFFFFFFFF  }
0xa7: {  	s28 =	simm.s32 $_size_execute0_lowered;
	s2 =	sadd.s32 s2, s4;
	[dreg:$0x0] =	wrdreg $0x0  }
0xa8: {  	s4 =	sshll.u32 s28, $0x1;
	[dreg:$0x2] =	wrdreg s2  }
0xa9: {  	[dreg:$0x3] =	wrdreg s4  }
0xaa: {  	[dreg:$0x4] =	wrdreg $0xC0  }
0xab: {  	_ =	task [dreg:s6], $0x5FFFF  }
0xac: {  	[dreg:$0x1] =	wrdreg $0xFFFFFFFF  }
0xad: {  	[dreg:$0x0] =	wrdreg $0x60  }
0xae: {  	[dreg:$0x2] =	wrdreg s24  }
0xaf: {  	[dreg:$0x3] =	wrdreg $0x90800  }
0xb0: {  	[dreg:$0x4] =	wrdreg $0x9  }
0xb1: {  	_ =	task.clear_ibuf [dreg:s6], $0x5FFFF;
	_ =	strace $0x90000049  }
0xb2: {  	s29 =	simm.s32 $0x9;
	_ =	strace $0x8000004B  }
0xb3: {  	_ =	swait.ge [sflag:s29], $0x1  }
0xb4: {  	[sflag:s29] =	ssyncadd.s32 $0xFFFFFFFF  }
0xb5: {  	_ =	strace $0x9000004B  }
0xb6: {  	_ =	sfence  }
0xb7: {  	s30 =	sld [smem:$0x0];
	_ =	sdelay $0x2  }
0xb8: {  	s31 =	sshll.u32 s1, $0xD;
	s1 =	sshrl.u32 s1, $0x2  }
0xb9: {  	s3 =	sand.u32 $0x4000, s31;
	s1 =	sadd.s32 s1, s30  }
0xba: {  	s0 =	sor.u32 s3, s0;
	s1 =	sshll.u32 s1, $0x11  }
0xbb: {  	s0 =	sor.u32 s1, s0  }
0xbc: {  	s0 =	sadd.s32 $0x8F2B, s0  }
0xbd: {  	[sflag:s0] =	ssyncadd.remote.s32 $0x1  }
0xbe: {  	_ =	sfence.sel $0xFFFF  }
0xbf: {  	[dreg:$0x0] =	wrdreg $0xFFFFFFFF;
	(pc) =	sbr.abs _section_cstart, $3  }
0xc0: {  	[dreg:$0x1] =	wrdreg $0xFFFFFFFF  }
0xc1: {  	_ =	task.clear_ibuf [dreg:s6], $0x2FFFF;
	_ =	strace $0x9FFFFFFF  }
0xc2: {  	(tm) =	ssettm $0x7FFFFFFF  }
0xc3: {  	_ =	shalt  }
tec
execute0_lowered:
.L_overlay_start_1:
0x0: {  	(tag) =	ssettag $0x1  }
0x1: {  	s7 =	rddreg [dreg:$0x0]  }
0x2: {  	s2 =	rddreg [dreg:$0x1]  }
0x3: {  	s0 =	rddreg [dreg:$0x2]  }
0x4: {  	s1 =	stileid.u32;
	s3 =	simm.s32 $0x0;
	s4 =	srdreg.scid  }
0x5: {  	s16 =	simm.s32 $0x80;
	s17 =	simm.s32 $0x5080;
	s6 =	smul.u32 $0x500, s1  }
0x6: {  	s20 =	simm.s32 $0x0;
	[smem:$0x7FF] =	sst s3;
	s9 =	smul.u32 $0x140, s1  }
0x7: {  	s8 =	sand.u32 $0x1, s4;
	s4 =	sadd.s32 $0x4C00, s7;
	s13 =	smul.u32 $0x28000, s1  }
0x8: {  	s5 =	sadd.s32 $0x2BE00, s7;
	s31 =	sshll.u32 s1, $0x6;
	s10 =	smul.u32 $0x1400, s8  }
0x9: {  	_ =	strace $0x8000004A;
	s29 =	ssub.s32 $0x2, s8;
	s18 =	smul.u32 $0x1388, s8  }
0xa: {  	s11 =	sadd.s32 s6, s7;
	s6 =	sadd.s32 $0x5D000, s7;
	s12 =	sshrl.u32 s29, $0x1  }
0xb: {  	s30 =	sshrl.u32 s13, $0x2;
	s13 =	simm.s32 $0x2800;
	s9 =	sadd.s32 s9, s10  }
0xc: {  	s12 =	ssub.s32 s29, s12;
	s8 =	sadd.s32 $0x53000, s11;
	s15 =	sadd.s32 s30, s2  }
0xd: {  	s19 =	sadd.s32 $0x1388, s18;
	v0 =	vmov s18;
	s18 =	simm.s32 $0x1;
	s9 =	sshll.u32 s9, $0x4  }
0xe: {  	s15 =	sshrl.u32 s15, $0x3;
	v1 =	vmov s19;
	s19 =	simm.s32 $0x5000;
	s14 =	sadd.s32 s9, s7  }
0xf: {  	s7 =	sadd.s32 $0x58000, s11;
	s11 =	smax.u32 s12, $0x1;
	s12 =	simm.s32 $0x2  }
0x10: {  	s9 =	sadd.s32 $0x5E400, s14;
	s10 =	sadd.s32 $0x86400, s14;
	s14 =	sor.u32 $0x1C02, s31  }
.LBB2_1:
0x11: {  	[tilespmem:s3], [sflag:$0x2] =	stream.linear.gather [hbm4b:s7+s3], $0x2800, $0x38;
	[tilespmem:$0x13080] =	vst v63  }
0x12: {  	_ =	swait.ge [sflag:s12], $0x2800  }
0x13: {  	[sflag:s12] =	ssyncset.done $0x0  }
0x14: {  	[sflag:s12] =	ssyncadd.s32 $0xFFFFD800  }
0x15: {  	[tilespmem:s13], [sflag:$0x2] =	stream.linear.gather [hbm4b:s8+s3], $0x2800, $0x38;
	[tilespmem:$0x13080] =	vst v63  }
0x16: {  	_ =	swait.ge [sflag:s12], $0x2800  }
0x17: {  	[sflag:s12] =	ssyncset.done $0x0  }
0x18: {  	[sflag:s12] =	ssyncadd.s32 $0xFFFFD800  }
0x19: {  	[spmem:s15], [sflag:s14] =	dma.local [hbm:s6], $0x1400  }
0x1a: {  	_ =	swait.ge [sflag:s12], $0x1400  }
0x1b: {  	[sflag:s12] =	ssyncset.done $0x0  }
0x1c: {  	[sflag:s12] =	ssyncadd.s32 $0xFFFFEC00  }
0x1d: {  	s21 =	simm.s32 $0x0;
	[bflag:$0x0] =	sbarrier.arrive $0xFFFF  }
0x1e: {  	v2 =	vld [tilespmem:s21+$0x2800];
	_ =	sdelay $0x4  }
0x1f: {  	vm0 =	vge.s32 v2, v0;
	vm1 =	vlt.s32 v2, v1  }
0x20: {  	v2 =	vsub.s32 v2, v0;
	vm0 =	vmand vm0, vm1  }
0x21: {  	v2 =	vnsel vm0, $0x1388, v2  }
0x22: {  	[tilespmem:$0x5000] =	vst v2  }
0x23: {  	v2 =	vld [tilespmem:s21+$0x2810];
	_ =	sdelay $0x4  }
0x24: {  	vm14 =	vge.s32 v2, v0;
	vm15 =	vlt.s32 v2, v1  }
0x25: {  	v2 =	vsub.s32 v2, v0;
	vm0 =	vmand vm14, vm15  }
0x26: {  	v2 =	vnsel vm0, $0x1388, v2  }
0x27: {  	[tilespmem:$0x5010] =	vst v2  }
0x28: {  	v2 =	vld [tilespmem:s21+$0x2820];
	_ =	sdelay $0x4  }
0x29: {  	vm4 =	vge.s32 v2, v0;
	vm5 =	vlt.s32 v2, v1  }
0x2a: {  	v2 =	vsub.s32 v2, v0;
	vm0 =	vmand vm4, vm5  }
0x2b: {  	v2 =	vnsel vm0, $0x1388, v2  }
0x2c: {  	[tilespmem:$0x5020] =	vst v2  }
0x2d: {  	v2 =	vld [tilespmem:s21+$0x2830];
	_ =	sdelay $0x4  }
0x2e: {  	vm6 =	vge.s32 v2, v0;
	vm7 =	vlt.s32 v2, v1  }
0x2f: {  	v2 =	vsub.s32 v2, v0;
	vm0 =	vmand vm6, vm7  }
0x30: {  	v2 =	vnsel vm0, $0x1388, v2  }
0x31: {  	[tilespmem:$0x5030] =	vst v2  }
0x32: {  	v2 =	vld [tilespmem:s21+$0x2840];
	_ =	sdelay $0x4  }
0x33: {  	vm8 =	vge.s32 v2, v0;
	vm9 =	vlt.s32 v2, v1  }
0x34: {  	v2 =	vsub.s32 v2, v0;
	vm0 =	vmand vm8, vm9  }
0x35: {  	v2 =	vnsel vm0, $0x1388, v2  }
0x36: {  	[tilespmem:$0x5040] =	vst v2  }
0x37: {  	v2 =	vld [tilespmem:s21+$0x2850];
	_ =	sdelay $0x4  }
0x38: {  	vm10 =	vge.s32 v2, v0;
	vm11 =	vlt.s32 v2, v1  }
0x39: {  	v2 =	vsub.s32 v2, v0;
	vm0 =	vmand vm10, vm11  }
0x3a: {  	v2 =	vnsel vm0, $0x1388, v2  }
0x3b: {  	[tilespmem:$0x5050] =	vst v2  }
0x3c: {  	v2 =	vld [tilespmem:s21+$0x2860];
	_ =	sdelay $0x4  }
0x3d: {  	vm12 =	vge.s32 v2, v0;
	vm13 =	vlt.s32 v2, v1  }
0x3e: {  	v2 =	vsub.s32 v2, v0;
	vm0 =	vmand vm12, vm13  }
0x3f: {  	v2 =	vnsel vm0, $0x1388, v2  }
0x40: {  	[tilespmem:$0x5060] =	vst v2  }
0x41: {  	v2 =	vld [tilespmem:s21+$0x2870];
	_ =	sdelay $0x4  }
0x42: {  	vm14 =	vge.s32 v2, v0;
	vm15 =	vlt.s32 v2, v1  }
0x43: {  	v2 =	vsub.s32 v2, v0;
	vm0 =	vmand vm14, vm15  }
0x44: {  	v2 =	vnsel vm0, $0x1388, v2  }
0x45: {  	[tilespmem:$0x5070] =	vst v2  }
0x46: {  	[tilespmem:s17], [sflag:$0x1] =	stream.indirect.gather [hbm4b:s4+s16], $0x80, s21, s16, $0xb8;
	[tilespmem:$0x13080] =	vst v63  }
0x47: {  	_ =	swait.ge [sflag:s18], $0x4000  }
0x48: {  	[sflag:s18] =	ssyncset.done $0x0  }
0x49: {  	[sflag:s18] =	ssyncadd.s32 $0xFFFFC000  }
0x4a: {  	[spmem:s2] =	stream.indirect.scatter.add.f32 [tilespmem:s17], [sflag:$0x2], $0x80, s19, s16, $0xb8;
	[tilespmem:$0x13080] =	vst v63  }
0x4b: {  	_ =	swait.ge [sflag:s12], $0x4000  }
0x4c: {  	s24 =	simm.s32 $0x400;
	s21 =	simm.s32 $0x200;
	[sflag:s12] =	ssyncset.done $0x0  }
.LBB2_2:
0x4d: {  	s23 =	sshra.s32 s21, $0x2  }
0x4e: {  	[sflag:s12] =	ssyncadd.s32 $0xFFFFC000;
	s21 =	smov.u32 s24;
	s22 =	sadd.s32 $0x200, s24  }
0x4f: {  	p0 =	sne.s32 s24, $0x9E00;
	v2 =	vld [tilespmem:s23+$0x2800];
	_ =	sdelay $0x4  }
0x50: {  	vm0 =	vge.s32 v2, v0;
	vm1 =	vlt.s32 v2, v1  }
0x51: {  	v2 =	vsub.s32 v2, v0;
	vm0 =	vmand vm0, vm1  }
0x52: {  	v2 =	vnsel vm0, $0x1388, v2  }
0x53: {  	[tilespmem:$0x5000] =	vst v2  }
0x54: {  	v2 =	vld [tilespmem:s23+$0x2810];
	_ =	sdelay $0x4  }
0x55: {  	vm0 =	vge.s32 v2, v0;
	vm1 =	vlt.s32 v2, v1  }
0x56: {  	v2 =	vsub.s32 v2, v0;
	vm0 =	vmand vm0, vm1  }
0x57: {  	v2 =	vnsel vm0, $0x1388, v2  }
0x58: {  	[tilespmem:$0x5010] =	vst v2  }
0x59: {  	v2 =	vld [tilespmem:s23+$0x2820];
	_ =	sdelay $0x4  }
0x5a: {  	vm0 =	vge.s32 v2, v0;
	vm1 =	vlt.s32 v2, v1  }
0x5b: {  	v2 =	vsub.s32 v2, v0;
	vm0 =	vmand vm0, vm1  }
0x5c: {  	v2 =	vnsel vm0, $0x1388, v2  }
0x5d: {  	[tilespmem:$0x5020] =	vst v2  }
0x5e: {  	v2 =	vld [tilespmem:s23+$0x2830];
	_ =	sdelay $0x4  }
0x5f: {  	vm0 =	vge.s32 v2, v0;
	vm1 =	vlt.s32 v2, v1  }
0x60: {  	v2 =	vsub.s32 v2, v0;
	vm0 =	vmand vm0, vm1  }
0x61: {  	v2 =	vnsel vm0, $0x1388, v2  }
0x62: {  	[tilespmem:$0x5030] =	vst v2  }
0x63: {  	v2 =	vld [tilespmem:s23+$0x2840];
	_ =	sdelay $0x4  }
0x64: {  	vm0 =	vge.s32 v2, v0;
	vm1 =	vlt.s32 v2, v1  }
0x65: {  	v2 =	vsub.s32 v2, v0;
	vm0 =	vmand vm0, vm1  }
0x66: {  	v2 =	vnsel vm0, $0x1388, v2  }
0x67: {  	[tilespmem:$0x5040] =	vst v2  }
0x68: {  	v2 =	vld [tilespmem:s23+$0x2850];
	_ =	sdelay $0x4  }
0x69: {  	vm0 =	vge.s32 v2, v0;
	vm1 =	vlt.s32 v2, v1  }
0x6a: {  	v2 =	vsub.s32 v2, v0;
	vm0 =	vmand vm0, vm1  }
0x6b: {  	v2 =	vnsel vm0, $0x1388, v2  }
0x6c: {  	[tilespmem:$0x5050] =	vst v2  }
0x6d: {  	v2 =	vld [tilespmem:s23+$0x2860];
	_ =	sdelay $0x4  }
0x6e: {  	vm0 =	vge.s32 v2, v0;
	vm1 =	vlt.s32 v2, v1  }
0x6f: {  	v2 =	vsub.s32 v2, v0;
	vm0 =	vmand vm0, vm1  }
0x70: {  	v2 =	vnsel vm0, $0x1388, v2  }
0x71: {  	[tilespmem:$0x5060] =	vst v2  }
0x72: {  	v2 =	vld [tilespmem:s23+$0x2870];
	_ =	sdelay $0x4  }
0x73: {  	vm0 =	vge.s32 v2, v0;
	vm1 =	vlt.s32 v2, v1  }
0x74: {  	v2 =	vsub.s32 v2, v0;
	vm0 =	vmand vm0, vm1  }
0x75: {  	v2 =	vnsel vm0, $0x1388, v2  }
0x76: {  	[tilespmem:$0x5070] =	vst v2  }
0x77: {  	[tilespmem:s17], [sflag:$0x1] =	stream.indirect.gather [hbm4b:s4+s16], $0x80, s23, s16, $0xb8;
	[tilespmem:$0x13080] =	vst v63  }
0x78: {  	_ =	swait.ge [sflag:s18], $0x4000  }
.Ltmp0:
0x79: {  	[sflag:s18] =	ssyncset.done $0x0;
	(pc) =	sbr.rel @p0 .LBB2_2-.Ltmp0, $4  }
0x7a: {  	[sflag:s18] =	ssyncadd.s32 $0xFFFFC000  }
0x7b: {  	[spmem:s2] =	stream.indirect.scatter.add.f32 [tilespmem:s17], [sflag:$0x2], $0x80, s19, s16, $0xb8;
	[tilespmem:$0x13080] =	vst v63  }
0x7c: {  	_ =	swait.ge [sflag:s12], $0x4000  }
0x7d: {  	s24 =	smov.u32 s22;
	[sflag:s12] =	ssyncset.done $0x0  }
0x7e: {  	s21 =	sshra.s32 s21, $0x2;
	[sflag:s12] =	ssyncadd.s32 $0xFFFFC000  }
0x7f: {  	v2 =	vld [tilespmem:s21+$0x2800];
	_ =	sdelay $0x4  }
0x80: {  	vm0 =	vge.s32 v2, v0;
	vm1 =	vlt.s32 v2, v1  }
0x81: {  	v2 =	vsub.s32 v2, v0;
	vm0 =	vmand vm0, vm1  }
0x82: {  	v2 =	vnsel vm0, $0x1388, v2  }
0x83: {  	[tilespmem:$0x5000] =	vst v2  }
0x84: {  	v2 =	vld [tilespmem:s21+$0x2810];
	_ =	sdelay $0x4  }
0x85: {  	vm10 =	vge.s32 v2, v0;
	vm11 =	vlt.s32 v2, v1  }
0x86: {  	v2 =	vsub.s32 v2, v0;
	vm0 =	vmand vm10, vm11  }
0x87: {  	v2 =	vnsel vm0, $0x1388, v2  }
0x88: {  	[tilespmem:$0x5010] =	vst v2  }
0x89: {  	v2 =	vld [tilespmem:s21+$0x2820];
	_ =	sdelay $0x4  }
0x8a: {  	vm12 =	vge.s32 v2, v0;
	vm13 =	vlt.s32 v2, v1  }
0x8b: {  	v2 =	vsub.s32 v2, v0;
	vm0 =	vmand vm12, vm13  }
0x8c: {  	v2 =	vnsel vm0, $0x1388, v2  }
0x8d: {  	[tilespmem:$0x5020] =	vst v2  }
0x8e: {  	v2 =	vld [tilespmem:s21+$0x2830];
	_ =	sdelay $0x4  }
0x8f: {  	vm14 =	vge.s32 v2, v0;
	vm15 =	vlt.s32 v2, v1  }
0x90: {  	v2 =	vsub.s32 v2, v0;
	vm0 =	vmand vm14, vm15  }
0x91: {  	v2 =	vnsel vm0, $0x1388, v2  }
0x92: {  	[tilespmem:$0x5030] =	vst v2  }
0x93: {  	v2 =	vld [tilespmem:s21+$0x2840];
	_ =	sdelay $0x4  }
0x94: {  	vm4 =	vge.s32 v2, v0;
	vm5 =	vlt.s32 v2, v1  }
0x95: {  	v2 =	vsub.s32 v2, v0;
	vm0 =	vmand vm4, vm5  }
0x96: {  	v2 =	vnsel vm0, $0x1388, v2  }
0x97: {  	[tilespmem:$0x5040] =	vst v2  }
0x98: {  	v2 =	vld [tilespmem:s21+$0x2850];
	_ =	sdelay $0x4  }
0x99: {  	vm6 =	vge.s32 v2, v0;
	vm7 =	vlt.s32 v2, v1  }
0x9a: {  	v2 =	vsub.s32 v2, v0;
	vm0 =	vmand vm6, vm7  }
0x9b: {  	v2 =	vnsel vm0, $0x1388, v2  }
0x9c: {  	[tilespmem:$0x5050] =	vst v2  }
0x9d: {  	v2 =	vld [tilespmem:s21+$0x2860];
	_ =	sdelay $0x4  }
0x9e: {  	vm8 =	vge.s32 v2, v0;
	vm9 =	vlt.s32 v2, v1  }
0x9f: {  	v2 =	vsub.s32 v2, v0;
	vm0 =	vmand vm8, vm9  }
0xa0: {  	v2 =	vnsel vm0, $0x1388, v2  }
0xa1: {  	[tilespmem:$0x5060] =	vst v2  }
0xa2: {  	v2 =	vld [tilespmem:s21+$0x2870];
	_ =	sdelay $0x4  }
0xa3: {  	vm10 =	vge.s32 v2, v0;
	vm11 =	vlt.s32 v2, v1  }
0xa4: {  	v2 =	vsub.s32 v2, v0;
	vm0 =	vmand vm10, vm11  }
0xa5: {  	v2 =	vnsel vm0, $0x1388, v2  }
0xa6: {  	[tilespmem:$0x5070] =	vst v2  }
0xa7: {  	[tilespmem:s17], [sflag:$0x1] =	stream.indirect.gather [hbm4b:s4+s16], $0x80, s21, s16, $0xb8;
	[tilespmem:$0x13080] =	vst v63  }
0xa8: {  	_ =	swait.ge [sflag:s18], $0x4000  }
0xa9: {  	[sflag:s18] =	ssyncset.done $0x0  }
0xaa: {  	[sflag:s18] =	ssyncadd.s32 $0xFFFFC000  }
0xab: {  	[spmem:s2] =	stream.indirect.scatter.add.f32 [tilespmem:s17], [sflag:$0x2], $0x80, s19, s16, $0xb8;
	[tilespmem:$0x13080] =	vst v63  }
0xac: {  	_ =	swait.ge [sflag:s12], $0x4000  }
0xad: {  	[sflag:s12] =	ssyncset.done $0x0  }
0xae: {  	[sflag:s12] =	ssyncadd.s32 $0xFFFFC000  }
0xaf: {  	[bflag:$0x0] =	sbarrier.arrive $0xFFFF  }
0xb0: {  	[hbm:s9], [sflag:s14] =	dma.local [spmem:s15], $0x1400  }
0xb1: {  	_ =	swait.ge [sflag:s12], $0x1400  }
0xb2: {  	[sflag:s12] =	ssyncset.done $0x0  }
0xb3: {  	[sflag:s12] =	ssyncadd.s32 $0xFFFFEC00  }
0xb4: {  	[bflag:$0x0] =	sbarrier.arrive $0xFFFF  }
0xb5: {  	[spmem:s15], [sflag:s14] =	dma.local [hbm:s6], $0x1400  }
0xb6: {  	_ =	swait.ge [sflag:s12], $0x1400  }
0xb7: {  	[sflag:s12] =	ssyncset.done $0x0  }
0xb8: {  	[sflag:s12] =	ssyncadd.s32 $0xFFFFEC00  }
0xb9: {  	s31 =	simm.s32 $0x0;
	[bflag:$0x0] =	sbarrier.arrive $0xFFFF  }
0xba: {  	v2 =	vld [tilespmem:s31+$0x2800];
	_ =	sdelay $0x4  }
0xbb: {  	vm12 =	vge.s32 v2, v0;
	vm13 =	vlt.s32 v2, v1  }
0xbc: {  	v2 =	vsub.s32 v2, v0;
	vm0 =	vmand vm12, vm13  }
0xbd: {  	v2 =	vnsel vm0, $0x1388, v2  }
0xbe: {  	[tilespmem:$0x5000] =	vst v2  }
0xbf: {  	v2 =	vld [tilespmem:s31+$0x2810];
	_ =	sdelay $0x4  }
0xc0: {  	vm14 =	vge.s32 v2, v0;
	vm15 =	vlt.s32 v2, v1  }
0xc1: {  	v2 =	vsub.s32 v2, v0;
	vm0 =	vmand vm14, vm15  }
0xc2: {  	v2 =	vnsel vm0, $0x1388, v2  }
0xc3: {  	[tilespmem:$0x5010] =	vst v2  }
0xc4: {  	v2 =	vld [tilespmem:s31+$0x2820];
	_ =	sdelay $0x4  }
0xc5: {  	vm4 =	vge.s32 v2, v0;
	vm5 =	vlt.s32 v2, v1  }
0xc6: {  	v2 =	vsub.s32 v2, v0;
	vm0 =	vmand vm4, vm5  }
0xc7: {  	v2 =	vnsel vm0, $0x1388, v2  }
0xc8: {  	[tilespmem:$0x5020] =	vst v2  }
0xc9: {  	v2 =	vld [tilespmem:s31+$0x2830];
	_ =	sdelay $0x4  }
0xca: {  	vm6 =	vge.s32 v2, v0;
	vm7 =	vlt.s32 v2, v1  }
0xcb: {  	v2 =	vsub.s32 v2, v0;
	vm0 =	vmand vm6, vm7  }
0xcc: {  	v2 =	vnsel vm0, $0x1388, v2  }
0xcd: {  	[tilespmem:$0x5030] =	vst v2  }
0xce: {  	v2 =	vld [tilespmem:s31+$0x2840];
	_ =	sdelay $0x4  }
0xcf: {  	vm8 =	vge.s32 v2, v0;
	vm9 =	vlt.s32 v2, v1  }
0xd0: {  	v2 =	vsub.s32 v2, v0;
	vm0 =	vmand vm8, vm9  }
0xd1: {  	v2 =	vnsel vm0, $0x1388, v2  }
0xd2: {  	[tilespmem:$0x5040] =	vst v2  }
0xd3: {  	v2 =	vld [tilespmem:s31+$0x2850];
	_ =	sdelay $0x4  }
0xd4: {  	vm10 =	vge.s32 v2, v0;
	vm11 =	vlt.s32 v2, v1  }
0xd5: {  	v2 =	vsub.s32 v2, v0;
	vm0 =	vmand vm10, vm11  }
0xd6: {  	v2 =	vnsel vm0, $0x1388, v2  }
0xd7: {  	[tilespmem:$0x5050] =	vst v2  }
0xd8: {  	v2 =	vld [tilespmem:s31+$0x2860];
	_ =	sdelay $0x4  }
0xd9: {  	vm12 =	vge.s32 v2, v0;
	vm13 =	vlt.s32 v2, v1  }
0xda: {  	v2 =	vsub.s32 v2, v0;
	vm0 =	vmand vm12, vm13  }
0xdb: {  	v2 =	vnsel vm0, $0x1388, v2  }
0xdc: {  	[tilespmem:$0x5060] =	vst v2  }
0xdd: {  	v2 =	vld [tilespmem:s31+$0x2870];
	_ =	sdelay $0x4  }
0xde: {  	vm14 =	vge.s32 v2, v0;
	vm15 =	vlt.s32 v2, v1  }
0xdf: {  	v2 =	vsub.s32 v2, v0;
	vm0 =	vmand vm14, vm15  }
0xe0: {  	v2 =	vnsel vm0, $0x1388, v2  }
0xe1: {  	[tilespmem:$0x5070] =	vst v2  }
0xe2: {  	[tilespmem:s17], [sflag:$0x1] =	stream.indirect.gather [hbm4b:s5+s16], $0x80, s31, s16, $0xb8;
	[tilespmem:$0x13080] =	vst v63  }
0xe3: {  	_ =	swait.ge [sflag:s18], $0x4000  }
0xe4: {  	[sflag:s18] =	ssyncset.done $0x0  }
0xe5: {  	[sflag:s18] =	ssyncadd.s32 $0xFFFFC000  }
0xe6: {  	[spmem:s2] =	stream.indirect.scatter.add.f32 [tilespmem:s17], [sflag:$0x2], $0x80, s19, s16, $0xb8;
	[tilespmem:$0x13080] =	vst v63  }
0xe7: {  	_ =	swait.ge [sflag:s12], $0x4000  }
0xe8: {  	s24 =	simm.s32 $0x400;
	s21 =	simm.s32 $0x200;
	[sflag:s12] =	ssyncset.done $0x0  }
.LBB2_4:
0xe9: {  	s23 =	sshra.s32 s21, $0x2  }
0xea: {  	[sflag:s12] =	ssyncadd.s32 $0xFFFFC000;
	s21 =	smov.u32 s24;
	s22 =	sadd.s32 $0x200, s24  }
0xeb: {  	p0 =	sne.s32 s24, $0x9E00;
	v2 =	vld [tilespmem:s23+$0x2800];
	_ =	sdelay $0x4  }
0xec: {  	vm0 =	vge.s32 v2, v0;
	vm1 =	vlt.s32 v2, v1  }
0xed: {  	v2 =	vsub.s32 v2, v0;
	vm0 =	vmand vm0, vm1  }
0xee: {  	v2 =	vnsel vm0, $0x1388, v2  }
0xef: {  	[tilespmem:$0x5000] =	vst v2  }
0xf0: {  	v2 =	vld [tilespmem:s23+$0x2810];
	_ =	sdelay $0x4  }
0xf1: {  	vm0 =	vge.s32 v2, v0;
	vm1 =	vlt.s32 v2, v1  }
0xf2: {  	v2 =	vsub.s32 v2, v0;
	vm0 =	vmand vm0, vm1  }
0xf3: {  	v2 =	vnsel vm0, $0x1388, v2  }
0xf4: {  	[tilespmem:$0x5010] =	vst v2  }
0xf5: {  	v2 =	vld [tilespmem:s23+$0x2820];
	_ =	sdelay $0x4  }
0xf6: {  	vm0 =	vge.s32 v2, v0;
	vm1 =	vlt.s32 v2, v1  }
0xf7: {  	v2 =	vsub.s32 v2, v0;
	vm0 =	vmand vm0, vm1  }
0xf8: {  	v2 =	vnsel vm0, $0x1388, v2  }
0xf9: {  	[tilespmem:$0x5020] =	vst v2  }
0xfa: {  	v2 =	vld [tilespmem:s23+$0x2830];
	_ =	sdelay $0x4  }
0xfb: {  	vm0 =	vge.s32 v2, v0;
	vm1 =	vlt.s32 v2, v1  }
0xfc: {  	v2 =	vsub.s32 v2, v0;
	vm0 =	vmand vm0, vm1  }
0xfd: {  	v2 =	vnsel vm0, $0x1388, v2  }
0xfe: {  	[tilespmem:$0x5030] =	vst v2  }
0xff: {  	v2 =	vld [tilespmem:s23+$0x2840];
	_ =	sdelay $0x4  }
0x100: {  	vm0 =	vge.s32 v2, v0;
	vm1 =	vlt.s32 v2, v1  }
0x101: {  	v2 =	vsub.s32 v2, v0;
	vm0 =	vmand vm0, vm1  }
0x102: {  	v2 =	vnsel vm0, $0x1388, v2  }
0x103: {  	[tilespmem:$0x5040] =	vst v2  }
0x104: {  	v2 =	vld [tilespmem:s23+$0x2850];
	_ =	sdelay $0x4  }
0x105: {  	vm0 =	vge.s32 v2, v0;
	vm1 =	vlt.s32 v2, v1  }
0x106: {  	v2 =	vsub.s32 v2, v0;
	vm0 =	vmand vm0, vm1  }
0x107: {  	v2 =	vnsel vm0, $0x1388, v2  }
0x108: {  	[tilespmem:$0x5050] =	vst v2  }
0x109: {  	v2 =	vld [tilespmem:s23+$0x2860];
	_ =	sdelay $0x4  }
0x10a: {  	vm0 =	vge.s32 v2, v0;
	vm1 =	vlt.s32 v2, v1  }
0x10b: {  	v2 =	vsub.s32 v2, v0;
	vm0 =	vmand vm0, vm1  }
0x10c: {  	v2 =	vnsel vm0, $0x1388, v2  }
0x10d: {  	[tilespmem:$0x5060] =	vst v2  }
0x10e: {  	v2 =	vld [tilespmem:s23+$0x2870];
	_ =	sdelay $0x4  }
0x10f: {  	vm0 =	vge.s32 v2, v0;
	vm1 =	vlt.s32 v2, v1  }
0x110: {  	v2 =	vsub.s32 v2, v0;
	vm0 =	vmand vm0, vm1  }
0x111: {  	v2 =	vnsel vm0, $0x1388, v2  }
0x112: {  	[tilespmem:$0x5070] =	vst v2  }
0x113: {  	[tilespmem:s17], [sflag:$0x1] =	stream.indirect.gather [hbm4b:s5+s16], $0x80, s23, s16, $0xb8;
	[tilespmem:$0x13080] =	vst v63  }
0x114: {  	_ =	swait.ge [sflag:s18], $0x4000  }
.Ltmp1:
0x115: {  	[sflag:s18] =	ssyncset.done $0x0;
	(pc) =	sbr.rel @p0 .LBB2_4-.Ltmp1, $4  }
0x116: {  	[sflag:s18] =	ssyncadd.s32 $0xFFFFC000  }
0x117: {  	[spmem:s2] =	stream.indirect.scatter.add.f32 [tilespmem:s17], [sflag:$0x2], $0x80, s19, s16, $0xb8;
	[tilespmem:$0x13080] =	vst v63  }
0x118: {  	_ =	swait.ge [sflag:s12], $0x4000  }
0x119: {  	s24 =	smov.u32 s22;
	[sflag:s12] =	ssyncset.done $0x0  }
0x11a: {  	s21 =	sshra.s32 s21, $0x2;
	[sflag:s12] =	ssyncadd.s32 $0xFFFFC000  }
0x11b: {  	v2 =	vld [tilespmem:s21+$0x2800];
	_ =	sdelay $0x4  }
0x11c: {  	vm0 =	vge.s32 v2, v0;
	vm1 =	vlt.s32 v2, v1  }
0x11d: {  	v2 =	vsub.s32 v2, v0;
	vm0 =	vmand vm0, vm1  }
0x11e: {  	v2 =	vnsel vm0, $0x1388, v2  }
0x11f: {  	[tilespmem:$0x5000] =	vst v2  }
0x120: {  	v2 =	vld [tilespmem:s21+$0x2810];
	_ =	sdelay $0x4  }
0x121: {  	vm14 =	vge.s32 v2, v0;
	vm15 =	vlt.s32 v2, v1  }
0x122: {  	v2 =	vsub.s32 v2, v0;
	vm0 =	vmand vm14, vm15  }
0x123: {  	v2 =	vnsel vm0, $0x1388, v2  }
0x124: {  	[tilespmem:$0x5010] =	vst v2  }
0x125: {  	v2 =	vld [tilespmem:s21+$0x2820];
	_ =	sdelay $0x4  }
0x126: {  	vm4 =	vge.s32 v2, v0;
	vm5 =	vlt.s32 v2, v1  }
0x127: {  	v2 =	vsub.s32 v2, v0;
	vm0 =	vmand vm4, vm5  }
0x128: {  	v2 =	vnsel vm0, $0x1388, v2  }
0x129: {  	[tilespmem:$0x5020] =	vst v2  }
0x12a: {  	v2 =	vld [tilespmem:s21+$0x2830];
	_ =	sdelay $0x4  }
0x12b: {  	vm6 =	vge.s32 v2, v0;
	vm7 =	vlt.s32 v2, v1  }
0x12c: {  	v2 =	vsub.s32 v2, v0;
	vm0 =	vmand vm6, vm7  }
0x12d: {  	v2 =	vnsel vm0, $0x1388, v2  }
0x12e: {  	[tilespmem:$0x5030] =	vst v2  }
0x12f: {  	v2 =	vld [tilespmem:s21+$0x2840];
	_ =	sdelay $0x4  }
0x130: {  	vm8 =	vge.s32 v2, v0;
	vm9 =	vlt.s32 v2, v1  }
0x131: {  	v2 =	vsub.s32 v2, v0;
	vm0 =	vmand vm8, vm9  }
0x132: {  	v2 =	vnsel vm0, $0x1388, v2  }
0x133: {  	[tilespmem:$0x5040] =	vst v2  }
0x134: {  	v2 =	vld [tilespmem:s21+$0x2850];
	_ =	sdelay $0x4  }
0x135: {  	vm10 =	vge.s32 v2, v0;
	vm11 =	vlt.s32 v2, v1  }
0x136: {  	v2 =	vsub.s32 v2, v0;
	vm0 =	vmand vm10, vm11  }
0x137: {  	v2 =	vnsel vm0, $0x1388, v2  }
0x138: {  	[tilespmem:$0x5050] =	vst v2  }
0x139: {  	v2 =	vld [tilespmem:s21+$0x2860];
	_ =	sdelay $0x4  }
0x13a: {  	vm12 =	vge.s32 v2, v0;
	vm13 =	vlt.s32 v2, v1  }
0x13b: {  	v2 =	vsub.s32 v2, v0;
	vm0 =	vmand vm12, vm13  }
0x13c: {  	v2 =	vnsel vm0, $0x1388, v2  }
0x13d: {  	[tilespmem:$0x5060] =	vst v2  }
0x13e: {  	v2 =	vld [tilespmem:s21+$0x2870];
	_ =	sdelay $0x4  }
0x13f: {  	vm14 =	vge.s32 v2, v0;
	vm15 =	vlt.s32 v2, v1  }
0x140: {  	v2 =	vsub.s32 v2, v0;
	vm0 =	vmand vm14, vm15  }
0x141: {  	v2 =	vnsel vm0, $0x1388, v2  }
0x142: {  	[tilespmem:$0x5070] =	vst v2  }
0x143: {  	[tilespmem:s17], [sflag:$0x1] =	stream.indirect.gather [hbm4b:s5+s16], $0x80, s21, s16, $0xb8;
	[tilespmem:$0x13080] =	vst v63  }
0x144: {  	_ =	swait.ge [sflag:s18], $0x4000  }
0x145: {  	[sflag:s18] =	ssyncset.done $0x0  }
0x146: {  	[sflag:s18] =	ssyncadd.s32 $0xFFFFC000  }
0x147: {  	[spmem:s2] =	stream.indirect.scatter.add.f32 [tilespmem:s17], [sflag:$0x2], $0x80, s19, s16, $0xb8;
	[tilespmem:$0x13080] =	vst v63  }
0x148: {  	_ =	swait.ge [sflag:s12], $0x4000  }
0x149: {  	[sflag:s12] =	ssyncset.done $0x0  }
0x14a: {  	s20 =	sadd.s32 $0x1, s20;
	[sflag:s12] =	ssyncadd.s32 $0xFFFFC000  }
0x14b: {  	p0 =	sne.s32 s20, s11;
	[bflag:$0x0] =	sbarrier.arrive $0xFFFF  }
0x14c: {  	[hbm:s10], [sflag:s14] =	dma.local [spmem:s15], $0x1400  }
.Ltmp2:
0x14d: {  	_ =	swait.ge [sflag:s12], $0x1400;
	(pc) =	sbr.rel @p0 .LBB2_1-.Ltmp2, $3  }
0x14e: {  	[sflag:s12] =	ssyncset.done $0x0  }
0x14f: {  	[sflag:s12] =	ssyncadd.s32 $0xFFFFEC00  }
0x150: {  	[bflag:$0x0] =	sbarrier.arrive $0xFFFF;
	_ =	sdelay $0x1  }
0x151: {  	_ =	sfence.sel $0x180000  }
0x152: {  	[bflag:$0x0] =	sbarrier.arrive $0xFFFF  }
0x153: {  	p0 =	sne.s32 s1, $0x0;
	_ =	strace $0x9000004A  }
0x154: {  	s0 =	sadd.s32 @!p0 $0x100000, s0;
	[bflag:$0x2] =	sbarrier.arrive $0xFFFF  }
0x155: {  	[sflag:s0] =	ssyncadd.tile.s32 @!p0 $0x1;
	_ =	shalt  }
.Lfunc_end2:
_tile_overlayer_lowered:
.L_overlay_start_2:
0x156: {  	(tag) =	ssettag $0x2  }
0x157: {  	s0 =	rddreg [dreg:$0x0];
	s2 =	stileid.u32  }
0x158: {  	s1 =	rddreg [dreg:$0x1];
	p0 =	sne.s32 s2, $0x0  }
0x159: {  	s3 =	rddreg [dreg:$0x2];
	[bflag:$0x3] =	sbarrier.arrive $0xFFFF;
	s2 =	simm.s32 @!p0 $0x1C02  }
0x15a: {  	[timem:s3], [sflag:s2] =	dma.local @!p0 [hbm:s0], s1  }
0x15b: {  	s0 =	simm.s32 @!p0 $0x2  }
0x15c: {  	_ =	swait.ge @!p0 [sflag:s0], s1  }
0x15d: {  	s1 =	ssub.s32 @!p0 $0x0, s1;
	[sflag:s0] =	ssyncset.done @!p0 $0x0  }
0x15e: {  	[sflag:s0] =	ssyncadd.s32 @!p0 s1  }
0x15f: {  	[bflag:$0x3] =	sbarrier.arrive $0xFFFF  }
0x160: {  	_ =	shalt  }

// kernel: kernel.15.cloned.1.call-start
scs
__scs_entry_jumppad:
0x0: {  	(pc) =	sbr.rel $0x88, $3  }
0x1: {  	(tag) =	ssettag $0x0;
	lr =	simm.s32 $0x1  }
0x2: {  	[smem:$0x3F93] =	sst lr;
	_ =	strace $0xD0000000  }
0x3: {  	_ = 	snop  }
0x4: {  	_ = 	snop  }
0x5: {  	_ = 	snop  }
0x6: {  	_ = 	snop  }
0x7: {  	_ = 	snop  }
__scs_overlays_trampoline_lowered:
0x8: {  	[smem:$0x3FA2] =	sst s0  }
0x9: {  	[smem:$0x3FA3] =	sst s1  }
0xa: {  	[smem:$0x3FA4] =	sst s2  }
0xb: {  	[smem:$0x3FA5] =	sst s3  }
0xc: {  	[smem:$0x3FA6] =	sst s4  }
0xd: {  	[smem:$0x3FA7] =	sst s5  }
0xe: {  	[smem:$0x3FA8] =	sst s6  }
0xf: {  	[smem:$0x3FA9] =	sst s7  }
0x10: {  	[smem:$0x3FAA] =	sst s8  }
0x11: {  	[smem:$0x3FAB] =	sst s9;
	s0 =	simm.s32 @!p0 $0x0  }
0x12: {  	s1 =	sld [smem:$0x3F91];
	s0 =	simm.s32 @p0 $0x1  }
0x13: {  	[smem:$0x3FAC] =	sst s0;
	s0 =	simm.s32 @!p1 $0x0  }
0x14: {  	s2 =	sld [smem:$0x3F90];
	s0 =	simm.s32 @p1 $0x1  }
0x15: {  	[smem:$0x3FAD] =	sst s0;
	s0 =	simm.s32 @!p2 $0x0  }
0x16: {  	s3 =	sld [smem:$0x3FDB];
	s0 =	simm.s32 @p2 $0x1  }
0x17: {  	s4 =	simm.s32 $0x1BF5;
	[smem:$0x3FAF] =	sst s0  }
0x18: {  	s0 =	sld [smem:$0x3F92];
	_ =	swait.ge [sflag:s4], $0x0  }
0x19: {  	s7 =	sld [smem:$0x3F93]  }
0x1a: {  	s8 =	sadd.s32 $0xFFFFE003, lr  }
0x1b: {  	s9 =	sadd.s32 $0xFFFFFEF7, lr;
	s5 =	simm.s32 $0xFFFFFFFF;
	p2 =	slt.u32 s8, $0xFFFFF086  }
0x1c: {  	p1 =	slt.u32 s9, $0xF7A;
	s5 =	simm.s32 @!p2 $0x0  }
0x1d: {  	s5 =	simm.s32 @p1 $0x1;
	p0 =	seq.s32 s7, s2  }
0x1e: {  	s7 =	smul.u32 @!p0 $0xF7A, s2;
	p2 =	seq.s32 @!p0 s5, $0x0  }
0x1f: {  	s9 =	smul.u32 $0xF7A, s1;
	s8 =	simm.s32 @!p0 $0x1BF5;
	p2 =	por !p2, p0  }
0x20: {  	[sflag:s8] =	ssyncset.s32 @!p0 $0xFFFFF086;
	s6 =	sadd.s32 @!p0 s3, s7;
	s7 =	simm.s32 @!p0 $0x108  }
0x21: {  	s3 =	sadd.s32 s3, s9;
	s6 =	sadd.s32 @!p0 $0x88, s6;
	s7 =	simm.s32 @p2 $0x1082  }
0x22: {  	[simem:s7], [sflag:s8] =	dma.local @!p0 [hbm:s6], $0xF7A  }
0x23: {  	s9 =	sor.u32 $0xD0000000, s2;
	s6 =	simm.s32 $0x108;
	_ =	swait.ge @!p0 [sflag:s8], $0x0  }
0x24: {  	s3 =	sadd.s32 $0x88, s3;
	s6 =	simm.s32 @!p1 $0x1082;
	[sflag:s4] =	ssyncset.s32 $0xFFFFF086  }
0x25: {  	[simem:s6], [sflag:s4] =	dma.local [hbm:s3], $0xF7A  }
0x26: {  	[smem:$0x3F93] =	sst s1;
	(tag) =	ssettag s2;
	_ =	strace s9  }
0x27: {  	s1 =	sld [smem:$0x3FA3]  }
0x28: {  	s2 =	sld [smem:$0x3FA4]  }
0x29: {  	s4 =	sld [smem:$0x3FA6]  }
0x2a: {  	p0 =	seq.s32 s5, $0x0;
	s5 =	sld [smem:$0x3FA7]  }
0x2b: {  	s6 =	sld [smem:$0x3FA8]  }
0x2c: {  	s7 =	sld [smem:$0x3FA9]  }
0x2d: {  	s3 =	simm.s32 $0x108;
	s8 =	sld [smem:$0x3FAA]  }
0x2e: {  	s3 =	simm.s32 @!p0 $0x1082;
	s9 =	sld [smem:$0x3FAB]  }
0x2f: {  	lr =	sadd.s32 s0, s3;
	s0 =	sld [smem:$0x3FA2]  }
0x30: {  	s3 =	sld [smem:$0x3FA5]  }
0x31: {  	[smem:$0x3FAE] =	sst s10  }
0x32: {  	s10 =	sld [smem:$0x3FAC];
	_ =	sdelay $0x3  }
0x33: {  	p0 =	seq.s32 s10, $0x1;
	s10 =	sld [smem:$0x3FAE];
	_ =	sdelay $0x3  }
0x34: {  	[smem:$0x3FAE] =	sst s10  }
0x35: {  	s10 =	sld [smem:$0x3FAD];
	_ =	sdelay $0x3  }
0x36: {  	p1 =	seq.s32 s10, $0x1;
	s10 =	sld [smem:$0x3FAE];
	_ =	sdelay $0x3  }
0x37: {  	[smem:$0x3FAE] =	sst s10  }
0x38: {  	s10 =	sld [smem:$0x3FAF]  }
0x39: {  	_ = 	snop;
	(pc) =	sbr.ind lr, $3  }
0x3a: {  	_ = 	snop  }
0x3b: {  	_ = 	snop  }
0x3c: {  	p2 =	seq.s32 s10, $0x1;
	s10 =	sld [smem:$0x3FAE]  }
0x3d: {  	_ =	shalt  }
0x3e: {  	_ =	shalt  }
0x3f: {  	_ =	shalt  }
0x40: {  	_ =	shalt  }
0x41: {  	_ =	shalt  }
0x42: {  	_ =	shalt  }
0x43: {  	_ =	shalt  }
0x44: {  	_ =	shalt  }
0x45: {  	_ =	shalt  }
0x46: {  	_ =	shalt  }
0x47: {  	_ =	shalt  }
0x48: {  	_ =	shalt  }
0x49: {  	_ =	shalt  }
0x4a: {  	_ =	shalt  }
0x4b: {  	_ =	shalt  }
0x4c: {  	_ =	shalt  }
0x4d: {  	_ =	shalt  }
0x4e: {  	_ =	shalt  }
0x4f: {  	_ =	shalt  }
0x50: {  	_ =	shalt  }
0x51: {  	_ =	shalt  }
0x52: {  	_ =	shalt  }
0x53: {  	_ =	shalt  }
0x54: {  	_ =	shalt  }
0x55: {  	_ =	shalt  }
0x56: {  	_ =	shalt  }
0x57: {  	_ =	shalt  }
0x58: {  	_ =	shalt  }
0x59: {  	_ =	shalt  }
0x5a: {  	_ =	shalt  }
0x5b: {  	_ =	shalt  }
0x5c: {  	_ =	shalt  }
0x5d: {  	_ =	shalt  }
0x5e: {  	_ =	shalt  }
0x5f: {  	_ =	shalt  }
0x60: {  	_ =	shalt  }
0x61: {  	_ =	shalt  }
0x62: {  	_ =	shalt  }
0x63: {  	_ =	shalt  }
0x64: {  	_ =	shalt  }
0x65: {  	_ =	shalt  }
0x66: {  	_ =	shalt  }
0x67: {  	_ =	shalt  }
0x68: {  	_ =	shalt  }
0x69: {  	_ =	shalt  }
0x6a: {  	_ =	shalt  }
0x6b: {  	_ =	shalt  }
0x6c: {  	_ =	shalt  }
0x6d: {  	_ =	shalt  }
0x6e: {  	_ =	shalt  }
0x6f: {  	_ =	shalt  }
0x70: {  	_ =	shalt  }
0x71: {  	_ =	shalt  }
0x72: {  	_ =	shalt  }
0x73: {  	_ =	shalt  }
0x74: {  	_ =	shalt  }
0x75: {  	_ =	shalt  }
0x76: {  	_ =	shalt  }
0x77: {  	_ =	shalt  }
0x78: {  	_ =	shalt  }
0x79: {  	_ =	shalt  }
0x7a: {  	_ =	shalt  }
0x7b: {  	_ =	shalt  }
0x7c: {  	_ =	shalt  }
0x7d: {  	_ =	shalt  }
0x7e: {  	_ =	shalt  }
0x7f: {  	_ =	shalt  }
0x80: {  	_ =	shalt  }
0x81: {  	_ =	shalt  }
0x82: {  	_ =	shalt  }
0x83: {  	_ =	shalt  }
0x84: {  	_ =	shalt  }
0x85: {  	_ =	shalt  }
0x86: {  	_ =	shalt  }
0x87: {  	_ =	shalt  }
.Lfunc_end0:
.L_simem_size_0:
called_computation.2_lowered:
.L_overlay_start_0:
0x88: {  	s2 =	sld [smem:$0x3FD9]  }
0x89: {  	s3 =	sld [smem:$0x3FFE];
	_ =	sdelay $0x1  }
0x8a: {  	s1 =	srdreg.scid  }
0x8b: {  	s0 =	sand.u32 $0x1, s1  }
0x8c: {  	s17 =	sshll.u32 s0, $0xA;
	s2 =	sadd.s32 s3, s2  }
0x8d: {  	s2 =	sadd.s32 s2, s17  }
0x8e: {  	[smem:$0x3FBA] =	sst s2  }
0x8f: {  	_ = 	snop  }
0x90: {  	s2 =	sld [smem:$0x3FD0];
	(tm) =	ssettm $0x1  }
0x91: {  	s18 =	sld [smem:$0x3FFB];
	_ =	sdelay $0x3  }
0x92: {  	_ =	strace s18  }
0x93: {  	s3 =	sld [smem:$0x3FFC];
	_ =	sdelay $0x3  }
0x94: {  	_ =	strace s3  }
0x95: {  	s3 =	sld [smem:$0x3FFD];
	_ =	sdelay $0x3  }
0x96: {  	_ =	strace s3  }
0x97: {  	_ =	strace $0x8FFFFFFF  }
0x98: {  	s19 =	sld [smem:$0x3FDB];
	_ =	sdelay $0x1  }
0x99: {  	s4 =	simm.s32 $_scs_section_size  }
0x9a: {  	s5 =	simm.s32 $_size__tile_overlayer_lowered;
	s6 =	simm.s32 $_tile_overlayer_lowered  }
0x9b: {  	s22 =	simm.s32 $0x1BFF;
	s21 =	sshll.u32 s6, $0x1;
	s3 =	sadd.s32 s4, s19  }
0x9c: {  	s7 =	simm.s32 $0x0;
	s20 =	sshll.u32 s5, $0x1;
	s5 =	sadd.s32 s21, s3  }
0x9d: {  	[timem:s7], [sflag:s22] =	dma.local [hbm:s5], s20  }
0x9e: {  	_ =	swait.ge [sflag:s22], s20  }
0x9f: {  	s4 =	ssub.s32 $0x0, s20;
	[sflag:s22] =	ssyncset.done $0x0  }
0xa0: {  	[sflag:s22] =	ssyncadd.s32 s4;
	_ =	sdelay $0x1  }
0xa1: {  	s23 =	simm.s32 $0x1B8B  }
0xa2: {  	_ =	swait.ge [sflag:s23], $0x1  }
0xa3: {  	[sflag:s23] =	ssyncset.done $0x0  }
0xa4: {  	s25 =	simm.s32 $0x1B8E;
	s24 =	sld [smem:$0x3FFE];
	[sflag:s23] =	ssyncadd.s32 $0xFFFFFFFF  }
0xa5: {  	s26 =	simm.s32 $execute0_lowered;
	[smem:$0x3FD2] =	sst s25  }
0xa6: {  	s5 =	sshll.u32 s26, $0x1;
	_ =	strace $0x8000004C;
	[dreg:$0x1] =	wrdreg $0xFFFFFFFF  }
0xa7: {  	s28 =	simm.s32 $_size_execute0_lowered;
	s3 =	sadd.s32 s3, s5;
	[dreg:$0x0] =	wrdreg $0x0  }
0xa8: {  	s5 =	sshll.u32 s28, $0x1;
	[dreg:$0x2] =	wrdreg s3  }
0xa9: {  	[dreg:$0x3] =	wrdreg s5  }
0xaa: {  	[dreg:$0x4] =	wrdreg $0xC0  }
0xab: {  	_ =	task [dreg:s7], $0x5FFFF  }
0xac: {  	[dreg:$0x1] =	wrdreg $0xFFFFFFFF  }
0xad: {  	[dreg:$0x0] =	wrdreg $0x60  }
0xae: {  	[dreg:$0x2] =	wrdreg s24  }
0xaf: {  	[dreg:$0x3] =	wrdreg s2  }
0xb0: {  	[dreg:$0x4] =	wrdreg $0x90800  }
0xb1: {  	[dreg:$0x5] =	wrdreg $0x9  }
0xb2: {  	_ =	task.clear_ibuf [dreg:s7], $0x6FFFF;
	_ =	strace $0x9000004C  }
0xb3: {  	s29 =	simm.s32 $0x9;
	_ =	strace $0x8000004E  }
0xb4: {  	_ =	swait.ge [sflag:s29], $0x1  }
0xb5: {  	[sflag:s29] =	ssyncadd.s32 $0xFFFFFFFF  }
0xb6: {  	_ =	strace $0x9000004E  }
0xb7: {  	_ =	sfence  }
0xb8: {  	s30 =	sld [smem:$0x0];
	_ =	sdelay $0x2  }
0xb9: {  	s31 =	sshll.u32 s1, $0xD;
	s1 =	sshrl.u32 s1, $0x2  }
0xba: {  	s3 =	sand.u32 $0x4000, s31;
	s1 =	sadd.s32 s1, s30  }
0xbb: {  	s0 =	sor.u32 s3, s0;
	s1 =	sshll.u32 s1, $0x11  }
0xbc: {  	s0 =	sor.u32 s1, s0  }
0xbd: {  	s0 =	sadd.s32 $0x8F2B, s0  }
0xbe: {  	[sflag:s0] =	ssyncadd.remote.s32 $0x1  }
0xbf: {  	_ =	sfence.sel $0xFFFF  }
0xc0: {  	[dreg:$0x0] =	wrdreg $0xFFFFFFFF;
	(pc) =	sbr.abs _section_cstart, $3  }
0xc1: {  	[dreg:$0x1] =	wrdreg $0xFFFFFFFF  }
0xc2: {  	_ =	task.clear_ibuf [dreg:s7], $0x2FFFF;
	_ =	strace $0x9FFFFFFF  }
0xc3: {  	(tm) =	ssettm $0x7FFFFFFF  }
tec
execute0_lowered:
.L_overlay_start_1:
0x0: {  	(tag) =	ssettag $0x1  }
0x1: {  	s7 =	rddreg [dreg:$0x0]  }
0x2: {  	s9 =	rddreg [dreg:$0x1]  }
0x3: {  	s2 =	rddreg [dreg:$0x2]  }
0x4: {  	s0 =	rddreg [dreg:$0x3]  }
0x5: {  	s1 =	stileid.u32;
	s3 =	simm.s32 $0x0;
	s4 =	srdreg.scid  }
0x6: {  	s17 =	simm.s32 $0x5080;
	s20 =	simm.s32 $0x0;
	s6 =	smul.u32 $0x500, s1  }
0x7: {  	[smem:$0x7FF] =	sst s3;
	s8 =	sand.u32 $0x1, s4;
	s10 =	smul.u32 $0x140, s1  }
0x8: {  	s4 =	sadd.s32 $0x4C00, s7;
	s5 =	sadd.s32 $0x2BE00, s7;
	s14 =	smul.u32 $0x28000, s1  }
0x9: {  	s31 =	sshll.u32 s1, $0x6;
	_ =	strace $0x8000004D;
	s11 =	smul.u32 $0x1400, s8  }
0xa: {  	s29 =	ssub.s32 $0x2, s8;
	s18 =	smul.u32 $0x1388, s8;
	s12 =	sadd.s32 s6, s7  }
0xb: {  	s6 =	sadd.s32 $0x5D000, s7;
	s13 =	sshrl.u32 s29, $0x1;
	s30 =	sshrl.u32 s14, $0x2  }
0xc: {  	s14 =	sor.u32 $0x1C02, s31;
	s10 =	sadd.s32 s10, s11;
	s11 =	ssub.s32 s29, s13  }
0xd: {  	s8 =	sadd.s32 $0x53000, s12;
	s16 =	sadd.s32 s30, s2;
	s19 =	sadd.s32 $0x1388, s18  }
0xe: {  	s13 =	simm.s32 $0x2800;
	v0 =	vmov s18;
	s18 =	simm.s32 $0x1;
	s10 =	sshll.u32 s10, $0x4  }
0xf: {  	s11 =	smax.u32 s11, $0x1;
	v1 =	vmov s19;
	s19 =	simm.s32 $0x5000;
	s15 =	sadd.s32 s10, s7  }
0x10: {  	s7 =	sadd.s32 $0x58000, s12;
	s9 =	sadd.s32 s9, s10;
	s12 =	simm.s32 $0x2  }
0x11: {  	s10 =	sadd.s32 $0x5E400, s15;
	s15 =	sshrl.u32 s16, $0x3;
	s16 =	simm.s32 $0x80  }
.LBB2_1:
0x12: {  	[tilespmem:s3], [sflag:$0x2] =	stream.linear.gather [hbm4b:s7+s3], $0x2800, $0x38;
	[tilespmem:$0x13080] =	vst v63  }
0x13: {  	_ =	swait.ge [sflag:s12], $0x2800  }
0x14: {  	[sflag:s12] =	ssyncset.done $0x0  }
0x15: {  	[sflag:s12] =	ssyncadd.s32 $0xFFFFD800  }
0x16: {  	[tilespmem:s13], [sflag:$0x2] =	stream.linear.gather [hbm4b:s8+s3], $0x2800, $0x38;
	[tilespmem:$0x13080] =	vst v63  }
0x17: {  	_ =	swait.ge [sflag:s12], $0x2800  }
0x18: {  	[sflag:s12] =	ssyncset.done $0x0  }
0x19: {  	[sflag:s12] =	ssyncadd.s32 $0xFFFFD800  }
0x1a: {  	[spmem:s15], [sflag:s14] =	dma.local [hbm:s6], $0x1400  }
0x1b: {  	_ =	swait.ge [sflag:s12], $0x1400  }
0x1c: {  	[sflag:s12] =	ssyncset.done $0x0  }
0x1d: {  	[sflag:s12] =	ssyncadd.s32 $0xFFFFEC00  }
0x1e: {  	s21 =	simm.s32 $0x0;
	[bflag:$0x0] =	sbarrier.arrive $0xFFFF  }
0x1f: {  	v2 =	vld [tilespmem:s21+$0x2800];
	_ =	sdelay $0x4  }
0x20: {  	vm0 =	vge.s32 v2, v0;
	vm1 =	vlt.s32 v2, v1  }
0x21: {  	v2 =	vsub.s32 v2, v0;
	vm0 =	vmand vm0, vm1  }
0x22: {  	v2 =	vnsel vm0, $0x1388, v2  }
0x23: {  	[tilespmem:$0x5000] =	vst v2  }
0x24: {  	v2 =	vld [tilespmem:s21+$0x2810];
	_ =	sdelay $0x4  }
0x25: {  	vm14 =	vge.s32 v2, v0;
	vm15 =	vlt.s32 v2, v1  }
0x26: {  	v2 =	vsub.s32 v2, v0;
	vm0 =	vmand vm14, vm15  }
0x27: {  	v2 =	vnsel vm0, $0x1388, v2  }
0x28: {  	[tilespmem:$0x5010] =	vst v2  }
0x29: {  	v2 =	vld [tilespmem:s21+$0x2820];
	_ =	sdelay $0x4  }
0x2a: {  	vm4 =	vge.s32 v2, v0;
	vm5 =	vlt.s32 v2, v1  }
0x2b: {  	v2 =	vsub.s32 v2, v0;
	vm0 =	vmand vm4, vm5  }
0x2c: {  	v2 =	vnsel vm0, $0x1388, v2  }
0x2d: {  	[tilespmem:$0x5020] =	vst v2  }
0x2e: {  	v2 =	vld [tilespmem:s21+$0x2830];
	_ =	sdelay $0x4  }
0x2f: {  	vm6 =	vge.s32 v2, v0;
	vm7 =	vlt.s32 v2, v1  }
0x30: {  	v2 =	vsub.s32 v2, v0;
	vm0 =	vmand vm6, vm7  }
0x31: {  	v2 =	vnsel vm0, $0x1388, v2  }
0x32: {  	[tilespmem:$0x5030] =	vst v2  }
0x33: {  	v2 =	vld [tilespmem:s21+$0x2840];
	_ =	sdelay $0x4  }
0x34: {  	vm8 =	vge.s32 v2, v0;
	vm9 =	vlt.s32 v2, v1  }
0x35: {  	v2 =	vsub.s32 v2, v0;
	vm0 =	vmand vm8, vm9  }
0x36: {  	v2 =	vnsel vm0, $0x1388, v2  }
0x37: {  	[tilespmem:$0x5040] =	vst v2  }
0x38: {  	v2 =	vld [tilespmem:s21+$0x2850];
	_ =	sdelay $0x4  }
0x39: {  	vm10 =	vge.s32 v2, v0;
	vm11 =	vlt.s32 v2, v1  }
0x3a: {  	v2 =	vsub.s32 v2, v0;
	vm0 =	vmand vm10, vm11  }
0x3b: {  	v2 =	vnsel vm0, $0x1388, v2  }
0x3c: {  	[tilespmem:$0x5050] =	vst v2  }
0x3d: {  	v2 =	vld [tilespmem:s21+$0x2860];
	_ =	sdelay $0x4  }
0x3e: {  	vm12 =	vge.s32 v2, v0;
	vm13 =	vlt.s32 v2, v1  }
0x3f: {  	v2 =	vsub.s32 v2, v0;
	vm0 =	vmand vm12, vm13  }
0x40: {  	v2 =	vnsel vm0, $0x1388, v2  }
0x41: {  	[tilespmem:$0x5060] =	vst v2  }
0x42: {  	v2 =	vld [tilespmem:s21+$0x2870];
	_ =	sdelay $0x4  }
0x43: {  	vm14 =	vge.s32 v2, v0;
	vm15 =	vlt.s32 v2, v1  }
0x44: {  	v2 =	vsub.s32 v2, v0;
	vm0 =	vmand vm14, vm15  }
0x45: {  	v2 =	vnsel vm0, $0x1388, v2  }
0x46: {  	[tilespmem:$0x5070] =	vst v2  }
0x47: {  	[tilespmem:s17], [sflag:$0x1] =	stream.indirect.gather [hbm4b:s4+s16], $0x80, s21, s16, $0xb8;
	[tilespmem:$0x13080] =	vst v63  }
0x48: {  	_ =	swait.ge [sflag:s18], $0x4000  }
0x49: {  	[sflag:s18] =	ssyncset.done $0x0  }
0x4a: {  	[sflag:s18] =	ssyncadd.s32 $0xFFFFC000  }
0x4b: {  	[spmem:s2] =	stream.indirect.scatter.add.f32 [tilespmem:s17], [sflag:$0x2], $0x80, s19, s16, $0xb8;
	[tilespmem:$0x13080] =	vst v63  }
0x4c: {  	_ =	swait.ge [sflag:s12], $0x4000  }
0x4d: {  	s24 =	simm.s32 $0x400;
	s21 =	simm.s32 $0x200;
	[sflag:s12] =	ssyncset.done $0x0  }
.LBB2_2:
0x4e: {  	s23 =	sshra.s32 s21, $0x2  }
0x4f: {  	[sflag:s12] =	ssyncadd.s32 $0xFFFFC000;
	s21 =	smov.u32 s24;
	s22 =	sadd.s32 $0x200, s24  }
0x50: {  	p0 =	sne.s32 s24, $0x9E00;
	v2 =	vld [tilespmem:s23+$0x2800];
	_ =	sdelay $0x4  }
0x51: {  	vm0 =	vge.s32 v2, v0;
	vm1 =	vlt.s32 v2, v1  }
0x52: {  	v2 =	vsub.s32 v2, v0;
	vm0 =	vmand vm0, vm1  }
0x53: {  	v2 =	vnsel vm0, $0x1388, v2  }
0x54: {  	[tilespmem:$0x5000] =	vst v2  }
0x55: {  	v2 =	vld [tilespmem:s23+$0x2810];
	_ =	sdelay $0x4  }
0x56: {  	vm0 =	vge.s32 v2, v0;
	vm1 =	vlt.s32 v2, v1  }
0x57: {  	v2 =	vsub.s32 v2, v0;
	vm0 =	vmand vm0, vm1  }
0x58: {  	v2 =	vnsel vm0, $0x1388, v2  }
0x59: {  	[tilespmem:$0x5010] =	vst v2  }
0x5a: {  	v2 =	vld [tilespmem:s23+$0x2820];
	_ =	sdelay $0x4  }
0x5b: {  	vm0 =	vge.s32 v2, v0;
	vm1 =	vlt.s32 v2, v1  }
0x5c: {  	v2 =	vsub.s32 v2, v0;
	vm0 =	vmand vm0, vm1  }
0x5d: {  	v2 =	vnsel vm0, $0x1388, v2  }
0x5e: {  	[tilespmem:$0x5020] =	vst v2  }
0x5f: {  	v2 =	vld [tilespmem:s23+$0x2830];
	_ =	sdelay $0x4  }
0x60: {  	vm0 =	vge.s32 v2, v0;
	vm1 =	vlt.s32 v2, v1  }
0x61: {  	v2 =	vsub.s32 v2, v0;
	vm0 =	vmand vm0, vm1  }
0x62: {  	v2 =	vnsel vm0, $0x1388, v2  }
0x63: {  	[tilespmem:$0x5030] =	vst v2  }
0x64: {  	v2 =	vld [tilespmem:s23+$0x2840];
	_ =	sdelay $0x4  }
0x65: {  	vm0 =	vge.s32 v2, v0;
	vm1 =	vlt.s32 v2, v1  }
0x66: {  	v2 =	vsub.s32 v2, v0;
	vm0 =	vmand vm0, vm1  }
0x67: {  	v2 =	vnsel vm0, $0x1388, v2  }
0x68: {  	[tilespmem:$0x5040] =	vst v2  }
0x69: {  	v2 =	vld [tilespmem:s23+$0x2850];
	_ =	sdelay $0x4  }
0x6a: {  	vm0 =	vge.s32 v2, v0;
	vm1 =	vlt.s32 v2, v1  }
0x6b: {  	v2 =	vsub.s32 v2, v0;
	vm0 =	vmand vm0, vm1  }
0x6c: {  	v2 =	vnsel vm0, $0x1388, v2  }
0x6d: {  	[tilespmem:$0x5050] =	vst v2  }
0x6e: {  	v2 =	vld [tilespmem:s23+$0x2860];
	_ =	sdelay $0x4  }
0x6f: {  	vm0 =	vge.s32 v2, v0;
	vm1 =	vlt.s32 v2, v1  }
0x70: {  	v2 =	vsub.s32 v2, v0;
	vm0 =	vmand vm0, vm1  }
0x71: {  	v2 =	vnsel vm0, $0x1388, v2  }
0x72: {  	[tilespmem:$0x5060] =	vst v2  }
0x73: {  	v2 =	vld [tilespmem:s23+$0x2870];
	_ =	sdelay $0x4  }
0x74: {  	vm0 =	vge.s32 v2, v0;
	vm1 =	vlt.s32 v2, v1  }
0x75: {  	v2 =	vsub.s32 v2, v0;
	vm0 =	vmand vm0, vm1  }
0x76: {  	v2 =	vnsel vm0, $0x1388, v2  }
0x77: {  	[tilespmem:$0x5070] =	vst v2  }
0x78: {  	[tilespmem:s17], [sflag:$0x1] =	stream.indirect.gather [hbm4b:s4+s16], $0x80, s23, s16, $0xb8;
	[tilespmem:$0x13080] =	vst v63  }
0x79: {  	_ =	swait.ge [sflag:s18], $0x4000  }
.Ltmp0:
0x7a: {  	[sflag:s18] =	ssyncset.done $0x0;
	(pc) =	sbr.rel @p0 .LBB2_2-.Ltmp0, $4  }
0x7b: {  	[sflag:s18] =	ssyncadd.s32 $0xFFFFC000  }
0x7c: {  	[spmem:s2] =	stream.indirect.scatter.add.f32 [tilespmem:s17], [sflag:$0x2], $0x80, s19, s16, $0xb8;
	[tilespmem:$0x13080] =	vst v63  }
0x7d: {  	_ =	swait.ge [sflag:s12], $0x4000  }
0x7e: {  	s24 =	smov.u32 s22;
	[sflag:s12] =	ssyncset.done $0x0  }
0x7f: {  	s21 =	sshra.s32 s21, $0x2;
	[sflag:s12] =	ssyncadd.s32 $0xFFFFC000  }
0x80: {  	v2 =	vld [tilespmem:s21+$0x2800];
	_ =	sdelay $0x4  }
0x81: {  	vm0 =	vge.s32 v2, v0;
	vm1 =	vlt.s32 v2, v1  }
0x82: {  	v2 =	vsub.s32 v2, v0;
	vm0 =	vmand vm0, vm1  }
0x83: {  	v2 =	vnsel vm0, $0x1388, v2  }
0x84: {  	[tilespmem:$0x5000] =	vst v2  }
0x85: {  	v2 =	vld [tilespmem:s21+$0x2810];
	_ =	sdelay $0x4  }
0x86: {  	vm10 =	vge.s32 v2, v0;
	vm11 =	vlt.s32 v2, v1  }
0x87: {  	v2 =	vsub.s32 v2, v0;
	vm0 =	vmand vm10, vm11  }
0x88: {  	v2 =	vnsel vm0, $0x1388, v2  }
0x89: {  	[tilespmem:$0x5010] =	vst v2  }
0x8a: {  	v2 =	vld [tilespmem:s21+$0x2820];
	_ =	sdelay $0x4  }
0x8b: {  	vm12 =	vge.s32 v2, v0;
	vm13 =	vlt.s32 v2, v1  }
0x8c: {  	v2 =	vsub.s32 v2, v0;
	vm0 =	vmand vm12, vm13  }
0x8d: {  	v2 =	vnsel vm0, $0x1388, v2  }
0x8e: {  	[tilespmem:$0x5020] =	vst v2  }
0x8f: {  	v2 =	vld [tilespmem:s21+$0x2830];
	_ =	sdelay $0x4  }
0x90: {  	vm14 =	vge.s32 v2, v0;
	vm15 =	vlt.s32 v2, v1  }
0x91: {  	v2 =	vsub.s32 v2, v0;
	vm0 =	vmand vm14, vm15  }
0x92: {  	v2 =	vnsel vm0, $0x1388, v2  }
0x93: {  	[tilespmem:$0x5030] =	vst v2  }
0x94: {  	v2 =	vld [tilespmem:s21+$0x2840];
	_ =	sdelay $0x4  }
0x95: {  	vm4 =	vge.s32 v2, v0;
	vm5 =	vlt.s32 v2, v1  }
0x96: {  	v2 =	vsub.s32 v2, v0;
	vm0 =	vmand vm4, vm5  }
0x97: {  	v2 =	vnsel vm0, $0x1388, v2  }
0x98: {  	[tilespmem:$0x5040] =	vst v2  }
0x99: {  	v2 =	vld [tilespmem:s21+$0x2850];
	_ =	sdelay $0x4  }
0x9a: {  	vm6 =	vge.s32 v2, v0;
	vm7 =	vlt.s32 v2, v1  }
0x9b: {  	v2 =	vsub.s32 v2, v0;
	vm0 =	vmand vm6, vm7  }
0x9c: {  	v2 =	vnsel vm0, $0x1388, v2  }
0x9d: {  	[tilespmem:$0x5050] =	vst v2  }
0x9e: {  	v2 =	vld [tilespmem:s21+$0x2860];
	_ =	sdelay $0x4  }
0x9f: {  	vm8 =	vge.s32 v2, v0;
	vm9 =	vlt.s32 v2, v1  }
0xa0: {  	v2 =	vsub.s32 v2, v0;
	vm0 =	vmand vm8, vm9  }
0xa1: {  	v2 =	vnsel vm0, $0x1388, v2  }
0xa2: {  	[tilespmem:$0x5060] =	vst v2  }
0xa3: {  	v2 =	vld [tilespmem:s21+$0x2870];
	_ =	sdelay $0x4  }
0xa4: {  	vm10 =	vge.s32 v2, v0;
	vm11 =	vlt.s32 v2, v1  }
0xa5: {  	v2 =	vsub.s32 v2, v0;
	vm0 =	vmand vm10, vm11  }
0xa6: {  	v2 =	vnsel vm0, $0x1388, v2  }
0xa7: {  	[tilespmem:$0x5070] =	vst v2  }
0xa8: {  	[tilespmem:s17], [sflag:$0x1] =	stream.indirect.gather [hbm4b:s4+s16], $0x80, s21, s16, $0xb8;
	[tilespmem:$0x13080] =	vst v63  }
0xa9: {  	_ =	swait.ge [sflag:s18], $0x4000  }
0xaa: {  	[sflag:s18] =	ssyncset.done $0x0  }
0xab: {  	[sflag:s18] =	ssyncadd.s32 $0xFFFFC000  }
0xac: {  	[spmem:s2] =	stream.indirect.scatter.add.f32 [tilespmem:s17], [sflag:$0x2], $0x80, s19, s16, $0xb8;
	[tilespmem:$0x13080] =	vst v63  }
0xad: {  	_ =	swait.ge [sflag:s12], $0x4000  }
0xae: {  	[sflag:s12] =	ssyncset.done $0x0  }
0xaf: {  	[sflag:s12] =	ssyncadd.s32 $0xFFFFC000  }
0xb0: {  	[bflag:$0x0] =	sbarrier.arrive $0xFFFF  }
0xb1: {  	[hbm:s9], [sflag:s14] =	dma.local [spmem:s15], $0x1400  }
0xb2: {  	_ =	swait.ge [sflag:s12], $0x1400  }
0xb3: {  	[sflag:s12] =	ssyncset.done $0x0  }
0xb4: {  	[sflag:s12] =	ssyncadd.s32 $0xFFFFEC00  }
0xb5: {  	[bflag:$0x0] =	sbarrier.arrive $0xFFFF  }
0xb6: {  	[spmem:s15], [sflag:s14] =	dma.local [hbm:s6], $0x1400  }
0xb7: {  	_ =	swait.ge [sflag:s12], $0x1400  }
0xb8: {  	[sflag:s12] =	ssyncset.done $0x0  }
0xb9: {  	[sflag:s12] =	ssyncadd.s32 $0xFFFFEC00  }
0xba: {  	s31 =	simm.s32 $0x0;
	[bflag:$0x0] =	sbarrier.arrive $0xFFFF  }
0xbb: {  	v2 =	vld [tilespmem:s31+$0x2800];
	_ =	sdelay $0x4  }
0xbc: {  	vm12 =	vge.s32 v2, v0;
	vm13 =	vlt.s32 v2, v1  }
0xbd: {  	v2 =	vsub.s32 v2, v0;
	vm0 =	vmand vm12, vm13  }
0xbe: {  	v2 =	vnsel vm0, $0x1388, v2  }
0xbf: {  	[tilespmem:$0x5000] =	vst v2  }
0xc0: {  	v2 =	vld [tilespmem:s31+$0x2810];
	_ =	sdelay $0x4  }
0xc1: {  	vm14 =	vge.s32 v2, v0;
	vm15 =	vlt.s32 v2, v1  }
0xc2: {  	v2 =	vsub.s32 v2, v0;
	vm0 =	vmand vm14, vm15  }
0xc3: {  	v2 =	vnsel vm0, $0x1388, v2  }
0xc4: {  	[tilespmem:$0x5010] =	vst v2  }
0xc5: {  	v2 =	vld [tilespmem:s31+$0x2820];
	_ =	sdelay $0x4  }
0xc6: {  	vm4 =	vge.s32 v2, v0;
	vm5 =	vlt.s32 v2, v1  }
0xc7: {  	v2 =	vsub.s32 v2, v0;
	vm0 =	vmand vm4, vm5  }
0xc8: {  	v2 =	vnsel vm0, $0x1388, v2  }
0xc9: {  	[tilespmem:$0x5020] =	vst v2  }
0xca: {  	v2 =	vld [tilespmem:s31+$0x2830];
	_ =	sdelay $0x4  }
0xcb: {  	vm6 =	vge.s32 v2, v0;
	vm7 =	vlt.s32 v2, v1  }
0xcc: {  	v2 =	vsub.s32 v2, v0;
	vm0 =	vmand vm6, vm7  }
0xcd: {  	v2 =	vnsel vm0, $0x1388, v2  }
0xce: {  	[tilespmem:$0x5030] =	vst v2  }
0xcf: {  	v2 =	vld [tilespmem:s31+$0x2840];
	_ =	sdelay $0x4  }
0xd0: {  	vm8 =	vge.s32 v2, v0;
	vm9 =	vlt.s32 v2, v1  }
0xd1: {  	v2 =	vsub.s32 v2, v0;
	vm0 =	vmand vm8, vm9  }
0xd2: {  	v2 =	vnsel vm0, $0x1388, v2  }
0xd3: {  	[tilespmem:$0x5040] =	vst v2  }
0xd4: {  	v2 =	vld [tilespmem:s31+$0x2850];
	_ =	sdelay $0x4  }
0xd5: {  	vm10 =	vge.s32 v2, v0;
	vm11 =	vlt.s32 v2, v1  }
0xd6: {  	v2 =	vsub.s32 v2, v0;
	vm0 =	vmand vm10, vm11  }
0xd7: {  	v2 =	vnsel vm0, $0x1388, v2  }
0xd8: {  	[tilespmem:$0x5050] =	vst v2  }
0xd9: {  	v2 =	vld [tilespmem:s31+$0x2860];
	_ =	sdelay $0x4  }
0xda: {  	vm12 =	vge.s32 v2, v0;
	vm13 =	vlt.s32 v2, v1  }
0xdb: {  	v2 =	vsub.s32 v2, v0;
	vm0 =	vmand vm12, vm13  }
0xdc: {  	v2 =	vnsel vm0, $0x1388, v2  }
0xdd: {  	[tilespmem:$0x5060] =	vst v2  }
0xde: {  	v2 =	vld [tilespmem:s31+$0x2870];
	_ =	sdelay $0x4  }
0xdf: {  	vm14 =	vge.s32 v2, v0;
	vm15 =	vlt.s32 v2, v1  }
0xe0: {  	v2 =	vsub.s32 v2, v0;
	vm0 =	vmand vm14, vm15  }
0xe1: {  	v2 =	vnsel vm0, $0x1388, v2  }
0xe2: {  	[tilespmem:$0x5070] =	vst v2  }
0xe3: {  	[tilespmem:s17], [sflag:$0x1] =	stream.indirect.gather [hbm4b:s5+s16], $0x80, s31, s16, $0xb8;
	[tilespmem:$0x13080] =	vst v63  }
0xe4: {  	_ =	swait.ge [sflag:s18], $0x4000  }
0xe5: {  	[sflag:s18] =	ssyncset.done $0x0  }
0xe6: {  	[sflag:s18] =	ssyncadd.s32 $0xFFFFC000  }
0xe7: {  	[spmem:s2] =	stream.indirect.scatter.add.f32 [tilespmem:s17], [sflag:$0x2], $0x80, s19, s16, $0xb8;
	[tilespmem:$0x13080] =	vst v63  }
0xe8: {  	_ =	swait.ge [sflag:s12], $0x4000  }
0xe9: {  	s24 =	simm.s32 $0x400;
	s21 =	simm.s32 $0x200;
	[sflag:s12] =	ssyncset.done $0x0  }
.LBB2_4:
0xea: {  	s23 =	sshra.s32 s21, $0x2  }
0xeb: {  	[sflag:s12] =	ssyncadd.s32 $0xFFFFC000;
	s21 =	smov.u32 s24;
	s22 =	sadd.s32 $0x200, s24  }
0xec: {  	p0 =	sne.s32 s24, $0x9E00;
	v2 =	vld [tilespmem:s23+$0x2800];
	_ =	sdelay $0x4  }
0xed: {  	vm0 =	vge.s32 v2, v0;
	vm1 =	vlt.s32 v2, v1  }
0xee: {  	v2 =	vsub.s32 v2, v0;
	vm0 =	vmand vm0, vm1  }
0xef: {  	v2 =	vnsel vm0, $0x1388, v2  }
0xf0: {  	[tilespmem:$0x5000] =	vst v2  }
0xf1: {  	v2 =	vld [tilespmem:s23+$0x2810];
	_ =	sdelay $0x4  }
0xf2: {  	vm0 =	vge.s32 v2, v0;
	vm1 =	vlt.s32 v2, v1  }
0xf3: {  	v2 =	vsub.s32 v2, v0;
	vm0 =	vmand vm0, vm1  }
0xf4: {  	v2 =	vnsel vm0, $0x1388, v2  }
0xf5: {  	[tilespmem:$0x5010] =	vst v2  }
0xf6: {  	v2 =	vld [tilespmem:s23+$0x2820];
	_ =	sdelay $0x4  }
0xf7: {  	vm0 =	vge.s32 v2, v0;
	vm1 =	vlt.s32 v2, v1  }
0xf8: {  	v2 =	vsub.s32 v2, v0;
	vm0 =	vmand vm0, vm1  }
0xf9: {  	v2 =	vnsel vm0, $0x1388, v2  }
0xfa: {  	[tilespmem:$0x5020] =	vst v2  }
0xfb: {  	v2 =	vld [tilespmem:s23+$0x2830];
	_ =	sdelay $0x4  }
0xfc: {  	vm0 =	vge.s32 v2, v0;
	vm1 =	vlt.s32 v2, v1  }
0xfd: {  	v2 =	vsub.s32 v2, v0;
	vm0 =	vmand vm0, vm1  }
0xfe: {  	v2 =	vnsel vm0, $0x1388, v2  }
0xff: {  	[tilespmem:$0x5030] =	vst v2  }
0x100: {  	v2 =	vld [tilespmem:s23+$0x2840];
	_ =	sdelay $0x4  }
0x101: {  	vm0 =	vge.s32 v2, v0;
	vm1 =	vlt.s32 v2, v1  }
0x102: {  	v2 =	vsub.s32 v2, v0;
	vm0 =	vmand vm0, vm1  }
0x103: {  	v2 =	vnsel vm0, $0x1388, v2  }
0x104: {  	[tilespmem:$0x5040] =	vst v2  }
0x105: {  	v2 =	vld [tilespmem:s23+$0x2850];
	_ =	sdelay $0x4  }
0x106: {  	vm0 =	vge.s32 v2, v0;
	vm1 =	vlt.s32 v2, v1  }
0x107: {  	v2 =	vsub.s32 v2, v0;
	vm0 =	vmand vm0, vm1  }
0x108: {  	v2 =	vnsel vm0, $0x1388, v2  }
0x109: {  	[tilespmem:$0x5050] =	vst v2  }
0x10a: {  	v2 =	vld [tilespmem:s23+$0x2860];
	_ =	sdelay $0x4  }
0x10b: {  	vm0 =	vge.s32 v2, v0;
	vm1 =	vlt.s32 v2, v1  }
0x10c: {  	v2 =	vsub.s32 v2, v0;
	vm0 =	vmand vm0, vm1  }
0x10d: {  	v2 =	vnsel vm0, $0x1388, v2  }
0x10e: {  	[tilespmem:$0x5060] =	vst v2  }
0x10f: {  	v2 =	vld [tilespmem:s23+$0x2870];
	_ =	sdelay $0x4  }
0x110: {  	vm0 =	vge.s32 v2, v0;
	vm1 =	vlt.s32 v2, v1  }
0x111: {  	v2 =	vsub.s32 v2, v0;
	vm0 =	vmand vm0, vm1  }
0x112: {  	v2 =	vnsel vm0, $0x1388, v2  }
0x113: {  	[tilespmem:$0x5070] =	vst v2  }
0x114: {  	[tilespmem:s17], [sflag:$0x1] =	stream.indirect.gather [hbm4b:s5+s16], $0x80, s23, s16, $0xb8;
	[tilespmem:$0x13080] =	vst v63  }
0x115: {  	_ =	swait.ge [sflag:s18], $0x4000  }
.Ltmp1:
0x116: {  	[sflag:s18] =	ssyncset.done $0x0;
	(pc) =	sbr.rel @p0 .LBB2_4-.Ltmp1, $4  }
0x117: {  	[sflag:s18] =	ssyncadd.s32 $0xFFFFC000  }
0x118: {  	[spmem:s2] =	stream.indirect.scatter.add.f32 [tilespmem:s17], [sflag:$0x2], $0x80, s19, s16, $0xb8;
	[tilespmem:$0x13080] =	vst v63  }
0x119: {  	_ =	swait.ge [sflag:s12], $0x4000  }
0x11a: {  	s24 =	smov.u32 s22;
	[sflag:s12] =	ssyncset.done $0x0  }
0x11b: {  	s21 =	sshra.s32 s21, $0x2;
	[sflag:s12] =	ssyncadd.s32 $0xFFFFC000  }
0x11c: {  	v2 =	vld [tilespmem:s21+$0x2800];
	_ =	sdelay $0x4  }
0x11d: {  	vm0 =	vge.s32 v2, v0;
	vm1 =	vlt.s32 v2, v1  }
0x11e: {  	v2 =	vsub.s32 v2, v0;
	vm0 =	vmand vm0, vm1  }
0x11f: {  	v2 =	vnsel vm0, $0x1388, v2  }
0x120: {  	[tilespmem:$0x5000] =	vst v2  }
0x121: {  	v2 =	vld [tilespmem:s21+$0x2810];
	_ =	sdelay $0x4  }
0x122: {  	vm14 =	vge.s32 v2, v0;
	vm15 =	vlt.s32 v2, v1  }
0x123: {  	v2 =	vsub.s32 v2, v0;
	vm0 =	vmand vm14, vm15  }
0x124: {  	v2 =	vnsel vm0, $0x1388, v2  }
0x125: {  	[tilespmem:$0x5010] =	vst v2  }
0x126: {  	v2 =	vld [tilespmem:s21+$0x2820];
	_ =	sdelay $0x4  }
0x127: {  	vm4 =	vge.s32 v2, v0;
	vm5 =	vlt.s32 v2, v1  }
0x128: {  	v2 =	vsub.s32 v2, v0;
	vm0 =	vmand vm4, vm5  }
0x129: {  	v2 =	vnsel vm0, $0x1388, v2  }
0x12a: {  	[tilespmem:$0x5020] =	vst v2  }
0x12b: {  	v2 =	vld [tilespmem:s21+$0x2830];
	_ =	sdelay $0x4  }
0x12c: {  	vm6 =	vge.s32 v2, v0;
	vm7 =	vlt.s32 v2, v1  }
0x12d: {  	v2 =	vsub.s32 v2, v0;
	vm0 =	vmand vm6, vm7  }
0x12e: {  	v2 =	vnsel vm0, $0x1388, v2  }
0x12f: {  	[tilespmem:$0x5030] =	vst v2  }
0x130: {  	v2 =	vld [tilespmem:s21+$0x2840];
	_ =	sdelay $0x4  }
0x131: {  	vm8 =	vge.s32 v2, v0;
	vm9 =	vlt.s32 v2, v1  }
0x132: {  	v2 =	vsub.s32 v2, v0;
	vm0 =	vmand vm8, vm9  }
0x133: {  	v2 =	vnsel vm0, $0x1388, v2  }
0x134: {  	[tilespmem:$0x5040] =	vst v2  }
0x135: {  	v2 =	vld [tilespmem:s21+$0x2850];
	_ =	sdelay $0x4  }
0x136: {  	vm10 =	vge.s32 v2, v0;
	vm11 =	vlt.s32 v2, v1  }
0x137: {  	v2 =	vsub.s32 v2, v0;
	vm0 =	vmand vm10, vm11  }
0x138: {  	v2 =	vnsel vm0, $0x1388, v2  }
0x139: {  	[tilespmem:$0x5050] =	vst v2  }
0x13a: {  	v2 =	vld [tilespmem:s21+$0x2860];
	_ =	sdelay $0x4  }
0x13b: {  	vm12 =	vge.s32 v2, v0;
	vm13 =	vlt.s32 v2, v1  }
0x13c: {  	v2 =	vsub.s32 v2, v0;
	vm0 =	vmand vm12, vm13  }
0x13d: {  	v2 =	vnsel vm0, $0x1388, v2  }
0x13e: {  	[tilespmem:$0x5060] =	vst v2  }
0x13f: {  	v2 =	vld [tilespmem:s21+$0x2870];
	_ =	sdelay $0x4  }
0x140: {  	vm14 =	vge.s32 v2, v0;
	vm15 =	vlt.s32 v2, v1  }
0x141: {  	v2 =	vsub.s32 v2, v0;
	vm0 =	vmand vm14, vm15  }
0x142: {  	v2 =	vnsel vm0, $0x1388, v2  }
0x143: {  	[tilespmem:$0x5070] =	vst v2  }
0x144: {  	[tilespmem:s17], [sflag:$0x1] =	stream.indirect.gather [hbm4b:s5+s16], $0x80, s21, s16, $0xb8;
	[tilespmem:$0x13080] =	vst v63  }
0x145: {  	_ =	swait.ge [sflag:s18], $0x4000  }
0x146: {  	[sflag:s18] =	ssyncset.done $0x0  }
0x147: {  	[sflag:s18] =	ssyncadd.s32 $0xFFFFC000  }
0x148: {  	[spmem:s2] =	stream.indirect.scatter.add.f32 [tilespmem:s17], [sflag:$0x2], $0x80, s19, s16, $0xb8;
	[tilespmem:$0x13080] =	vst v63  }
0x149: {  	_ =	swait.ge [sflag:s12], $0x4000  }
0x14a: {  	[sflag:s12] =	ssyncset.done $0x0  }
0x14b: {  	s20 =	sadd.s32 $0x1, s20;
	[sflag:s12] =	ssyncadd.s32 $0xFFFFC000  }
0x14c: {  	p0 =	sne.s32 s20, s11;
	[bflag:$0x0] =	sbarrier.arrive $0xFFFF  }
0x14d: {  	[hbm:s10], [sflag:s14] =	dma.local [spmem:s15], $0x1400  }
.Ltmp2:
0x14e: {  	_ =	swait.ge [sflag:s12], $0x1400;
	(pc) =	sbr.rel @p0 .LBB2_1-.Ltmp2, $3  }
0x14f: {  	[sflag:s12] =	ssyncset.done $0x0  }
0x150: {  	[sflag:s12] =	ssyncadd.s32 $0xFFFFEC00  }
0x151: {  	[bflag:$0x0] =	sbarrier.arrive $0xFFFF;
	_ =	sdelay $0x1  }
0x152: {  	_ =	sfence.sel $0x180000  }
0x153: {  	[bflag:$0x0] =	sbarrier.arrive $0xFFFF  }
0x154: {  	p0 =	sne.s32 s1, $0x0;
	_ =	strace $0x9000004D  }
0x155: {  	s0 =	sadd.s32 @!p0 $0x100000, s0;
	[bflag:$0x2] =	sbarrier.arrive $0xFFFF  }
0x156: {  	[sflag:s0] =	ssyncadd.tile.s32 @!p0 $0x1;
	_ =	shalt  }
.Lfunc_end2:
_tile_overlayer_lowered:
.L_overlay_start_2:
0x157: {  	(tag) =	ssettag $0x2  }
0x158: {  	s0 =	rddreg [dreg:$0x0];
	s2 =	stileid.u32  }
0x159: {  	s1 =	rddreg [dreg:$0x1];
	p0 =	sne.s32 s2, $0x0  }
0x15a: {  	s3 =	rddreg [dreg:$0x2];
	[bflag:$0x3] =	sbarrier.arrive $0xFFFF;
	s2 =	simm.s32 @!p0 $0x1C02  }
0x15b: {  	[timem:s3], [sflag:s2] =	dma.local @!p0 [hbm:s0], s1  }
0x15c: {  	s0 =	simm.s32 @!p0 $0x2  }
0x15d: {  	_ =	swait.ge @!p0 [sflag:s0], s1  }
0x15e: {  	s1 =	ssub.s32 @!p0 $0x0, s1;
	[sflag:s0] =	ssyncset.done @!p0 $0x0  }
0x15f: {  	[sflag:s0] =	ssyncadd.s32 @!p0 s1  }
0x160: {  	[bflag:$0x3] =	sbarrier.arrive $0xFFFF  }
0x161: {  	_ =	shalt  }

// kernel: kernel.9.cloned.1.call-start
scs
__scs_entry_jumppad:
0x0: {  	(pc) =	sbr.rel $0x88, $3  }
0x1: {  	(tag) =	ssettag $0x0;
	lr =	simm.s32 $0x1  }
0x2: {  	[smem:$0x3F93] =	sst lr;
	_ =	strace $0xD0000000  }
0x3: {  	_ = 	snop  }
0x4: {  	_ = 	snop  }
0x5: {  	_ = 	snop  }
0x6: {  	_ = 	snop  }
0x7: {  	_ = 	snop  }
__scs_overlays_trampoline_lowered:
0x8: {  	[smem:$0x3FA2] =	sst s0  }
0x9: {  	[smem:$0x3FA3] =	sst s1  }
0xa: {  	[smem:$0x3FA4] =	sst s2  }
0xb: {  	[smem:$0x3FA5] =	sst s3  }
0xc: {  	[smem:$0x3FA6] =	sst s4  }
0xd: {  	[smem:$0x3FA7] =	sst s5  }
0xe: {  	[smem:$0x3FA8] =	sst s6  }
0xf: {  	[smem:$0x3FA9] =	sst s7  }
0x10: {  	[smem:$0x3FAA] =	sst s8  }
0x11: {  	[smem:$0x3FAB] =	sst s9;
	s0 =	simm.s32 @!p0 $0x0  }
0x12: {  	s1 =	sld [smem:$0x3F91];
	s0 =	simm.s32 @p0 $0x1  }
0x13: {  	[smem:$0x3FAC] =	sst s0;
	s0 =	simm.s32 @!p1 $0x0  }
0x14: {  	s2 =	sld [smem:$0x3F90];
	s0 =	simm.s32 @p1 $0x1  }
0x15: {  	[smem:$0x3FAD] =	sst s0;
	s0 =	simm.s32 @!p2 $0x0  }
0x16: {  	s3 =	sld [smem:$0x3FDB];
	s0 =	simm.s32 @p2 $0x1  }
0x17: {  	s4 =	simm.s32 $0x1BF5;
	[smem:$0x3FAF] =	sst s0  }
0x18: {  	s0 =	sld [smem:$0x3F92];
	_ =	swait.ge [sflag:s4], $0x0  }
0x19: {  	s7 =	sld [smem:$0x3F93]  }
0x1a: {  	s8 =	sadd.s32 $0xFFFFE003, lr  }
0x1b: {  	s9 =	sadd.s32 $0xFFFFFEF7, lr;
	s5 =	simm.s32 $0xFFFFFFFF;
	p2 =	slt.u32 s8, $0xFFFFF086  }
0x1c: {  	p1 =	slt.u32 s9, $0xF7A;
	s5 =	simm.s32 @!p2 $0x0  }
0x1d: {  	s5 =	simm.s32 @p1 $0x1;
	p0 =	seq.s32 s7, s2  }
0x1e: {  	s7 =	smul.u32 @!p0 $0xF7A, s2;
	p2 =	seq.s32 @!p0 s5, $0x0  }
0x1f: {  	s9 =	smul.u32 $0xF7A, s1;
	s8 =	simm.s32 @!p0 $0x1BF5;
	p2 =	por !p2, p0  }
0x20: {  	[sflag:s8] =	ssyncset.s32 @!p0 $0xFFFFF086;
	s6 =	sadd.s32 @!p0 s3, s7;
	s7 =	simm.s32 @!p0 $0x108  }
0x21: {  	s3 =	sadd.s32 s3, s9;
	s6 =	sadd.s32 @!p0 $0x88, s6;
	s7 =	simm.s32 @p2 $0x1082  }
0x22: {  	[simem:s7], [sflag:s8] =	dma.local @!p0 [hbm:s6], $0xF7A  }
0x23: {  	s9 =	sor.u32 $0xD0000000, s2;
	s6 =	simm.s32 $0x108;
	_ =	swait.ge @!p0 [sflag:s8], $0x0  }
0x24: {  	s3 =	sadd.s32 $0x88, s3;
	s6 =	simm.s32 @!p1 $0x1082;
	[sflag:s4] =	ssyncset.s32 $0xFFFFF086  }
0x25: {  	[simem:s6], [sflag:s4] =	dma.local [hbm:s3], $0xF7A  }
0x26: {  	[smem:$0x3F93] =	sst s1;
	(tag) =	ssettag s2;
	_ =	strace s9  }
0x27: {  	s1 =	sld [smem:$0x3FA3]  }
0x28: {  	s2 =	sld [smem:$0x3FA4]  }
0x29: {  	s4 =	sld [smem:$0x3FA6]  }
0x2a: {  	p0 =	seq.s32 s5, $0x0;
	s5 =	sld [smem:$0x3FA7]  }
0x2b: {  	s6 =	sld [smem:$0x3FA8]  }
0x2c: {  	s7 =	sld [smem:$0x3FA9]  }
0x2d: {  	s3 =	simm.s32 $0x108;
	s8 =	sld [smem:$0x3FAA]  }
0x2e: {  	s3 =	simm.s32 @!p0 $0x1082;
	s9 =	sld [smem:$0x3FAB]  }
0x2f: {  	lr =	sadd.s32 s0, s3;
	s0 =	sld [smem:$0x3FA2]  }
0x30: {  	s3 =	sld [smem:$0x3FA5]  }
0x31: {  	[smem:$0x3FAE] =	sst s10  }
0x32: {  	s10 =	sld [smem:$0x3FAC];
	_ =	sdelay $0x3  }
0x33: {  	p0 =	seq.s32 s10, $0x1;
	s10 =	sld [smem:$0x3FAE];
	_ =	sdelay $0x3  }
0x34: {  	[smem:$0x3FAE] =	sst s10  }
0x35: {  	s10 =	sld [smem:$0x3FAD];
	_ =	sdelay $0x3  }
0x36: {  	p1 =	seq.s32 s10, $0x1;
	s10 =	sld [smem:$0x3FAE];
	_ =	sdelay $0x3  }
0x37: {  	[smem:$0x3FAE] =	sst s10  }
0x38: {  	s10 =	sld [smem:$0x3FAF]  }
0x39: {  	_ = 	snop;
	(pc) =	sbr.ind lr, $3  }
0x3a: {  	_ = 	snop  }
0x3b: {  	_ = 	snop  }
0x3c: {  	p2 =	seq.s32 s10, $0x1;
	s10 =	sld [smem:$0x3FAE]  }
0x3d: {  	_ =	shalt  }
0x3e: {  	_ =	shalt  }
0x3f: {  	_ =	shalt  }
0x40: {  	_ =	shalt  }
0x41: {  	_ =	shalt  }
0x42: {  	_ =	shalt  }
0x43: {  	_ =	shalt  }
0x44: {  	_ =	shalt  }
0x45: {  	_ =	shalt  }
0x46: {  	_ =	shalt  }
0x47: {  	_ =	shalt  }
0x48: {  	_ =	shalt  }
0x49: {  	_ =	shalt  }
0x4a: {  	_ =	shalt  }
0x4b: {  	_ =	shalt  }
0x4c: {  	_ =	shalt  }
0x4d: {  	_ =	shalt  }
0x4e: {  	_ =	shalt  }
0x4f: {  	_ =	shalt  }
0x50: {  	_ =	shalt  }
0x51: {  	_ =	shalt  }
0x52: {  	_ =	shalt  }
0x53: {  	_ =	shalt  }
0x54: {  	_ =	shalt  }
0x55: {  	_ =	shalt  }
0x56: {  	_ =	shalt  }
0x57: {  	_ =	shalt  }
0x58: {  	_ =	shalt  }
0x59: {  	_ =	shalt  }
0x5a: {  	_ =	shalt  }
0x5b: {  	_ =	shalt  }
0x5c: {  	_ =	shalt  }
0x5d: {  	_ =	shalt  }
0x5e: {  	_ =	shalt  }
0x5f: {  	_ =	shalt  }
0x60: {  	_ =	shalt  }
0x61: {  	_ =	shalt  }
0x62: {  	_ =	shalt  }
0x63: {  	_ =	shalt  }
0x64: {  	_ =	shalt  }
0x65: {  	_ =	shalt  }
0x66: {  	_ =	shalt  }
0x67: {  	_ =	shalt  }
0x68: {  	_ =	shalt  }
0x69: {  	_ =	shalt  }
0x6a: {  	_ =	shalt  }
0x6b: {  	_ =	shalt  }
0x6c: {  	_ =	shalt  }
0x6d: {  	_ =	shalt  }
0x6e: {  	_ =	shalt  }
0x6f: {  	_ =	shalt  }
0x70: {  	_ =	shalt  }
0x71: {  	_ =	shalt  }
0x72: {  	_ =	shalt  }
0x73: {  	_ =	shalt  }
0x74: {  	_ =	shalt  }
0x75: {  	_ =	shalt  }
0x76: {  	_ =	shalt  }
0x77: {  	_ =	shalt  }
0x78: {  	_ =	shalt  }
0x79: {  	_ =	shalt  }
0x7a: {  	_ =	shalt  }
0x7b: {  	_ =	shalt  }
0x7c: {  	_ =	shalt  }
0x7d: {  	_ =	shalt  }
0x7e: {  	_ =	shalt  }
0x7f: {  	_ =	shalt  }
0x80: {  	_ =	shalt  }
0x81: {  	_ =	shalt  }
0x82: {  	_ =	shalt  }
0x83: {  	_ =	shalt  }
0x84: {  	_ =	shalt  }
0x85: {  	_ =	shalt  }
0x86: {  	_ =	shalt  }
0x87: {  	_ =	shalt  }
.Lfunc_end0:
.L_simem_size_0:
called_computation_lowered:
.L_overlay_start_0:
0x88: {  	s2 =	sld [smem:$0x3FD9]  }
0x89: {  	s3 =	sld [smem:$0x3FFE];
	_ =	sdelay $0x1  }
0x8a: {  	s1 =	srdreg.scid  }
0x8b: {  	s0 =	sand.u32 $0x1, s1  }
0x8c: {  	s17 =	sshll.u32 s0, $0xA;
	s2 =	sadd.s32 s3, s2  }
0x8d: {  	s2 =	sadd.s32 s2, s17  }
0x8e: {  	[smem:$0x3FBA] =	sst s2  }
0x8f: {  	_ = 	snop  }
0x90: {  	s2 =	sld [smem:$0x3FD0];
	(tm) =	ssettm $0x1  }
0x91: {  	s18 =	sld [smem:$0x3FFB];
	_ =	sdelay $0x3  }
0x92: {  	_ =	strace s18  }
0x93: {  	s3 =	sld [smem:$0x3FFC];
	_ =	sdelay $0x3  }
0x94: {  	_ =	strace s3  }
0x95: {  	s3 =	sld [smem:$0x3FFD];
	_ =	sdelay $0x3  }
0x96: {  	_ =	strace s3  }
0x97: {  	_ =	strace $0x8FFFFFFF  }
0x98: {  	s19 =	sld [smem:$0x3FDB];
	_ =	sdelay $0x1  }
0x99: {  	s4 =	simm.s32 $_scs_section_size  }
0x9a: {  	s5 =	simm.s32 $_size__tile_overlayer_lowered;
	s6 =	simm.s32 $_tile_overlayer_lowered  }
0x9b: {  	s22 =	simm.s32 $0x1BFF;
	s21 =	sshll.u32 s6, $0x1;
	s3 =	sadd.s32 s4, s19  }
0x9c: {  	s7 =	simm.s32 $0x0;
	s20 =	sshll.u32 s5, $0x1;
	s5 =	sadd.s32 s21, s3  }
0x9d: {  	[timem:s7], [sflag:s22] =	dma.local [hbm:s5], s20  }
0x9e: {  	_ =	swait.ge [sflag:s22], s20  }
0x9f: {  	s4 =	ssub.s32 $0x0, s20;
	[sflag:s22] =	ssyncset.done $0x0  }
0xa0: {  	[sflag:s22] =	ssyncadd.s32 s4;
	_ =	sdelay $0x1  }
0xa1: {  	s23 =	simm.s32 $0x1B8B  }
0xa2: {  	_ =	swait.ge [sflag:s23], $0x1  }
0xa3: {  	[sflag:s23] =	ssyncset.done $0x0  }
0xa4: {  	s25 =	simm.s32 $0x1B8E;
	s24 =	sld [smem:$0x3FFE];
	[sflag:s23] =	ssyncadd.s32 $0xFFFFFFFF  }
0xa5: {  	s26 =	simm.s32 $execute0_lowered;
	[smem:$0x3FD2] =	sst s25  }
0xa6: {  	s5 =	sshll.u32 s26, $0x1;
	_ =	strace $0x80000046;
	[dreg:$0x1] =	wrdreg $0xFFFFFFFF  }
0xa7: {  	s28 =	simm.s32 $_size_execute0_lowered;
	s3 =	sadd.s32 s3, s5;
	[dreg:$0x0] =	wrdreg $0x0  }
0xa8: {  	s5 =	sshll.u32 s28, $0x1;
	[dreg:$0x2] =	wrdreg s3  }
0xa9: {  	[dreg:$0x3] =	wrdreg s5  }
0xaa: {  	[dreg:$0x4] =	wrdreg $0xC0  }
0xab: {  	_ =	task [dreg:s7], $0x5FFFF  }
0xac: {  	[dreg:$0x1] =	wrdreg $0xFFFFFFFF  }
0xad: {  	[dreg:$0x0] =	wrdreg $0x60  }
0xae: {  	[dreg:$0x2] =	wrdreg s24  }
0xaf: {  	[dreg:$0x3] =	wrdreg s2  }
0xb0: {  	[dreg:$0x4] =	wrdreg $0x90800  }
0xb1: {  	[dreg:$0x5] =	wrdreg $0x9  }
0xb2: {  	_ =	task.clear_ibuf [dreg:s7], $0x6FFFF;
	_ =	strace $0x90000046  }
0xb3: {  	s29 =	simm.s32 $0x9;
	_ =	strace $0x80000048  }
0xb4: {  	_ =	swait.ge [sflag:s29], $0x1  }
0xb5: {  	[sflag:s29] =	ssyncadd.s32 $0xFFFFFFFF  }
0xb6: {  	_ =	strace $0x90000048  }
0xb7: {  	_ =	sfence  }
0xb8: {  	s30 =	sld [smem:$0x0];
	_ =	sdelay $0x2  }
0xb9: {  	s31 =	sshll.u32 s1, $0xD;
	s1 =	sshrl.u32 s1, $0x2  }
0xba: {  	s3 =	sand.u32 $0x4000, s31;
	s1 =	sadd.s32 s1, s30  }
0xbb: {  	s0 =	sor.u32 s3, s0;
	s1 =	sshll.u32 s1, $0x11  }
0xbc: {  	s0 =	sor.u32 s1, s0  }
0xbd: {  	s0 =	sadd.s32 $0x8F2B, s0  }
0xbe: {  	[sflag:s0] =	ssyncadd.remote.s32 $0x1  }
0xbf: {  	_ =	sfence.sel $0xFFFF  }
0xc0: {  	[dreg:$0x0] =	wrdreg $0xFFFFFFFF;
	(pc) =	sbr.abs _section_cstart, $3  }
0xc1: {  	[dreg:$0x1] =	wrdreg $0xFFFFFFFF  }
0xc2: {  	_ =	task.clear_ibuf [dreg:s7], $0x2FFFF;
	_ =	strace $0x9FFFFFFF  }
0xc3: {  	(tm) =	ssettm $0x7FFFFFFF  }
tec
execute0_lowered:
.L_overlay_start_1:
0x0: {  	(tag) =	ssettag $0x1  }
0x1: {  	s7 =	rddreg [dreg:$0x0]  }
0x2: {  	s9 =	rddreg [dreg:$0x1]  }
0x3: {  	s2 =	rddreg [dreg:$0x2]  }
0x4: {  	s0 =	rddreg [dreg:$0x3]  }
0x5: {  	s1 =	stileid.u32;
	s3 =	simm.s32 $0x0;
	s4 =	srdreg.scid  }
0x6: {  	s17 =	simm.s32 $0x5080;
	s20 =	simm.s32 $0x0;
	s6 =	smul.u32 $0x500, s1  }
0x7: {  	[smem:$0x7FF] =	sst s3;
	s8 =	sand.u32 $0x1, s4;
	s10 =	smul.u32 $0x140, s1  }
0x8: {  	s4 =	sadd.s32 $0x4C00, s7;
	s5 =	sadd.s32 $0x2BE00, s7;
	s14 =	smul.u32 $0x28000, s1  }
0x9: {  	s31 =	sshll.u32 s1, $0x6;
	_ =	strace $0x80000047;
	s11 =	smul.u32 $0x1400, s8  }
0xa: {  	s29 =	ssub.s32 $0x2, s8;
	s18 =	smul.u32 $0x1388, s8;
	s12 =	sadd.s32 s6, s7  }
0xb: {  	s6 =	sadd.s32 $0x5D000, s7;
	s13 =	sshrl.u32 s29, $0x1;
	s30 =	sshrl.u32 s14, $0x2  }
0xc: {  	s14 =	sor.u32 $0x1C02, s31;
	s10 =	sadd.s32 s10, s11;
	s11 =	ssub.s32 s29, s13  }
0xd: {  	s8 =	sadd.s32 $0x53000, s12;
	s16 =	sadd.s32 s30, s2;
	s19 =	sadd.s32 $0x1388, s18  }
0xe: {  	s13 =	simm.s32 $0x2800;
	v0 =	vmov s18;
	s18 =	simm.s32 $0x1;
	s10 =	sshll.u32 s10, $0x4  }
0xf: {  	s11 =	smax.u32 s11, $0x1;
	v1 =	vmov s19;
	s19 =	simm.s32 $0x5000;
	s15 =	sadd.s32 s10, s7  }
0x10: {  	s7 =	sadd.s32 $0x58000, s12;
	s9 =	sadd.s32 s9, s10;
	s12 =	simm.s32 $0x2  }
0x11: {  	s10 =	sadd.s32 $0x5E400, s15;
	s15 =	sshrl.u32 s16, $0x3;
	s16 =	simm.s32 $0x80  }
.LBB2_1:
0x12: {  	[tilespmem:s3], [sflag:$0x2] =	stream.linear.gather [hbm4b:s7+s3], $0x2800, $0x38;
	[tilespmem:$0x13080] =	vst v63  }
0x13: {  	_ =	swait.ge [sflag:s12], $0x2800  }
0x14: {  	[sflag:s12] =	ssyncset.done $0x0  }
0x15: {  	[sflag:s12] =	ssyncadd.s32 $0xFFFFD800  }
0x16: {  	[tilespmem:s13], [sflag:$0x2] =	stream.linear.gather [hbm4b:s8+s3], $0x2800, $0x38;
	[tilespmem:$0x13080] =	vst v63  }
0x17: {  	_ =	swait.ge [sflag:s12], $0x2800  }
0x18: {  	[sflag:s12] =	ssyncset.done $0x0  }
0x19: {  	[sflag:s12] =	ssyncadd.s32 $0xFFFFD800  }
0x1a: {  	[spmem:s15], [sflag:s14] =	dma.local [hbm:s6], $0x1400  }
0x1b: {  	_ =	swait.ge [sflag:s12], $0x1400  }
0x1c: {  	[sflag:s12] =	ssyncset.done $0x0  }
0x1d: {  	[sflag:s12] =	ssyncadd.s32 $0xFFFFEC00  }
0x1e: {  	s21 =	simm.s32 $0x0;
	[bflag:$0x0] =	sbarrier.arrive $0xFFFF  }
0x1f: {  	v2 =	vld [tilespmem:s21+$0x2800];
	_ =	sdelay $0x4  }
0x20: {  	vm0 =	vge.s32 v2, v0;
	vm1 =	vlt.s32 v2, v1  }
0x21: {  	v2 =	vsub.s32 v2, v0;
	vm0 =	vmand vm0, vm1  }
0x22: {  	v2 =	vnsel vm0, $0x1388, v2  }
0x23: {  	[tilespmem:$0x5000] =	vst v2  }
0x24: {  	v2 =	vld [tilespmem:s21+$0x2810];
	_ =	sdelay $0x4  }
0x25: {  	vm14 =	vge.s32 v2, v0;
	vm15 =	vlt.s32 v2, v1  }
0x26: {  	v2 =	vsub.s32 v2, v0;
	vm0 =	vmand vm14, vm15  }
0x27: {  	v2 =	vnsel vm0, $0x1388, v2  }
0x28: {  	[tilespmem:$0x5010] =	vst v2  }
0x29: {  	v2 =	vld [tilespmem:s21+$0x2820];
	_ =	sdelay $0x4  }
0x2a: {  	vm4 =	vge.s32 v2, v0;
	vm5 =	vlt.s32 v2, v1  }
0x2b: {  	v2 =	vsub.s32 v2, v0;
	vm0 =	vmand vm4, vm5  }
0x2c: {  	v2 =	vnsel vm0, $0x1388, v2  }
0x2d: {  	[tilespmem:$0x5020] =	vst v2  }
0x2e: {  	v2 =	vld [tilespmem:s21+$0x2830];
	_ =	sdelay $0x4  }
0x2f: {  	vm6 =	vge.s32 v2, v0;
	vm7 =	vlt.s32 v2, v1  }
0x30: {  	v2 =	vsub.s32 v2, v0;
	vm0 =	vmand vm6, vm7  }
0x31: {  	v2 =	vnsel vm0, $0x1388, v2  }
0x32: {  	[tilespmem:$0x5030] =	vst v2  }
0x33: {  	v2 =	vld [tilespmem:s21+$0x2840];
	_ =	sdelay $0x4  }
0x34: {  	vm8 =	vge.s32 v2, v0;
	vm9 =	vlt.s32 v2, v1  }
0x35: {  	v2 =	vsub.s32 v2, v0;
	vm0 =	vmand vm8, vm9  }
0x36: {  	v2 =	vnsel vm0, $0x1388, v2  }
0x37: {  	[tilespmem:$0x5040] =	vst v2  }
0x38: {  	v2 =	vld [tilespmem:s21+$0x2850];
	_ =	sdelay $0x4  }
0x39: {  	vm10 =	vge.s32 v2, v0;
	vm11 =	vlt.s32 v2, v1  }
0x3a: {  	v2 =	vsub.s32 v2, v0;
	vm0 =	vmand vm10, vm11  }
0x3b: {  	v2 =	vnsel vm0, $0x1388, v2  }
0x3c: {  	[tilespmem:$0x5050] =	vst v2  }
0x3d: {  	v2 =	vld [tilespmem:s21+$0x2860];
	_ =	sdelay $0x4  }
0x3e: {  	vm12 =	vge.s32 v2, v0;
	vm13 =	vlt.s32 v2, v1  }
0x3f: {  	v2 =	vsub.s32 v2, v0;
	vm0 =	vmand vm12, vm13  }
0x40: {  	v2 =	vnsel vm0, $0x1388, v2  }
0x41: {  	[tilespmem:$0x5060] =	vst v2  }
0x42: {  	v2 =	vld [tilespmem:s21+$0x2870];
	_ =	sdelay $0x4  }
0x43: {  	vm14 =	vge.s32 v2, v0;
	vm15 =	vlt.s32 v2, v1  }
0x44: {  	v2 =	vsub.s32 v2, v0;
	vm0 =	vmand vm14, vm15  }
0x45: {  	v2 =	vnsel vm0, $0x1388, v2  }
0x46: {  	[tilespmem:$0x5070] =	vst v2  }
0x47: {  	[tilespmem:s17], [sflag:$0x1] =	stream.indirect.gather [hbm4b:s4+s16], $0x80, s21, s16, $0xb8;
	[tilespmem:$0x13080] =	vst v63  }
0x48: {  	_ =	swait.ge [sflag:s18], $0x4000  }
0x49: {  	[sflag:s18] =	ssyncset.done $0x0  }
0x4a: {  	[sflag:s18] =	ssyncadd.s32 $0xFFFFC000  }
0x4b: {  	[spmem:s2] =	stream.indirect.scatter.add.f32 [tilespmem:s17], [sflag:$0x2], $0x80, s19, s16, $0xb8;
	[tilespmem:$0x13080] =	vst v63  }
0x4c: {  	_ =	swait.ge [sflag:s12], $0x4000  }
0x4d: {  	s24 =	simm.s32 $0x400;
	s21 =	simm.s32 $0x200;
	[sflag:s12] =	ssyncset.done $0x0  }
.LBB2_2:
0x4e: {  	s23 =	sshra.s32 s21, $0x2  }
0x4f: {  	[sflag:s12] =	ssyncadd.s32 $0xFFFFC000;
	s21 =	smov.u32 s24;
	s22 =	sadd.s32 $0x200, s24  }
0x50: {  	p0 =	sne.s32 s24, $0x9E00;
	v2 =	vld [tilespmem:s23+$0x2800];
	_ =	sdelay $0x4  }
0x51: {  	vm0 =	vge.s32 v2, v0;
	vm1 =	vlt.s32 v2, v1  }
0x52: {  	v2 =	vsub.s32 v2, v0;
	vm0 =	vmand vm0, vm1  }
0x53: {  	v2 =	vnsel vm0, $0x1388, v2  }
0x54: {  	[tilespmem:$0x5000] =	vst v2  }
0x55: {  	v2 =	vld [tilespmem:s23+$0x2810];
	_ =	sdelay $0x4  }
0x56: {  	vm0 =	vge.s32 v2, v0;
	vm1 =	vlt.s32 v2, v1  }
0x57: {  	v2 =	vsub.s32 v2, v0;
	vm0 =	vmand vm0, vm1  }
0x58: {  	v2 =	vnsel vm0, $0x1388, v2  }
0x59: {  	[tilespmem:$0x5010] =	vst v2  }
0x5a: {  	v2 =	vld [tilespmem:s23+$0x2820];
	_ =	sdelay $0x4  }
0x5b: {  	vm0 =	vge.s32 v2, v0;
	vm1 =	vlt.s32 v2, v1  }
0x5c: {  	v2 =	vsub.s32 v2, v0;
	vm0 =	vmand vm0, vm1  }
0x5d: {  	v2 =	vnsel vm0, $0x1388, v2  }
0x5e: {  	[tilespmem:$0x5020] =	vst v2  }
0x5f: {  	v2 =	vld [tilespmem:s23+$0x2830];
	_ =	sdelay $0x4  }
0x60: {  	vm0 =	vge.s32 v2, v0;
	vm1 =	vlt.s32 v2, v1  }
0x61: {  	v2 =	vsub.s32 v2, v0;
	vm0 =	vmand vm0, vm1  }
0x62: {  	v2 =	vnsel vm0, $0x1388, v2  }
0x63: {  	[tilespmem:$0x5030] =	vst v2  }
0x64: {  	v2 =	vld [tilespmem:s23+$0x2840];
	_ =	sdelay $0x4  }
0x65: {  	vm0 =	vge.s32 v2, v0;
	vm1 =	vlt.s32 v2, v1  }
0x66: {  	v2 =	vsub.s32 v2, v0;
	vm0 =	vmand vm0, vm1  }
0x67: {  	v2 =	vnsel vm0, $0x1388, v2  }
0x68: {  	[tilespmem:$0x5040] =	vst v2  }
0x69: {  	v2 =	vld [tilespmem:s23+$0x2850];
	_ =	sdelay $0x4  }
0x6a: {  	vm0 =	vge.s32 v2, v0;
	vm1 =	vlt.s32 v2, v1  }
0x6b: {  	v2 =	vsub.s32 v2, v0;
	vm0 =	vmand vm0, vm1  }
0x6c: {  	v2 =	vnsel vm0, $0x1388, v2  }
0x6d: {  	[tilespmem:$0x5050] =	vst v2  }
0x6e: {  	v2 =	vld [tilespmem:s23+$0x2860];
	_ =	sdelay $0x4  }
0x6f: {  	vm0 =	vge.s32 v2, v0;
	vm1 =	vlt.s32 v2, v1  }
0x70: {  	v2 =	vsub.s32 v2, v0;
	vm0 =	vmand vm0, vm1  }
0x71: {  	v2 =	vnsel vm0, $0x1388, v2  }
0x72: {  	[tilespmem:$0x5060] =	vst v2  }
0x73: {  	v2 =	vld [tilespmem:s23+$0x2870];
	_ =	sdelay $0x4  }
0x74: {  	vm0 =	vge.s32 v2, v0;
	vm1 =	vlt.s32 v2, v1  }
0x75: {  	v2 =	vsub.s32 v2, v0;
	vm0 =	vmand vm0, vm1  }
0x76: {  	v2 =	vnsel vm0, $0x1388, v2  }
0x77: {  	[tilespmem:$0x5070] =	vst v2  }
0x78: {  	[tilespmem:s17], [sflag:$0x1] =	stream.indirect.gather [hbm4b:s4+s16], $0x80, s23, s16, $0xb8;
	[tilespmem:$0x13080] =	vst v63  }
0x79: {  	_ =	swait.ge [sflag:s18], $0x4000  }
.Ltmp0:
0x7a: {  	[sflag:s18] =	ssyncset.done $0x0;
	(pc) =	sbr.rel @p0 .LBB2_2-.Ltmp0, $4  }
0x7b: {  	[sflag:s18] =	ssyncadd.s32 $0xFFFFC000  }
0x7c: {  	[spmem:s2] =	stream.indirect.scatter.add.f32 [tilespmem:s17], [sflag:$0x2], $0x80, s19, s16, $0xb8;
	[tilespmem:$0x13080] =	vst v63  }
0x7d: {  	_ =	swait.ge [sflag:s12], $0x4000  }
0x7e: {  	s24 =	smov.u32 s22;
	[sflag:s12] =	ssyncset.done $0x0  }
0x7f: {  	s21 =	sshra.s32 s21, $0x2;
	[sflag:s12] =	ssyncadd.s32 $0xFFFFC000  }
0x80: {  	v2 =	vld [tilespmem:s21+$0x2800];
	_ =	sdelay $0x4  }
0x81: {  	vm0 =	vge.s32 v2, v0;
	vm1 =	vlt.s32 v2, v1  }
0x82: {  	v2 =	vsub.s32 v2, v0;
	vm0 =	vmand vm0, vm1  }
0x83: {  	v2 =	vnsel vm0, $0x1388, v2  }
0x84: {  	[tilespmem:$0x5000] =	vst v2  }
0x85: {  	v2 =	vld [tilespmem:s21+$0x2810];
	_ =	sdelay $0x4  }
0x86: {  	vm10 =	vge.s32 v2, v0;
	vm11 =	vlt.s32 v2, v1  }
0x87: {  	v2 =	vsub.s32 v2, v0;
	vm0 =	vmand vm10, vm11  }
0x88: {  	v2 =	vnsel vm0, $0x1388, v2  }
0x89: {  	[tilespmem:$0x5010] =	vst v2  }
0x8a: {  	v2 =	vld [tilespmem:s21+$0x2820];
	_ =	sdelay $0x4  }
0x8b: {  	vm12 =	vge.s32 v2, v0;
	vm13 =	vlt.s32 v2, v1  }
0x8c: {  	v2 =	vsub.s32 v2, v0;
	vm0 =	vmand vm12, vm13  }
0x8d: {  	v2 =	vnsel vm0, $0x1388, v2  }
0x8e: {  	[tilespmem:$0x5020] =	vst v2  }
0x8f: {  	v2 =	vld [tilespmem:s21+$0x2830];
	_ =	sdelay $0x4  }
0x90: {  	vm14 =	vge.s32 v2, v0;
	vm15 =	vlt.s32 v2, v1  }
0x91: {  	v2 =	vsub.s32 v2, v0;
	vm0 =	vmand vm14, vm15  }
0x92: {  	v2 =	vnsel vm0, $0x1388, v2  }
0x93: {  	[tilespmem:$0x5030] =	vst v2  }
0x94: {  	v2 =	vld [tilespmem:s21+$0x2840];
	_ =	sdelay $0x4  }
0x95: {  	vm4 =	vge.s32 v2, v0;
	vm5 =	vlt.s32 v2, v1  }
0x96: {  	v2 =	vsub.s32 v2, v0;
	vm0 =	vmand vm4, vm5  }
0x97: {  	v2 =	vnsel vm0, $0x1388, v2  }
0x98: {  	[tilespmem:$0x5040] =	vst v2  }
0x99: {  	v2 =	vld [tilespmem:s21+$0x2850];
	_ =	sdelay $0x4  }
0x9a: {  	vm6 =	vge.s32 v2, v0;
	vm7 =	vlt.s32 v2, v1  }
0x9b: {  	v2 =	vsub.s32 v2, v0;
	vm0 =	vmand vm6, vm7  }
0x9c: {  	v2 =	vnsel vm0, $0x1388, v2  }
0x9d: {  	[tilespmem:$0x5050] =	vst v2  }
0x9e: {  	v2 =	vld [tilespmem:s21+$0x2860];
	_ =	sdelay $0x4  }
0x9f: {  	vm8 =	vge.s32 v2, v0;
	vm9 =	vlt.s32 v2, v1  }
0xa0: {  	v2 =	vsub.s32 v2, v0;
	vm0 =	vmand vm8, vm9  }
0xa1: {  	v2 =	vnsel vm0, $0x1388, v2  }
0xa2: {  	[tilespmem:$0x5060] =	vst v2  }
0xa3: {  	v2 =	vld [tilespmem:s21+$0x2870];
	_ =	sdelay $0x4  }
0xa4: {  	vm10 =	vge.s32 v2, v0;
	vm11 =	vlt.s32 v2, v1  }
0xa5: {  	v2 =	vsub.s32 v2, v0;
	vm0 =	vmand vm10, vm11  }
0xa6: {  	v2 =	vnsel vm0, $0x1388, v2  }
0xa7: {  	[tilespmem:$0x5070] =	vst v2  }
0xa8: {  	[tilespmem:s17], [sflag:$0x1] =	stream.indirect.gather [hbm4b:s4+s16], $0x80, s21, s16, $0xb8;
	[tilespmem:$0x13080] =	vst v63  }
0xa9: {  	_ =	swait.ge [sflag:s18], $0x4000  }
0xaa: {  	[sflag:s18] =	ssyncset.done $0x0  }
0xab: {  	[sflag:s18] =	ssyncadd.s32 $0xFFFFC000  }
0xac: {  	[spmem:s2] =	stream.indirect.scatter.add.f32 [tilespmem:s17], [sflag:$0x2], $0x80, s19, s16, $0xb8;
	[tilespmem:$0x13080] =	vst v63  }
0xad: {  	_ =	swait.ge [sflag:s12], $0x4000  }
0xae: {  	[sflag:s12] =	ssyncset.done $0x0  }
0xaf: {  	[sflag:s12] =	ssyncadd.s32 $0xFFFFC000  }
0xb0: {  	[bflag:$0x0] =	sbarrier.arrive $0xFFFF  }
0xb1: {  	[hbm:s9], [sflag:s14] =	dma.local [spmem:s15], $0x1400  }
0xb2: {  	_ =	swait.ge [sflag:s12], $0x1400  }
0xb3: {  	[sflag:s12] =	ssyncset.done $0x0  }
0xb4: {  	[sflag:s12] =	ssyncadd.s32 $0xFFFFEC00  }
0xb5: {  	[bflag:$0x0] =	sbarrier.arrive $0xFFFF  }
0xb6: {  	[spmem:s15], [sflag:s14] =	dma.local [hbm:s6], $0x1400  }
0xb7: {  	_ =	swait.ge [sflag:s12], $0x1400  }
0xb8: {  	[sflag:s12] =	ssyncset.done $0x0  }
0xb9: {  	[sflag:s12] =	ssyncadd.s32 $0xFFFFEC00  }
0xba: {  	s31 =	simm.s32 $0x0;
	[bflag:$0x0] =	sbarrier.arrive $0xFFFF  }
0xbb: {  	v2 =	vld [tilespmem:s31+$0x2800];
	_ =	sdelay $0x4  }
0xbc: {  	vm12 =	vge.s32 v2, v0;
	vm13 =	vlt.s32 v2, v1  }
0xbd: {  	v2 =	vsub.s32 v2, v0;
	vm0 =	vmand vm12, vm13  }
0xbe: {  	v2 =	vnsel vm0, $0x1388, v2  }
0xbf: {  	[tilespmem:$0x5000] =	vst v2  }
0xc0: {  	v2 =	vld [tilespmem:s31+$0x2810];
	_ =	sdelay $0x4  }
0xc1: {  	vm14 =	vge.s32 v2, v0;
	vm15 =	vlt.s32 v2, v1  }
0xc2: {  	v2 =	vsub.s32 v2, v0;
	vm0 =	vmand vm14, vm15  }
0xc3: {  	v2 =	vnsel vm0, $0x1388, v2  }
0xc4: {  	[tilespmem:$0x5010] =	vst v2  }
0xc5: {  	v2 =	vld [tilespmem:s31+$0x2820];
	_ =	sdelay $0x4  }
0xc6: {  	vm4 =	vge.s32 v2, v0;
	vm5 =	vlt.s32 v2, v1  }
0xc7: {  	v2 =	vsub.s32 v2, v0;
	vm0 =	vmand vm4, vm5  }
0xc8: {  	v2 =	vnsel vm0, $0x1388, v2  }
0xc9: {  	[tilespmem:$0x5020] =	vst v2  }
0xca: {  	v2 =	vld [tilespmem:s31+$0x2830];
	_ =	sdelay $0x4  }
0xcb: {  	vm6 =	vge.s32 v2, v0;
	vm7 =	vlt.s32 v2, v1  }
0xcc: {  	v2 =	vsub.s32 v2, v0;
	vm0 =	vmand vm6, vm7  }
0xcd: {  	v2 =	vnsel vm0, $0x1388, v2  }
0xce: {  	[tilespmem:$0x5030] =	vst v2  }
0xcf: {  	v2 =	vld [tilespmem:s31+$0x2840];
	_ =	sdelay $0x4  }
0xd0: {  	vm8 =	vge.s32 v2, v0;
	vm9 =	vlt.s32 v2, v1  }
0xd1: {  	v2 =	vsub.s32 v2, v0;
	vm0 =	vmand vm8, vm9  }
0xd2: {  	v2 =	vnsel vm0, $0x1388, v2  }
0xd3: {  	[tilespmem:$0x5040] =	vst v2  }
0xd4: {  	v2 =	vld [tilespmem:s31+$0x2850];
	_ =	sdelay $0x4  }
0xd5: {  	vm10 =	vge.s32 v2, v0;
	vm11 =	vlt.s32 v2, v1  }
0xd6: {  	v2 =	vsub.s32 v2, v0;
	vm0 =	vmand vm10, vm11  }
0xd7: {  	v2 =	vnsel vm0, $0x1388, v2  }
0xd8: {  	[tilespmem:$0x5050] =	vst v2  }
0xd9: {  	v2 =	vld [tilespmem:s31+$0x2860];
	_ =	sdelay $0x4  }
0xda: {  	vm12 =	vge.s32 v2, v0;
	vm13 =	vlt.s32 v2, v1  }
0xdb: {  	v2 =	vsub.s32 v2, v0;
	vm0 =	vmand vm12, vm13  }
0xdc: {  	v2 =	vnsel vm0, $0x1388, v2  }
0xdd: {  	[tilespmem:$0x5060] =	vst v2  }
0xde: {  	v2 =	vld [tilespmem:s31+$0x2870];
	_ =	sdelay $0x4  }
0xdf: {  	vm14 =	vge.s32 v2, v0;
	vm15 =	vlt.s32 v2, v1  }
0xe0: {  	v2 =	vsub.s32 v2, v0;
	vm0 =	vmand vm14, vm15  }
0xe1: {  	v2 =	vnsel vm0, $0x1388, v2  }
0xe2: {  	[tilespmem:$0x5070] =	vst v2  }
0xe3: {  	[tilespmem:s17], [sflag:$0x1] =	stream.indirect.gather [hbm4b:s5+s16], $0x80, s31, s16, $0xb8;
	[tilespmem:$0x13080] =	vst v63  }
0xe4: {  	_ =	swait.ge [sflag:s18], $0x4000  }
0xe5: {  	[sflag:s18] =	ssyncset.done $0x0  }
0xe6: {  	[sflag:s18] =	ssyncadd.s32 $0xFFFFC000  }
0xe7: {  	[spmem:s2] =	stream.indirect.scatter.add.f32 [tilespmem:s17], [sflag:$0x2], $0x80, s19, s16, $0xb8;
	[tilespmem:$0x13080] =	vst v63  }
0xe8: {  	_ =	swait.ge [sflag:s12], $0x4000  }
0xe9: {  	s24 =	simm.s32 $0x400;
	s21 =	simm.s32 $0x200;
	[sflag:s12] =	ssyncset.done $0x0  }
.LBB2_4:
0xea: {  	s23 =	sshra.s32 s21, $0x2  }
0xeb: {  	[sflag:s12] =	ssyncadd.s32 $0xFFFFC000;
	s21 =	smov.u32 s24;
	s22 =	sadd.s32 $0x200, s24  }
0xec: {  	p0 =	sne.s32 s24, $0x9E00;
	v2 =	vld [tilespmem:s23+$0x2800];
	_ =	sdelay $0x4  }
0xed: {  	vm0 =	vge.s32 v2, v0;
	vm1 =	vlt.s32 v2, v1  }
0xee: {  	v2 =	vsub.s32 v2, v0;
	vm0 =	vmand vm0, vm1  }
0xef: {  	v2 =	vnsel vm0, $0x1388, v2  }
0xf0: {  	[tilespmem:$0x5000] =	vst v2  }
0xf1: {  	v2 =	vld [tilespmem:s23+$0x2810];
	_ =	sdelay $0x4  }
0xf2: {  	vm0 =	vge.s32 v2, v0;
	vm1 =	vlt.s32 v2, v1  }
0xf3: {  	v2 =	vsub.s32 v2, v0;
	vm0 =	vmand vm0, vm1  }
0xf4: {  	v2 =	vnsel vm0, $0x1388, v2  }
0xf5: {  	[tilespmem:$0x5010] =	vst v2  }
0xf6: {  	v2 =	vld [tilespmem:s23+$0x2820];
	_ =	sdelay $0x4  }
0xf7: {  	vm0 =	vge.s32 v2, v0;
	vm1 =	vlt.s32 v2, v1  }
0xf8: {  	v2 =	vsub.s32 v2, v0;
	vm0 =	vmand vm0, vm1  }
0xf9: {  	v2 =	vnsel vm0, $0x1388, v2  }
0xfa: {  	[tilespmem:$0x5020] =	vst v2  }
0xfb: {  	v2 =	vld [tilespmem:s23+$0x2830];
	_ =	sdelay $0x4  }
0xfc: {  	vm0 =	vge.s32 v2, v0;
	vm1 =	vlt.s32 v2, v1  }
0xfd: {  	v2 =	vsub.s32 v2, v0;
	vm0 =	vmand vm0, vm1  }
0xfe: {  	v2 =	vnsel vm0, $0x1388, v2  }
0xff: {  	[tilespmem:$0x5030] =	vst v2  }
0x100: {  	v2 =	vld [tilespmem:s23+$0x2840];
	_ =	sdelay $0x4  }
0x101: {  	vm0 =	vge.s32 v2, v0;
	vm1 =	vlt.s32 v2, v1  }
0x102: {  	v2 =	vsub.s32 v2, v0;
	vm0 =	vmand vm0, vm1  }
0x103: {  	v2 =	vnsel vm0, $0x1388, v2  }
0x104: {  	[tilespmem:$0x5040] =	vst v2  }
0x105: {  	v2 =	vld [tilespmem:s23+$0x2850];
	_ =	sdelay $0x4  }
0x106: {  	vm0 =	vge.s32 v2, v0;
	vm1 =	vlt.s32 v2, v1  }
0x107: {  	v2 =	vsub.s32 v2, v0;
	vm0 =	vmand vm0, vm1  }
0x108: {  	v2 =	vnsel vm0, $0x1388, v2  }
0x109: {  	[tilespmem:$0x5050] =	vst v2  }
0x10a: {  	v2 =	vld [tilespmem:s23+$0x2860];
	_ =	sdelay $0x4  }
0x10b: {  	vm0 =	vge.s32 v2, v0;
	vm1 =	vlt.s32 v2, v1  }
0x10c: {  	v2 =	vsub.s32 v2, v0;
	vm0 =	vmand vm0, vm1  }
0x10d: {  	v2 =	vnsel vm0, $0x1388, v2  }
0x10e: {  	[tilespmem:$0x5060] =	vst v2  }
0x10f: {  	v2 =	vld [tilespmem:s23+$0x2870];
	_ =	sdelay $0x4  }
0x110: {  	vm0 =	vge.s32 v2, v0;
	vm1 =	vlt.s32 v2, v1  }
0x111: {  	v2 =	vsub.s32 v2, v0;
	vm0 =	vmand vm0, vm1  }
0x112: {  	v2 =	vnsel vm0, $0x1388, v2  }
0x113: {  	[tilespmem:$0x5070] =	vst v2  }
0x114: {  	[tilespmem:s17], [sflag:$0x1] =	stream.indirect.gather [hbm4b:s5+s16], $0x80, s23, s16, $0xb8;
	[tilespmem:$0x13080] =	vst v63  }
0x115: {  	_ =	swait.ge [sflag:s18], $0x4000  }
.Ltmp1:
0x116: {  	[sflag:s18] =	ssyncset.done $0x0;
	(pc) =	sbr.rel @p0 .LBB2_4-.Ltmp1, $4  }
0x117: {  	[sflag:s18] =	ssyncadd.s32 $0xFFFFC000  }
0x118: {  	[spmem:s2] =	stream.indirect.scatter.add.f32 [tilespmem:s17], [sflag:$0x2], $0x80, s19, s16, $0xb8;
	[tilespmem:$0x13080] =	vst v63  }
0x119: {  	_ =	swait.ge [sflag:s12], $0x4000  }
0x11a: {  	s24 =	smov.u32 s22;
	[sflag:s12] =	ssyncset.done $0x0  }
0x11b: {  	s21 =	sshra.s32 s21, $0x2;
	[sflag:s12] =	ssyncadd.s32 $0xFFFFC000  }
0x11c: {  	v2 =	vld [tilespmem:s21+$0x2800];
	_ =	sdelay $0x4  }
0x11d: {  	vm0 =	vge.s32 v2, v0;
	vm1 =	vlt.s32 v2, v1  }
0x11e: {  	v2 =	vsub.s32 v2, v0;
	vm0 =	vmand vm0, vm1  }
0x11f: {  	v2 =	vnsel vm0, $0x1388, v2  }
0x120: {  	[tilespmem:$0x5000] =	vst v2  }
0x121: {  	v2 =	vld [tilespmem:s21+$0x2810];
	_ =	sdelay $0x4  }
0x122: {  	vm14 =	vge.s32 v2, v0;
	vm15 =	vlt.s32 v2, v1  }
0x123: {  	v2 =	vsub.s32 v2, v0;
	vm0 =	vmand vm14, vm15  }
0x124: {  	v2 =	vnsel vm0, $0x1388, v2  }
0x125: {  	[tilespmem:$0x5010] =	vst v2  }
0x126: {  	v2 =	vld [tilespmem:s21+$0x2820];
	_ =	sdelay $0x4  }
0x127: {  	vm4 =	vge.s32 v2, v0;
	vm5 =	vlt.s32 v2, v1  }
0x128: {  	v2 =	vsub.s32 v2, v0;
	vm0 =	vmand vm4, vm5  }
0x129: {  	v2 =	vnsel vm0, $0x1388, v2  }
0x12a: {  	[tilespmem:$0x5020] =	vst v2  }
0x12b: {  	v2 =	vld [tilespmem:s21+$0x2830];
	_ =	sdelay $0x4  }
0x12c: {  	vm6 =	vge.s32 v2, v0;
	vm7 =	vlt.s32 v2, v1  }
0x12d: {  	v2 =	vsub.s32 v2, v0;
	vm0 =	vmand vm6, vm7  }
0x12e: {  	v2 =	vnsel vm0, $0x1388, v2  }
0x12f: {  	[tilespmem:$0x5030] =	vst v2  }
0x130: {  	v2 =	vld [tilespmem:s21+$0x2840];
	_ =	sdelay $0x4  }
0x131: {  	vm8 =	vge.s32 v2, v0;
	vm9 =	vlt.s32 v2, v1  }
0x132: {  	v2 =	vsub.s32 v2, v0;
	vm0 =	vmand vm8, vm9  }
0x133: {  	v2 =	vnsel vm0, $0x1388, v2  }
0x134: {  	[tilespmem:$0x5040] =	vst v2  }
0x135: {  	v2 =	vld [tilespmem:s21+$0x2850];
	_ =	sdelay $0x4  }
0x136: {  	vm10 =	vge.s32 v2, v0;
	vm11 =	vlt.s32 v2, v1  }
0x137: {  	v2 =	vsub.s32 v2, v0;
	vm0 =	vmand vm10, vm11  }
0x138: {  	v2 =	vnsel vm0, $0x1388, v2  }
0x139: {  	[tilespmem:$0x5050] =	vst v2  }
0x13a: {  	v2 =	vld [tilespmem:s21+$0x2860];
	_ =	sdelay $0x4  }
0x13b: {  	vm12 =	vge.s32 v2, v0;
	vm13 =	vlt.s32 v2, v1  }
0x13c: {  	v2 =	vsub.s32 v2, v0;
	vm0 =	vmand vm12, vm13  }
0x13d: {  	v2 =	vnsel vm0, $0x1388, v2  }
0x13e: {  	[tilespmem:$0x5060] =	vst v2  }
0x13f: {  	v2 =	vld [tilespmem:s21+$0x2870];
	_ =	sdelay $0x4  }
0x140: {  	vm14 =	vge.s32 v2, v0;
	vm15 =	vlt.s32 v2, v1  }
0x141: {  	v2 =	vsub.s32 v2, v0;
	vm0 =	vmand vm14, vm15  }
0x142: {  	v2 =	vnsel vm0, $0x1388, v2  }
0x143: {  	[tilespmem:$0x5070] =	vst v2  }
0x144: {  	[tilespmem:s17], [sflag:$0x1] =	stream.indirect.gather [hbm4b:s5+s16], $0x80, s21, s16, $0xb8;
	[tilespmem:$0x13080] =	vst v63  }
0x145: {  	_ =	swait.ge [sflag:s18], $0x4000  }
0x146: {  	[sflag:s18] =	ssyncset.done $0x0  }
0x147: {  	[sflag:s18] =	ssyncadd.s32 $0xFFFFC000  }
0x148: {  	[spmem:s2] =	stream.indirect.scatter.add.f32 [tilespmem:s17], [sflag:$0x2], $0x80, s19, s16, $0xb8;
	[tilespmem:$0x13080] =	vst v63  }
0x149: {  	_ =	swait.ge [sflag:s12], $0x4000  }
0x14a: {  	[sflag:s12] =	ssyncset.done $0x0  }
0x14b: {  	s20 =	sadd.s32 $0x1, s20;
	[sflag:s12] =	ssyncadd.s32 $0xFFFFC000  }
0x14c: {  	p0 =	sne.s32 s20, s11;
	[bflag:$0x0] =	sbarrier.arrive $0xFFFF  }
0x14d: {  	[hbm:s10], [sflag:s14] =	dma.local [spmem:s15], $0x1400  }
.Ltmp2:
0x14e: {  	_ =	swait.ge [sflag:s12], $0x1400;
	(pc) =	sbr.rel @p0 .LBB2_1-.Ltmp2, $3  }
0x14f: {  	[sflag:s12] =	ssyncset.done $0x0  }
0x150: {  	[sflag:s12] =	ssyncadd.s32 $0xFFFFEC00  }
0x151: {  	[bflag:$0x0] =	sbarrier.arrive $0xFFFF;
	_ =	sdelay $0x1  }
0x152: {  	_ =	sfence.sel $0x180000  }
0x153: {  	[bflag:$0x0] =	sbarrier.arrive $0xFFFF  }
0x154: {  	p0 =	sne.s32 s1, $0x0;
	_ =	strace $0x90000047  }
0x155: {  	s0 =	sadd.s32 @!p0 $0x100000, s0;
	[bflag:$0x2] =	sbarrier.arrive $0xFFFF  }
0x156: {  	[sflag:s0] =	ssyncadd.tile.s32 @!p0 $0x1;
	_ =	shalt  }
.Lfunc_end2:
_tile_overlayer_lowered:
.L_overlay_start_2:
0x157: {  	(tag) =	ssettag $0x2  }
0x158: {  	s0 =	rddreg [dreg:$0x0];
	s2 =	stileid.u32  }
0x159: {  	s1 =	rddreg [dreg:$0x1];
	p0 =	sne.s32 s2, $0x0  }
0x15a: {  	s3 =	rddreg [dreg:$0x2];
	[bflag:$0x3] =	sbarrier.arrive $0xFFFF;
	s2 =	simm.s32 @!p0 $0x1C02  }
0x15b: {  	[timem:s3], [sflag:s2] =	dma.local @!p0 [hbm:s0], s1  }
0x15c: {  	s0 =	simm.s32 @!p0 $0x2  }
0x15d: {  	_ =	swait.ge @!p0 [sflag:s0], s1  }
0x15e: {  	s1 =	ssub.s32 @!p0 $0x0, s1;
	[sflag:s0] =	ssyncset.done @!p0 $0x0  }
0x15f: {  	[sflag:s0] =	ssyncadd.s32 @!p0 s1  }
0x160: {  	[bflag:$0x3] =	sbarrier.arrive $0xFFFF  }
0x161: {  	_ =	shalt  }

</sc_bundles>
